<compile_context>
chip_gen: v7x
topology: tpu7x:2x2x1
jax: 0.10.2.dev20260603
libtpu: 0.0.44.dev20260713+nightly
codegen_flags: <defaults>
</compile_context>

<pallas_src>
import functools

import jax
import jax.numpy as jnp
from jax import lax
from jax.experimental import pallas as pl
from jax.experimental.pallas import tpu as pltpu
from jax.experimental.pallas import tpu_sc as plsc

VOCAB = 100000
DIM = 128
BATCH = 4096
CTX = 20

NC = 2
NS = 16
NW = NC * NS
B_PER_W = BATCH // NW
CH = 32
NCH = B_PER_W // CH
LANES = 16

VB = 1000
NVT = VOCAB // VB


def _sc_avg_body(idx_hbm, table_hbm, out_hbm, idx_v, rows_v, acc_v, sem):
    wid = lax.axis_index("s") * NC + lax.axis_index("c")
    base = wid * B_PER_W

    def chunk_body(ch, carry):
        pltpu.sync_copy(idx_hbm.at[wid, ch], idx_v)
        handles = [
            pltpu.async_copy(table_hbm.at[idx_v.at[t]], rows_v.at[t], sem)
            for t in range(CTX)
        ]
        for h in handles:
            h.wait()

        def row_body(r, c2):
            for d in range(DIM // LANES):
                sl = pl.ds(d * LANES, LANES)
                a = rows_v[0, r, sl]
                for t in range(1, CTX):
                    a = a + rows_v[t, r, sl]
                acc_v[r, sl] = a * (1.0 / CTX)
            return c2

        lax.fori_loop(0, CH, row_body, 0)
        pltpu.sync_copy(acc_v, out_hbm.at[pl.ds(base + ch * CH, CH)])
        return carry

    lax.fori_loop(0, NCH, chunk_body, 0)


_sc_avg = functools.partial(
    pl.kernel,
    mesh=plsc.VectorSubcoreMesh(core_axis_name="c", subcore_axis_name="s"),
    out_type=jax.ShapeDtypeStruct((BATCH, DIM), jnp.float32),
    scratch_types=[
        pltpu.VMEM((CTX, CH), jnp.int32),
        pltpu.VMEM((CTX, CH, DIM), jnp.float32),
        pltpu.VMEM((CH, DIM), jnp.float32),
        pltpu.SemaphoreType.DMA,
    ],
)(_sc_avg_body)


NSL = 2
SB = BATCH // NSL


def _tc_body(wt_ref, b_ref, avgt_ref, out_ref, s_ref):
    s = pl.program_id(0)
    v = pl.program_id(1)

    @pl.when((s == 0) & (v == 0))
    def _init():
        s_ref[...] = jnp.zeros_like(s_ref)

    def _dot(lo):
        return lax.dot_general(
            wt_ref[...], avgt_ref[:, lo:lo + SB], (((1,), (0,)), ((), ())),
            preferred_element_type=jnp.float32,
        )

    def _acc(lo):
        e16 = jnp.exp(_dot(lo)).astype(jnp.bfloat16)
        eb = jnp.exp(b_ref[...]).astype(jnp.bfloat16)
        s_ref[:, lo:lo + SB] += lax.dot_general(
            eb, e16, (((0,), (0,)), ((), ())),
            preferred_element_type=jnp.float32,
        )

    for si in range(NSL + 1):
        @pl.when(s == si)
        def _seg(si=si):
            if si > 0:
                lo = (si - 1) * SB

                @pl.when(v == 0)
                def _fin():
                    s_ref[:, lo:lo + SB] = jnp.log(s_ref[:, lo:lo + SB])
            if si < NSL:
                _acc(si * SB)
            if si > 0:
                out_ref[...] = (_dot(lo) + b_ref[...]) - s_ref[:, lo:lo + SB]


def kernel(context_words, emb_table, W, b):
    idx4 = (
        context_words.astype(jnp.int32)
        .reshape(NW, NCH, CH, CTX)
        .transpose(0, 1, 3, 2)
    )
    avg = _sc_avg(idx4, emb_table)

    wt16 = W.T.astype(jnp.bfloat16)
    avgt16 = avg.T.astype(jnp.bfloat16)
    b2 = b.reshape(VOCAB, 1)
    out_t = pl.pallas_call(
        _tc_body,
        grid=(NSL + 1, NVT),
        in_specs=[
            pl.BlockSpec((VB, DIM), lambda s, v: (v, 0)),
            pl.BlockSpec((VB, 1), lambda s, v: (v, 0)),
            pl.BlockSpec((DIM, BATCH), lambda s, v: (0, 0)),
        ],
        out_specs=pl.BlockSpec(
            (VB, SB),
            lambda s, v: (jnp.where(s == 0, 0, v), jnp.maximum(s - 1, 0)),
        ),
        out_shape=jax.ShapeDtypeStruct((VOCAB, BATCH), jnp.float32),
        scratch_shapes=[
            pltpu.VMEM((1, BATCH), jnp.float32),
        ],
        compiler_params=pltpu.CompilerParams(
            dimension_semantics=("arbitrary", "arbitrary"),
            vmem_limit_bytes=66_000_000,
        ),
    )(wt16, b2, avgt16)
    return out_t.T

# --- scband reference (transcript-rebuilt; emitter-appended) ---
"""Pipeline reference for scband-cbowmodel-10015863734999 (READ-ONLY COPY).

The authoritative reference and input builder live on the scoring server;
editing this copy changes nothing except your own understanding.
"""

import jax, jax.numpy as jnp
import numpy as np

VOCAB = 100000
DIM = 128
BATCH = 4096
CTX = 20

def setup_inputs(seed: int = 0) -> dict:
    key = jax.random.key(seed)
    k1, k2, k3, k4 = jax.random.split(key, 4)
    context_words = jax.random.randint(k1, (BATCH, CTX), 0, VOCAB, dtype=jnp.int64 if jax.config.jax_enable_x64 else jnp.int32).astype(jnp.int32)
    emb_table = jax.random.normal(k2, (VOCAB, DIM), dtype=jnp.float32) * 0.02
    W = jax.random.normal(k3, (DIM, VOCAB), dtype=jnp.float32) * (1.0 / np.sqrt(DIM))
    b = jnp.zeros((VOCAB,), dtype=jnp.float32)
    return {"context_words": context_words, "emb_table": emb_table, "W": W, "b": b}

def reference(context_words, emb_table, W, b):
    # embedding gather: [B, CTX, DIM]
    embeds = jnp.take(emb_table, context_words, axis=0)
    # mean over context window: [B, DIM]
    avg_embeds = jnp.mean(embeds, axis=1)
    # linear projection to vocab: [B, VOCAB]
    out = avg_embeds @ W + b
    # log softmax over vocab
    log_probs = jax.nn.log_softmax(out, axis=1)
    return log_probs

if __name__ == "__main__":
    import jax
    _d = setup_inputs()
    print(jax.jit(kernel)(*tuple(_d.values())))

</pallas_src>

<mosaic_0001>
#map = affine_map<(d0, d1) -> (0, 0, 0, 0)>
#map1 = affine_map<(d0, d1) -> (0, 0)>
module attributes {stable_mosaic.version = 14 : i64} {
  func.func @_sc_avg_body(%arg0: i32, %arg1: i32, %arg2: memref<32x4x20x32xi32, #tpu.memory_space<hbm>>, %arg3: memref<100000x128xf32, #tpu.memory_space<hbm>>, %arg4: memref<4096x128xf32, #tpu.memory_space<hbm>>, %arg5: memref<20x32xi32, #tpu.memory_space<vmem>>, %arg6: memref<20x32x128xf32, #tpu.memory_space<vmem>>, %arg7: memref<32x128xf32, #tpu.memory_space<vmem>>, %arg8: memref<!tpu.dma_semaphore, #tpu.memory_space<semaphore_mem>>) attributes {dimension_semantics = [#tpu.dimension_semantics<core_parallel>, #tpu.dimension_semantics<subcore_parallel>], iteration_bounds = array<i64: 2, 16>, scalar_prefetch = 0 : i64, scratch_operands = 4 : i64, tpu.core_type = #tpu.core_type<sc_vector_subcore>, window_params = [{transform_indices = #map}, {transform_indices = #map1}, {transform_indices = #map1}]} {
    %mul3A = arith.constant 2 : i32
    %mul3A_0 = arith.muli %arg1, %mul3A : i32
    %add3A = arith.addi %mul3A_0, %arg0 : i32
    %mul3A_1 = arith.constant 128 : i32
    %mul3A_2 = arith.muli %add3A, %mul3A_1 : i32
    %scan3A = arith.constant 0 : i32
    %scan3A_3 = arith.constant 0 : i32
    %scan3A_4 = arith.constant 4 : i32
    %scan3A_5 = arith.addi %scan3A_3, %scan3A_4 : i32
    %scan3A_6 = arith.constant 1 : i32
    scf.for %scan3A_8 = %scan3A_3 to %scan3A_5 step %scan3A_6  : i32 {
      "tpu.region"() ({
        %run_scoped3A = tpu.sem_alloc : memref<!tpu.dma_semaphore, #tpu.memory_space<semaphore_mem>>
        %dma_start3A_496 = arith.constant 0 : i32
        %dma_start3A_497 = arith.constant 0 : i32
        %dma_start3A_498 = tpu.memref_slice %arg2[%add3A, %scan3A_8, %dma_start3A_496, %dma_start3A_497] : memref<32x4x20x32xi32, #tpu.memory_space<hbm>> -> memref<1x1x20x32xi32, #tpu.memory_space<hbm>>
        %dma_start3A_499 = tpu.memref_squeeze %dma_start3A_498 : memref<1x1x20x32xi32, #tpu.memory_space<hbm>> -> memref<20x32xi32, #tpu.memory_space<hbm>>
        %dma_start3A_500 = arith.constant 0 : i32
        %dma_start3A_501 = arith.constant 0 : i32
        %dma_start3A_502 = tpu.memref_slice %arg2[%add3A, %scan3A_8, %dma_start3A_500, %dma_start3A_501] : memref<32x4x20x32xi32, #tpu.memory_space<hbm>> -> memref<1x1x20x32xi32, #tpu.memory_space<hbm>>
        %dma_start3A_503 = tpu.memref_squeeze %dma_start3A_502 : memref<1x1x20x32xi32, #tpu.memory_space<hbm>> -> memref<20x32xi32, #tpu.memory_space<hbm>>
        tpu.enqueue_dma source(%dma_start3A_503 : memref<20x32xi32, #tpu.memory_space<hbm>>) target(%arg5 : memref<20x32xi32, #tpu.memory_space<vmem>>) target_semaphore(%run_scoped3A : memref<!tpu.dma_semaphore, #tpu.memory_space<semaphore_mem>>)
        %dma_wait3A_504 = arith.constant 0 : i32
        %dma_wait3A_505 = arith.constant 0 : i32
        %dma_wait3A_506 = tpu.memref_slice %arg2[%add3A, %scan3A_8, %dma_wait3A_504, %dma_wait3A_505] : memref<32x4x20x32xi32, #tpu.memory_space<hbm>> -> memref<1x1x20x32xi32, #tpu.memory_space<hbm>>
        %dma_wait3A_507 = tpu.memref_squeeze %dma_wait3A_506 : memref<1x1x20x32xi32, #tpu.memory_space<hbm>> -> memref<20x32xi32, #tpu.memory_space<hbm>>
        %dma_wait3A_508 = arith.constant 0 : i32
        %dma_wait3A_509 = arith.constant 0 : i32
        %dma_wait3A_510 = tpu.memref_slice %arg2[%add3A, %scan3A_8, %dma_wait3A_508, %dma_wait3A_509] : memref<32x4x20x32xi32, #tpu.memory_space<hbm>> -> memref<1x1x20x32xi32, #tpu.memory_space<hbm>>
        %dma_wait3A_511 = tpu.memref_squeeze %dma_wait3A_510 : memref<1x1x20x32xi32, #tpu.memory_space<hbm>> -> memref<20x32xi32, #tpu.memory_space<hbm>>
        tpu.wait_dma2 semaphore(%run_scoped3A : memref<!tpu.dma_semaphore, #tpu.memory_space<semaphore_mem>>) src(%dma_wait3A_511 : memref<20x32xi32, #tpu.memory_space<hbm>>) dst(%arg5 : memref<20x32xi32, #tpu.memory_space<vmem>>)
        tpu.yield
      }) : () -> ()
      %dma_start3A = arith.constant 0 : i32
      %dma_start3A_9 = arith.constant 0 : i32
      %dma_start3A_10 = arith.constant 0 : i32
      %dma_start3A_11 = arith.constant 0 : i32
      %dma_start3A_12 = tpu.memref_slice %arg6[%dma_start3A_9, %dma_start3A_10, %dma_start3A_11] : memref<20x32x128xf32, #tpu.memory_space<vmem>> -> memref<1x32x128xf32, #tpu.memory_space<vmem>>
      %dma_start3A_13 = tpu.memref_squeeze %dma_start3A_12 : memref<1x32x128xf32, #tpu.memory_space<vmem>> -> memref<32x128xf32, #tpu.memory_space<vmem>>
      %dma_start3A_14 = arith.constant 0 : i32
      %dma_start3A_15 = tpu.memref_slice %arg5[%dma_start3A, %dma_start3A_14] : memref<20x32xi32, #tpu.memory_space<vmem>> -> memref<1x32xi32, #tpu.memory_space<vmem>>
      %dma_start3A_16 = tpu.memref_squeeze %dma_start3A_15 : memref<1x32xi32, #tpu.memory_space<vmem>> -> memref<32xi32, #tpu.memory_space<vmem>>
      %dma_start3A_17 = arith.constant 0 : i32
      %dma_start3A_18 = arith.constant 0 : i32
      %dma_start3A_19 = tpu.memref_slice %arg3[%dma_start3A_17, %dma_start3A_18] : memref<100000x128xf32, #tpu.memory_space<hbm>> -> memref<100000x128xf32, #tpu.memory_space<hbm>>
      tpu.enqueue_indirect_dma source(%dma_start3A_19 : memref<100000x128xf32, #tpu.memory_space<hbm>>) target(%dma_start3A_13 : memref<32x128xf32, #tpu.memory_space<vmem>>) offsets(%dma_start3A_16 : memref<32xi32, #tpu.memory_space<vmem>>) semaphore(%arg8 : memref<!tpu.dma_semaphore, #tpu.memory_space<semaphore_mem>>)
      %dma_start3A_20 = arith.constant 1 : i32
      %dma_start3A_21 = arith.constant 1 : i32
      %dma_start3A_22 = arith.constant 0 : i32
      %dma_start3A_23 = arith.constant 0 : i32
      %dma_start3A_24 = tpu.memref_slice %arg6[%dma_start3A_21, %dma_start3A_22, %dma_start3A_23] : memref<20x32x128xf32, #tpu.memory_space<vmem>> -> memref<1x32x128xf32, #tpu.memory_space<vmem>>
      %dma_start3A_25 = tpu.memref_squeeze %dma_start3A_24 : memref<1x32x128xf32, #tpu.memory_space<vmem>> -> memref<32x128xf32, #tpu.memory_space<vmem>>
      %dma_start3A_26 = arith.constant 0 : i32
      %dma_start3A_27 = tpu.memref_slice %arg5[%dma_start3A_20, %dma_start3A_26] : memref<20x32xi32, #tpu.memory_space<vmem>> -> memref<1x32xi32, #tpu.memory_space<vmem>>
      %dma_start3A_28 = tpu.memref_squeeze %dma_start3A_27 : memref<1x32xi32, #tpu.memory_space<vmem>> -> memref<32xi32, #tpu.memory_space<vmem>>
      %dma_start3A_29 = arith.constant 0 : i32
      %dma_start3A_30 = arith.constant 0 : i32
      %dma_start3A_31 = tpu.memref_slice %arg3[%dma_start3A_29, %dma_start3A_30] : memref<100000x128xf32, #tpu.memory_space<hbm>> -> memref<100000x128xf32, #tpu.memory_space<hbm>>
      tpu.enqueue_indirect_dma source(%dma_start3A_31 : memref<100000x128xf32, #tpu.memory_space<hbm>>) target(%dma_start3A_25 : memref<32x128xf32, #tpu.memory_space<vmem>>) offsets(%dma_start3A_28 : memref<32xi32, #tpu.memory_space<vmem>>) semaphore(%arg8 : memref<!tpu.dma_semaphore, #tpu.memory_space<semaphore_mem>>)
      %dma_start3A_32 = arith.constant 2 : i32
      %dma_start3A_33 = arith.constant 2 : i32
      %dma_start3A_34 = arith.constant 0 : i32
      %dma_start3A_35 = arith.constant 0 : i32
      %dma_start3A_36 = tpu.memref_slice %arg6[%dma_start3A_33, %dma_start3A_34, %dma_start3A_35] : memref<20x32x128xf32, #tpu.memory_space<vmem>> -> memref<1x32x128xf32, #tpu.memory_space<vmem>>
      %dma_start3A_37 = tpu.memref_squeeze %dma_start3A_36 : memref<1x32x128xf32, #tpu.memory_space<vmem>> -> memref<32x128xf32, #tpu.memory_space<vmem>>
      %dma_start3A_38 = arith.constant 0 : i32
      %dma_start3A_39 = tpu.memref_slice %arg5[%dma_start3A_32, %dma_start3A_38] : memref<20x32xi32, #tpu.memory_space<vmem>> -> memref<1x32xi32, #tpu.memory_space<vmem>>
      %dma_start3A_40 = tpu.memref_squeeze %dma_start3A_39 : memref<1x32xi32, #tpu.memory_space<vmem>> -> memref<32xi32, #tpu.memory_space<vmem>>
      %dma_start3A_41 = arith.constant 0 : i32
      %dma_start3A_42 = arith.constant 0 : i32
      %dma_start3A_43 = tpu.memref_slice %arg3[%dma_start3A_41, %dma_start3A_42] : memref<100000x128xf32, #tpu.memory_space<hbm>> -> memref<100000x128xf32, #tpu.memory_space<hbm>>
      tpu.enqueue_indirect_dma source(%dma_start3A_43 : memref<100000x128xf32, #tpu.memory_space<hbm>>) target(%dma_start3A_37 : memref<32x128xf32, #tpu.memory_space<vmem>>) offsets(%dma_start3A_40 : memref<32xi32, #tpu.memory_space<vmem>>) semaphore(%arg8 : memref<!tpu.dma_semaphore, #tpu.memory_space<semaphore_mem>>)
      %dma_start3A_44 = arith.constant 3 : i32
      %dma_start3A_45 = arith.constant 3 : i32
      %dma_start3A_46 = arith.constant 0 : i32
      %dma_start3A_47 = arith.constant 0 : i32
      %dma_start3A_48 = tpu.memref_slice %arg6[%dma_start3A_45, %dma_start3A_46, %dma_start3A_47] : memref<20x32x128xf32, #tpu.memory_space<vmem>> -> memref<1x32x128xf32, #tpu.memory_space<vmem>>
      %dma_start3A_49 = tpu.memref_squeeze %dma_start3A_48 : memref<1x32x128xf32, #tpu.memory_space<vmem>> -> memref<32x128xf32, #tpu.memory_space<vmem>>
      %dma_start3A_50 = arith.constant 0 : i32
      %dma_start3A_51 = tpu.memref_slice %arg5[%dma_start3A_44, %dma_start3A_50] : memref<20x32xi32, #tpu.memory_space<vmem>> -> memref<1x32xi32, #tpu.memory_space<vmem>>
      %dma_start3A_52 = tpu.memref_squeeze %dma_start3A_51 : memref<1x32xi32, #tpu.memory_space<vmem>> -> memref<32xi32, #tpu.memory_space<vmem>>
      %dma_start3A_53 = arith.constant 0 : i32
      %dma_start3A_54 = arith.constant 0 : i32
      %dma_start3A_55 = tpu.memref_slice %arg3[%dma_start3A_53, %dma_start3A_54] : memref<100000x128xf32, #tpu.memory_space<hbm>> -> memref<100000x128xf32, #tpu.memory_space<hbm>>
      tpu.enqueue_indirect_dma source(%dma_start3A_55 : memref<100000x128xf32, #tpu.memory_space<hbm>>) target(%dma_start3A_49 : memref<32x128xf32, #tpu.memory_space<vmem>>) offsets(%dma_start3A_52 : memref<32xi32, #tpu.memory_space<vmem>>) semaphore(%arg8 : memref<!tpu.dma_semaphore, #tpu.memory_space<semaphore_mem>>)
      %dma_start3A_56 = arith.constant 4 : i32
      %dma_start3A_57 = arith.constant 4 : i32
      %dma_start3A_58 = arith.constant 0 : i32
      %dma_start3A_59 = arith.constant 0 : i32
      %dma_start3A_60 = tpu.memref_slice %arg6[%dma_start3A_57, %dma_start3A_58, %dma_start3A_59] : memref<20x32x128xf32, #tpu.memory_space<vmem>> -> memref<1x32x128xf32, #tpu.memory_space<vmem>>
      %dma_start3A_61 = tpu.memref_squeeze %dma_start3A_60 : memref<1x32x128xf32, #tpu.memory_space<vmem>> -> memref<32x128xf32, #tpu.memory_space<vmem>>
      %dma_start3A_62 = arith.constant 0 : i32
      %dma_start3A_63 = tpu.memref_slice %arg5[%dma_start3A_56, %dma_start3A_62] : memref<20x32xi32, #tpu.memory_space<vmem>> -> memref<1x32xi32, #tpu.memory_space<vmem>>
      %dma_start3A_64 = tpu.memref_squeeze %dma_start3A_63 : memref<1x32xi32, #tpu.memory_space<vmem>> -> memref<32xi32, #tpu.memory_space<vmem>>
      %dma_start3A_65 = arith.constant 0 : i32
      %dma_start3A_66 = arith.constant 0 : i32
      %dma_start3A_67 = tpu.memref_slice %arg3[%dma_start3A_65, %dma_start3A_66] : memref<100000x128xf32, #tpu.memory_space<hbm>> -> memref<100000x128xf32, #tpu.memory_space<hbm>>
      tpu.enqueue_indirect_dma source(%dma_start3A_67 : memref<100000x128xf32, #tpu.memory_space<hbm>>) target(%dma_start3A_61 : memref<32x128xf32, #tpu.memory_space<vmem>>) offsets(%dma_start3A_64 : memref<32xi32, #tpu.memory_space<vmem>>) semaphore(%arg8 : memref<!tpu.dma_semaphore, #tpu.memory_space<semaphore_mem>>)
      %dma_start3A_68 = arith.constant 5 : i32
      %dma_start3A_69 = arith.constant 5 : i32
      %dma_start3A_70 = arith.constant 0 : i32
      %dma_start3A_71 = arith.constant 0 : i32
      %dma_start3A_72 = tpu.memref_slice %arg6[%dma_start3A_69, %dma_start3A_70, %dma_start3A_71] : memref<20x32x128xf32, #tpu.memory_space<vmem>> -> memref<1x32x128xf32, #tpu.memory_space<vmem>>
      %dma_start3A_73 = tpu.memref_squeeze %dma_start3A_72 : memref<1x32x128xf32, #tpu.memory_space<vmem>> -> memref<32x128xf32, #tpu.memory_space<vmem>>
      %dma_start3A_74 = arith.constant 0 : i32
      %dma_start3A_75 = tpu.memref_slice %arg5[%dma_start3A_68, %dma_start3A_74] : memref<20x32xi32, #tpu.memory_space<vmem>> -> memref<1x32xi32, #tpu.memory_space<vmem>>
      %dma_start3A_76 = tpu.memref_squeeze %dma_start3A_75 : memref<1x32xi32, #tpu.memory_space<vmem>> -> memref<32xi32, #tpu.memory_space<vmem>>
      %dma_start3A_77 = arith.constant 0 : i32
      %dma_start3A_78 = arith.constant 0 : i32
      %dma_start3A_79 = tpu.memref_slice %arg3[%dma_start3A_77, %dma_start3A_78] : memref<100000x128xf32, #tpu.memory_space<hbm>> -> memref<100000x128xf32, #tpu.memory_space<hbm>>
      tpu.enqueue_indirect_dma source(%dma_start3A_79 : memref<100000x128xf32, #tpu.memory_space<hbm>>) target(%dma_start3A_73 : memref<32x128xf32, #tpu.memory_space<vmem>>) offsets(%dma_start3A_76 : memref<32xi32, #tpu.memory_space<vmem>>) semaphore(%arg8 : memref<!tpu.dma_semaphore, #tpu.memory_space<semaphore_mem>>)
      %dma_start3A_80 = arith.constant 6 : i32
      %dma_start3A_81 = arith.constant 6 : i32
      %dma_start3A_82 = arith.constant 0 : i32
      %dma_start3A_83 = arith.constant 0 : i32
      %dma_start3A_84 = tpu.memref_slice %arg6[%dma_start3A_81, %dma_start3A_82, %dma_start3A_83] : memref<20x32x128xf32, #tpu.memory_space<vmem>> -> memref<1x32x128xf32, #tpu.memory_space<vmem>>
      %dma_start3A_85 = tpu.memref_squeeze %dma_start3A_84 : memref<1x32x128xf32, #tpu.memory_space<vmem>> -> memref<32x128xf32, #tpu.memory_space<vmem>>
      %dma_start3A_86 = arith.constant 0 : i32
      %dma_start3A_87 = tpu.memref_slice %arg5[%dma_start3A_80, %dma_start3A_86] : memref<20x32xi32, #tpu.memory_space<vmem>> -> memref<1x32xi32, #tpu.memory_space<vmem>>
      %dma_start3A_88 = tpu.memref_squeeze %dma_start3A_87 : memref<1x32xi32, #tpu.memory_space<vmem>> -> memref<32xi32, #tpu.memory_space<vmem>>
      %dma_start3A_89 = arith.constant 0 : i32
      %dma_start3A_90 = arith.constant 0 : i32
      %dma_start3A_91 = tpu.memref_slice %arg3[%dma_start3A_89, %dma_start3A_90] : memref<100000x128xf32, #tpu.memory_space<hbm>> -> memref<100000x128xf32, #tpu.memory_space<hbm>>
      tpu.enqueue_indirect_dma source(%dma_start3A_91 : memref<100000x128xf32, #tpu.memory_space<hbm>>) target(%dma_start3A_85 : memref<32x128xf32, #tpu.memory_space<vmem>>) offsets(%dma_start3A_88 : memref<32xi32, #tpu.memory_space<vmem>>) semaphore(%arg8 : memref<!tpu.dma_semaphore, #tpu.memory_space<semaphore_mem>>)
      %dma_start3A_92 = arith.constant 7 : i32
      %dma_start3A_93 = arith.constant 7 : i32
      %dma_start3A_94 = arith.constant 0 : i32
      %dma_start3A_95 = arith.constant 0 : i32
      %dma_start3A_96 = tpu.memref_slice %arg6[%dma_start3A_93, %dma_start3A_94, %dma_start3A_95] : memref<20x32x128xf32, #tpu.memory_space<vmem>> -> memref<1x32x128xf32, #tpu.memory_space<vmem>>
      %dma_start3A_97 = tpu.memref_squeeze %dma_start3A_96 : memref<1x32x128xf32, #tpu.memory_space<vmem>> -> memref<32x128xf32, #tpu.memory_space<vmem>>
      %dma_start3A_98 = arith.constant 0 : i32
      %dma_start3A_99 = tpu.memref_slice %arg5[%dma_start3A_92, %dma_start3A_98] : memref<20x32xi32, #tpu.memory_space<vmem>> -> memref<1x32xi32, #tpu.memory_space<vmem>>
      %dma_start3A_100 = tpu.memref_squeeze %dma_start3A_99 : memref<1x32xi32, #tpu.memory_space<vmem>> -> memref<32xi32, #tpu.memory_space<vmem>>
      %dma_start3A_101 = arith.constant 0 : i32
      %dma_start3A_102 = arith.constant 0 : i32
      %dma_start3A_103 = tpu.memref_slice %arg3[%dma_start3A_101, %dma_start3A_102] : memref<100000x128xf32, #tpu.memory_space<hbm>> -> memref<100000x128xf32, #tpu.memory_space<hbm>>
      tpu.enqueue_indirect_dma source(%dma_start3A_103 : memref<100000x128xf32, #tpu.memory_space<hbm>>) target(%dma_start3A_97 : memref<32x128xf32, #tpu.memory_space<vmem>>) offsets(%dma_start3A_100 : memref<32xi32, #tpu.memory_space<vmem>>) semaphore(%arg8 : memref<!tpu.dma_semaphore, #tpu.memory_space<semaphore_mem>>)
      %dma_start3A_104 = arith.constant 8 : i32
      %dma_start3A_105 = arith.constant 8 : i32
      %dma_start3A_106 = arith.constant 0 : i32
      %dma_start3A_107 = arith.constant 0 : i32
      %dma_start3A_108 = tpu.memref_slice %arg6[%dma_start3A_105, %dma_start3A_106, %dma_start3A_107] : memref<20x32x128xf32, #tpu.memory_space<vmem>> -> memref<1x32x128xf32, #tpu.memory_space<vmem>>
      %dma_start3A_109 = tpu.memref_squeeze %dma_start3A_108 : memref<1x32x128xf32, #tpu.memory_space<vmem>> -> memref<32x128xf32, #tpu.memory_space<vmem>>
      %dma_start3A_110 = arith.constant 0 : i32
      %dma_start3A_111 = tpu.memref_slice %arg5[%dma_start3A_104, %dma_start3A_110] : memref<20x32xi32, #tpu.memory_space<vmem>> -> memref<1x32xi32, #tpu.memory_space<vmem>>
      %dma_start3A_112 = tpu.memref_squeeze %dma_start3A_111 : memref<1x32xi32, #tpu.memory_space<vmem>> -> memref<32xi32, #tpu.memory_space<vmem>>
      %dma_start3A_113 = arith.constant 0 : i32
      %dma_start3A_114 = arith.constant 0 : i32
      %dma_start3A_115 = tpu.memref_slice %arg3[%dma_start3A_113, %dma_start3A_114] : memref<100000x128xf32, #tpu.memory_space<hbm>> -> memref<100000x128xf32, #tpu.memory_space<hbm>>
      tpu.enqueue_indirect_dma source(%dma_start3A_115 : memref<100000x128xf32, #tpu.memory_space<hbm>>) target(%dma_start3A_109 : memref<32x128xf32, #tpu.memory_space<vmem>>) offsets(%dma_start3A_112 : memref<32xi32, #tpu.memory_space<vmem>>) semaphore(%arg8 : memref<!tpu.dma_semaphore, #tpu.memory_space<semaphore_mem>>)
      %dma_start3A_116 = arith.constant 9 : i32
      %dma_start3A_117 = arith.constant 9 : i32
      %dma_start3A_118 = arith.constant 0 : i32
      %dma_start3A_119 = arith.constant 0 : i32
      %dma_start3A_120 = tpu.memref_slice %arg6[%dma_start3A_117, %dma_start3A_118, %dma_start3A_119] : memref<20x32x128xf32, #tpu.memory_space<vmem>> -> memref<1x32x128xf32, #tpu.memory_space<vmem>>
      %dma_start3A_121 = tpu.memref_squeeze %dma_start3A_120 : memref<1x32x128xf32, #tpu.memory_space<vmem>> -> memref<32x128xf32, #tpu.memory_space<vmem>>
      %dma_start3A_122 = arith.constant 0 : i32
      %dma_start3A_123 = tpu.memref_slice %arg5[%dma_start3A_116, %dma_start3A_122] : memref<20x32xi32, #tpu.memory_space<vmem>> -> memref<1x32xi32, #tpu.memory_space<vmem>>
      %dma_start3A_124 = tpu.memref_squeeze %dma_start3A_123 : memref<1x32xi32, #tpu.memory_space<vmem>> -> memref<32xi32, #tpu.memory_space<vmem>>
      %dma_start3A_125 = arith.constant 0 : i32
      %dma_start3A_126 = arith.constant 0 : i32
      %dma_start3A_127 = tpu.memref_slice %arg3[%dma_start3A_125, %dma_start3A_126] : memref<100000x128xf32, #tpu.memory_space<hbm>> -> memref<100000x128xf32, #tpu.memory_space<hbm>>
      tpu.enqueue_indirect_dma source(%dma_start3A_127 : memref<100000x128xf32, #tpu.memory_space<hbm>>) target(%dma_start3A_121 : memref<32x128xf32, #tpu.memory_space<vmem>>) offsets(%dma_start3A_124 : memref<32xi32, #tpu.memory_space<vmem>>) semaphore(%arg8 : memref<!tpu.dma_semaphore, #tpu.memory_space<semaphore_mem>>)
      %dma_start3A_128 = arith.constant 10 : i32
      %dma_start3A_129 = arith.constant 10 : i32
      %dma_start3A_130 = arith.constant 0 : i32
      %dma_start3A_131 = arith.constant 0 : i32
      %dma_start3A_132 = tpu.memref_slice %arg6[%dma_start3A_129, %dma_start3A_130, %dma_start3A_131] : memref<20x32x128xf32, #tpu.memory_space<vmem>> -> memref<1x32x128xf32, #tpu.memory_space<vmem>>
      %dma_start3A_133 = tpu.memref_squeeze %dma_start3A_132 : memref<1x32x128xf32, #tpu.memory_space<vmem>> -> memref<32x128xf32, #tpu.memory_space<vmem>>
      %dma_start3A_134 = arith.constant 0 : i32
      %dma_start3A_135 = tpu.memref_slice %arg5[%dma_start3A_128, %dma_start3A_134] : memref<20x32xi32, #tpu.memory_space<vmem>> -> memref<1x32xi32, #tpu.memory_space<vmem>>
      %dma_start3A_136 = tpu.memref_squeeze %dma_start3A_135 : memref<1x32xi32, #tpu.memory_space<vmem>> -> memref<32xi32, #tpu.memory_space<vmem>>
      %dma_start3A_137 = arith.constant 0 : i32
      %dma_start3A_138 = arith.constant 0 : i32
      %dma_start3A_139 = tpu.memref_slice %arg3[%dma_start3A_137, %dma_start3A_138] : memref<100000x128xf32, #tpu.memory_space<hbm>> -> memref<100000x128xf32, #tpu.memory_space<hbm>>
      tpu.enqueue_indirect_dma source(%dma_start3A_139 : memref<100000x128xf32, #tpu.memory_space<hbm>>) target(%dma_start3A_133 : memref<32x128xf32, #tpu.memory_space<vmem>>) offsets(%dma_start3A_136 : memref<32xi32, #tpu.memory_space<vmem>>) semaphore(%arg8 : memref<!tpu.dma_semaphore, #tpu.memory_space<semaphore_mem>>)
      %dma_start3A_140 = arith.constant 11 : i32
      %dma_start3A_141 = arith.constant 11 : i32
      %dma_start3A_142 = arith.constant 0 : i32
      %dma_start3A_143 = arith.constant 0 : i32
      %dma_start3A_144 = tpu.memref_slice %arg6[%dma_start3A_141, %dma_start3A_142, %dma_start3A_143] : memref<20x32x128xf32, #tpu.memory_space<vmem>> -> memref<1x32x128xf32, #tpu.memory_space<vmem>>
      %dma_start3A_145 = tpu.memref_squeeze %dma_start3A_144 : memref<1x32x128xf32, #tpu.memory_space<vmem>> -> memref<32x128xf32, #tpu.memory_space<vmem>>
      %dma_start3A_146 = arith.constant 0 : i32
      %dma_start3A_147 = tpu.memref_slice %arg5[%dma_start3A_140, %dma_start3A_146] : memref<20x32xi32, #tpu.memory_space<vmem>> -> memref<1x32xi32, #tpu.memory_space<vmem>>
      %dma_start3A_148 = tpu.memref_squeeze %dma_start3A_147 : memref<1x32xi32, #tpu.memory_space<vmem>> -> memref<32xi32, #tpu.memory_space<vmem>>
      %dma_start3A_149 = arith.constant 0 : i32
      %dma_start3A_150 = arith.constant 0 : i32
      %dma_start3A_151 = tpu.memref_slice %arg3[%dma_start3A_149, %dma_start3A_150] : memref<100000x128xf32, #tpu.memory_space<hbm>> -> memref<100000x128xf32, #tpu.memory_space<hbm>>
      tpu.enqueue_indirect_dma source(%dma_start3A_151 : memref<100000x128xf32, #tpu.memory_space<hbm>>) target(%dma_start3A_145 : memref<32x128xf32, #tpu.memory_space<vmem>>) offsets(%dma_start3A_148 : memref<32xi32, #tpu.memory_space<vmem>>) semaphore(%arg8 : memref<!tpu.dma_semaphore, #tpu.memory_space<semaphore_mem>>)
      %dma_start3A_152 = arith.constant 12 : i32
      %dma_start3A_153 = arith.constant 12 : i32
      %dma_start3A_154 = arith.constant 0 : i32
      %dma_start3A_155 = arith.constant 0 : i32
      %dma_start3A_156 = tpu.memref_slice %arg6[%dma_start3A_153, %dma_start3A_154, %dma_start3A_155] : memref<20x32x128xf32, #tpu.memory_space<vmem>> -> memref<1x32x128xf32, #tpu.memory_space<vmem>>
      %dma_start3A_157 = tpu.memref_squeeze %dma_start3A_156 : memref<1x32x128xf32, #tpu.memory_space<vmem>> -> memref<32x128xf32, #tpu.memory_space<vmem>>
      %dma_start3A_158 = arith.constant 0 : i32
      %dma_start3A_159 = tpu.memref_slice %arg5[%dma_start3A_152, %dma_start3A_158] : memref<20x32xi32, #tpu.memory_space<vmem>> -> memref<1x32xi32, #tpu.memory_space<vmem>>
      %dma_start3A_160 = tpu.memref_squeeze %dma_start3A_159 : memref<1x32xi32, #tpu.memory_space<vmem>> -> memref<32xi32, #tpu.memory_space<vmem>>
      %dma_start3A_161 = arith.constant 0 : i32
      %dma_start3A_162 = arith.constant 0 : i32
      %dma_start3A_163 = tpu.memref_slice %arg3[%dma_start3A_161, %dma_start3A_162] : memref<100000x128xf32, #tpu.memory_space<hbm>> -> memref<100000x128xf32, #tpu.memory_space<hbm>>
      tpu.enqueue_indirect_dma source(%dma_start3A_163 : memref<100000x128xf32, #tpu.memory_space<hbm>>) target(%dma_start3A_157 : memref<32x128xf32, #tpu.memory_space<vmem>>) offsets(%dma_start3A_160 : memref<32xi32, #tpu.memory_space<vmem>>) semaphore(%arg8 : memref<!tpu.dma_semaphore, #tpu.memory_space<semaphore_mem>>)
      %dma_start3A_164 = arith.constant 13 : i32
      %dma_start3A_165 = arith.constant 13 : i32
      %dma_start3A_166 = arith.constant 0 : i32
      %dma_start3A_167 = arith.constant 0 : i32
      %dma_start3A_168 = tpu.memref_slice %arg6[%dma_start3A_165, %dma_start3A_166, %dma_start3A_167] : memref<20x32x128xf32, #tpu.memory_space<vmem>> -> memref<1x32x128xf32, #tpu.memory_space<vmem>>
      %dma_start3A_169 = tpu.memref_squeeze %dma_start3A_168 : memref<1x32x128xf32, #tpu.memory_space<vmem>> -> memref<32x128xf32, #tpu.memory_space<vmem>>
      %dma_start3A_170 = arith.constant 0 : i32
      %dma_start3A_171 = tpu.memref_slice %arg5[%dma_start3A_164, %dma_start3A_170] : memref<20x32xi32, #tpu.memory_space<vmem>> -> memref<1x32xi32, #tpu.memory_space<vmem>>
      %dma_start3A_172 = tpu.memref_squeeze %dma_start3A_171 : memref<1x32xi32, #tpu.memory_space<vmem>> -> memref<32xi32, #tpu.memory_space<vmem>>
      %dma_start3A_173 = arith.constant 0 : i32
      %dma_start3A_174 = arith.constant 0 : i32
      %dma_start3A_175 = tpu.memref_slice %arg3[%dma_start3A_173, %dma_start3A_174] : memref<100000x128xf32, #tpu.memory_space<hbm>> -> memref<100000x128xf32, #tpu.memory_space<hbm>>
      tpu.enqueue_indirect_dma source(%dma_start3A_175 : memref<100000x128xf32, #tpu.memory_space<hbm>>) target(%dma_start3A_169 : memref<32x128xf32, #tpu.memory_space<vmem>>) offsets(%dma_start3A_172 : memref<32xi32, #tpu.memory_space<vmem>>) semaphore(%arg8 : memref<!tpu.dma_semaphore, #tpu.memory_space<semaphore_mem>>)
      %dma_start3A_176 = arith.constant 14 : i32
      %dma_start3A_177 = arith.constant 14 : i32
      %dma_start3A_178 = arith.constant 0 : i32
      %dma_start3A_179 = arith.constant 0 : i32
      %dma_start3A_180 = tpu.memref_slice %arg6[%dma_start3A_177, %dma_start3A_178, %dma_start3A_179] : memref<20x32x128xf32, #tpu.memory_space<vmem>> -> memref<1x32x128xf32, #tpu.memory_space<vmem>>
      %dma_start3A_181 = tpu.memref_squeeze %dma_start3A_180 : memref<1x32x128xf32, #tpu.memory_space<vmem>> -> memref<32x128xf32, #tpu.memory_space<vmem>>
      %dma_start3A_182 = arith.constant 0 : i32
      %dma_start3A_183 = tpu.memref_slice %arg5[%dma_start3A_176, %dma_start3A_182] : memref<20x32xi32, #tpu.memory_space<vmem>> -> memref<1x32xi32, #tpu.memory_space<vmem>>
      %dma_start3A_184 = tpu.memref_squeeze %dma_start3A_183 : memref<1x32xi32, #tpu.memory_space<vmem>> -> memref<32xi32, #tpu.memory_space<vmem>>
      %dma_start3A_185 = arith.constant 0 : i32
      %dma_start3A_186 = arith.constant 0 : i32
      %dma_start3A_187 = tpu.memref_slice %arg3[%dma_start3A_185, %dma_start3A_186] : memref<100000x128xf32, #tpu.memory_space<hbm>> -> memref<100000x128xf32, #tpu.memory_space<hbm>>
      tpu.enqueue_indirect_dma source(%dma_start3A_187 : memref<100000x128xf32, #tpu.memory_space<hbm>>) target(%dma_start3A_181 : memref<32x128xf32, #tpu.memory_space<vmem>>) offsets(%dma_start3A_184 : memref<32xi32, #tpu.memory_space<vmem>>) semaphore(%arg8 : memref<!tpu.dma_semaphore, #tpu.memory_space<semaphore_mem>>)
      %dma_start3A_188 = arith.constant 15 : i32
      %dma_start3A_189 = arith.constant 15 : i32
      %dma_start3A_190 = arith.constant 0 : i32
      %dma_start3A_191 = arith.constant 0 : i32
      %dma_start3A_192 = tpu.memref_slice %arg6[%dma_start3A_189, %dma_start3A_190, %dma_start3A_191] : memref<20x32x128xf32, #tpu.memory_space<vmem>> -> memref<1x32x128xf32, #tpu.memory_space<vmem>>
      %dma_start3A_193 = tpu.memref_squeeze %dma_start3A_192 : memref<1x32x128xf32, #tpu.memory_space<vmem>> -> memref<32x128xf32, #tpu.memory_space<vmem>>
      %dma_start3A_194 = arith.constant 0 : i32
      %dma_start3A_195 = tpu.memref_slice %arg5[%dma_start3A_188, %dma_start3A_194] : memref<20x32xi32, #tpu.memory_space<vmem>> -> memref<1x32xi32, #tpu.memory_space<vmem>>
      %dma_start3A_196 = tpu.memref_squeeze %dma_start3A_195 : memref<1x32xi32, #tpu.memory_space<vmem>> -> memref<32xi32, #tpu.memory_space<vmem>>
      %dma_start3A_197 = arith.constant 0 : i32
      %dma_start3A_198 = arith.constant 0 : i32
      %dma_start3A_199 = tpu.memref_slice %arg3[%dma_start3A_197, %dma_start3A_198] : memref<100000x128xf32, #tpu.memory_space<hbm>> -> memref<100000x128xf32, #tpu.memory_space<hbm>>
      tpu.enqueue_indirect_dma source(%dma_start3A_199 : memref<100000x128xf32, #tpu.memory_space<hbm>>) target(%dma_start3A_193 : memref<32x128xf32, #tpu.memory_space<vmem>>) offsets(%dma_start3A_196 : memref<32xi32, #tpu.memory_space<vmem>>) semaphore(%arg8 : memref<!tpu.dma_semaphore, #tpu.memory_space<semaphore_mem>>)
      %dma_start3A_200 = arith.constant 16 : i32
      %dma_start3A_201 = arith.constant 16 : i32
      %dma_start3A_202 = arith.constant 0 : i32
      %dma_start3A_203 = arith.constant 0 : i32
      %dma_start3A_204 = tpu.memref_slice %arg6[%dma_start3A_201, %dma_start3A_202, %dma_start3A_203] : memref<20x32x128xf32, #tpu.memory_space<vmem>> -> memref<1x32x128xf32, #tpu.memory_space<vmem>>
      %dma_start3A_205 = tpu.memref_squeeze %dma_start3A_204 : memref<1x32x128xf32, #tpu.memory_space<vmem>> -> memref<32x128xf32, #tpu.memory_space<vmem>>
      %dma_start3A_206 = arith.constant 0 : i32
      %dma_start3A_207 = tpu.memref_slice %arg5[%dma_start3A_200, %dma_start3A_206] : memref<20x32xi32, #tpu.memory_space<vmem>> -> memref<1x32xi32, #tpu.memory_space<vmem>>
      %dma_start3A_208 = tpu.memref_squeeze %dma_start3A_207 : memref<1x32xi32, #tpu.memory_space<vmem>> -> memref<32xi32, #tpu.memory_space<vmem>>
      %dma_start3A_209 = arith.constant 0 : i32
      %dma_start3A_210 = arith.constant 0 : i32
      %dma_start3A_211 = tpu.memref_slice %arg3[%dma_start3A_209, %dma_start3A_210] : memref<100000x128xf32, #tpu.memory_space<hbm>> -> memref<100000x128xf32, #tpu.memory_space<hbm>>
      tpu.enqueue_indirect_dma source(%dma_start3A_211 : memref<100000x128xf32, #tpu.memory_space<hbm>>) target(%dma_start3A_205 : memref<32x128xf32, #tpu.memory_space<vmem>>) offsets(%dma_start3A_208 : memref<32xi32, #tpu.memory_space<vmem>>) semaphore(%arg8 : memref<!tpu.dma_semaphore, #tpu.memory_space<semaphore_mem>>)
      %dma_start3A_212 = arith.constant 17 : i32
      %dma_start3A_213 = arith.constant 17 : i32
      %dma_start3A_214 = arith.constant 0 : i32
      %dma_start3A_215 = arith.constant 0 : i32
      %dma_start3A_216 = tpu.memref_slice %arg6[%dma_start3A_213, %dma_start3A_214, %dma_start3A_215] : memref<20x32x128xf32, #tpu.memory_space<vmem>> -> memref<1x32x128xf32, #tpu.memory_space<vmem>>
      %dma_start3A_217 = tpu.memref_squeeze %dma_start3A_216 : memref<1x32x128xf32, #tpu.memory_space<vmem>> -> memref<32x128xf32, #tpu.memory_space<vmem>>
      %dma_start3A_218 = arith.constant 0 : i32
      %dma_start3A_219 = tpu.memref_slice %arg5[%dma_start3A_212, %dma_start3A_218] : memref<20x32xi32, #tpu.memory_space<vmem>> -> memref<1x32xi32, #tpu.memory_space<vmem>>
      %dma_start3A_220 = tpu.memref_squeeze %dma_start3A_219 : memref<1x32xi32, #tpu.memory_space<vmem>> -> memref<32xi32, #tpu.memory_space<vmem>>
      %dma_start3A_221 = arith.constant 0 : i32
      %dma_start3A_222 = arith.constant 0 : i32
      %dma_start3A_223 = tpu.memref_slice %arg3[%dma_start3A_221, %dma_start3A_222] : memref<100000x128xf32, #tpu.memory_space<hbm>> -> memref<100000x128xf32, #tpu.memory_space<hbm>>
      tpu.enqueue_indirect_dma source(%dma_start3A_223 : memref<100000x128xf32, #tpu.memory_space<hbm>>) target(%dma_start3A_217 : memref<32x128xf32, #tpu.memory_space<vmem>>) offsets(%dma_start3A_220 : memref<32xi32, #tpu.memory_space<vmem>>) semaphore(%arg8 : memref<!tpu.dma_semaphore, #tpu.memory_space<semaphore_mem>>)
      %dma_start3A_224 = arith.constant 18 : i32
      %dma_start3A_225 = arith.constant 18 : i32
      %dma_start3A_226 = arith.constant 0 : i32
      %dma_start3A_227 = arith.constant 0 : i32
      %dma_start3A_228 = tpu.memref_slice %arg6[%dma_start3A_225, %dma_start3A_226, %dma_start3A_227] : memref<20x32x128xf32, #tpu.memory_space<vmem>> -> memref<1x32x128xf32, #tpu.memory_space<vmem>>
      %dma_start3A_229 = tpu.memref_squeeze %dma_start3A_228 : memref<1x32x128xf32, #tpu.memory_space<vmem>> -> memref<32x128xf32, #tpu.memory_space<vmem>>
      %dma_start3A_230 = arith.constant 0 : i32
      %dma_start3A_231 = tpu.memref_slice %arg5[%dma_start3A_224, %dma_start3A_230] : memref<20x32xi32, #tpu.memory_space<vmem>> -> memref<1x32xi32, #tpu.memory_space<vmem>>
      %dma_start3A_232 = tpu.memref_squeeze %dma_start3A_231 : memref<1x32xi32, #tpu.memory_space<vmem>> -> memref<32xi32, #tpu.memory_space<vmem>>
      %dma_start3A_233 = arith.constant 0 : i32
      %dma_start3A_234 = arith.constant 0 : i32
      %dma_start3A_235 = tpu.memref_slice %arg3[%dma_start3A_233, %dma_start3A_234] : memref<100000x128xf32, #tpu.memory_space<hbm>> -> memref<100000x128xf32, #tpu.memory_space<hbm>>
      tpu.enqueue_indirect_dma source(%dma_start3A_235 : memref<100000x128xf32, #tpu.memory_space<hbm>>) target(%dma_start3A_229 : memref<32x128xf32, #tpu.memory_space<vmem>>) offsets(%dma_start3A_232 : memref<32xi32, #tpu.memory_space<vmem>>) semaphore(%arg8 : memref<!tpu.dma_semaphore, #tpu.memory_space<semaphore_mem>>)
      %dma_start3A_236 = arith.constant 19 : i32
      %dma_start3A_237 = arith.constant 19 : i32
      %dma_start3A_238 = arith.constant 0 : i32
      %dma_start3A_239 = arith.constant 0 : i32
      %dma_start3A_240 = tpu.memref_slice %arg6[%dma_start3A_237, %dma_start3A_238, %dma_start3A_239] : memref<20x32x128xf32, #tpu.memory_space<vmem>> -> memref<1x32x128xf32, #tpu.memory_space<vmem>>
      %dma_start3A_241 = tpu.memref_squeeze %dma_start3A_240 : memref<1x32x128xf32, #tpu.memory_space<vmem>> -> memref<32x128xf32, #tpu.memory_space<vmem>>
      %dma_start3A_242 = arith.constant 0 : i32
      %dma_start3A_243 = tpu.memref_slice %arg5[%dma_start3A_236, %dma_start3A_242] : memref<20x32xi32, #tpu.memory_space<vmem>> -> memref<1x32xi32, #tpu.memory_space<vmem>>
      %dma_start3A_244 = tpu.memref_squeeze %dma_start3A_243 : memref<1x32xi32, #tpu.memory_space<vmem>> -> memref<32xi32, #tpu.memory_space<vmem>>
      %dma_start3A_245 = arith.constant 0 : i32
      %dma_start3A_246 = arith.constant 0 : i32
      %dma_start3A_247 = tpu.memref_slice %arg3[%dma_start3A_245, %dma_start3A_246] : memref<100000x128xf32, #tpu.memory_space<hbm>> -> memref<100000x128xf32, #tpu.memory_space<hbm>>
      tpu.enqueue_indirect_dma source(%dma_start3A_247 : memref<100000x128xf32, #tpu.memory_space<hbm>>) target(%dma_start3A_241 : memref<32x128xf32, #tpu.memory_space<vmem>>) offsets(%dma_start3A_244 : memref<32xi32, #tpu.memory_space<vmem>>) semaphore(%arg8 : memref<!tpu.dma_semaphore, #tpu.memory_space<semaphore_mem>>)
      %dma_wait3A = arith.constant 0 : i32
      %dma_wait3A_248 = arith.constant 0 : i32
      %dma_wait3A_249 = arith.constant 0 : i32
      %dma_wait3A_250 = arith.constant 0 : i32
      %dma_wait3A_251 = tpu.memref_slice %arg6[%dma_wait3A_248, %dma_wait3A_249, %dma_wait3A_250] : memref<20x32x128xf32, #tpu.memory_space<vmem>> -> memref<1x32x128xf32, #tpu.memory_space<vmem>>
      %dma_wait3A_252 = tpu.memref_squeeze %dma_wait3A_251 : memref<1x32x128xf32, #tpu.memory_space<vmem>> -> memref<32x128xf32, #tpu.memory_space<vmem>>
      %dma_wait3A_253 = arith.constant 0 : i32
      %dma_wait3A_254 = tpu.memref_slice %arg5[%dma_wait3A, %dma_wait3A_253] : memref<20x32xi32, #tpu.memory_space<vmem>> -> memref<1x32xi32, #tpu.memory_space<vmem>>
      %dma_wait3A_255 = tpu.memref_squeeze %dma_wait3A_254 : memref<1x32xi32, #tpu.memory_space<vmem>> -> memref<32xi32, #tpu.memory_space<vmem>>
      %dma_wait3A_256 = arith.constant 0 : i32
      %dma_wait3A_257 = arith.constant 0 : i32
      %dma_wait3A_258 = tpu.memref_slice %arg3[%dma_wait3A_256, %dma_wait3A_257] : memref<100000x128xf32, #tpu.memory_space<hbm>> -> memref<100000x128xf32, #tpu.memory_space<hbm>>
      tpu.wait_indirect_dma semaphore(%arg8 : memref<!tpu.dma_semaphore, #tpu.memory_space<semaphore_mem>>) src(%dma_wait3A_258 : memref<100000x128xf32, #tpu.memory_space<hbm>>) dst(%dma_wait3A_252 : memref<32x128xf32, #tpu.memory_space<vmem>>)
      %dma_wait3A_259 = arith.constant 1 : i32
      %dma_wait3A_260 = arith.constant 1 : i32
      %dma_wait3A_261 = arith.constant 0 : i32
      %dma_wait3A_262 = arith.constant 0 : i32
      %dma_wait3A_263 = tpu.memref_slice %arg6[%dma_wait3A_260, %dma_wait3A_261, %dma_wait3A_262] : memref<20x32x128xf32, #tpu.memory_space<vmem>> -> memref<1x32x128xf32, #tpu.memory_space<vmem>>
      %dma_wait3A_264 = tpu.memref_squeeze %dma_wait3A_263 : memref<1x32x128xf32, #tpu.memory_space<vmem>> -> memref<32x128xf32, #tpu.memory_space<vmem>>
      %dma_wait3A_265 = arith.constant 0 : i32
      %dma_wait3A_266 = tpu.memref_slice %arg5[%dma_wait3A_259, %dma_wait3A_265] : memref<20x32xi32, #tpu.memory_space<vmem>> -> memref<1x32xi32, #tpu.memory_space<vmem>>
      %dma_wait3A_267 = tpu.memref_squeeze %dma_wait3A_266 : memref<1x32xi32, #tpu.memory_space<vmem>> -> memref<32xi32, #tpu.memory_space<vmem>>
      %dma_wait3A_268 = arith.constant 0 : i32
      %dma_wait3A_269 = arith.constant 0 : i32
      %dma_wait3A_270 = tpu.memref_slice %arg3[%dma_wait3A_268, %dma_wait3A_269] : memref<100000x128xf32, #tpu.memory_space<hbm>> -> memref<100000x128xf32, #tpu.memory_space<hbm>>
      tpu.wait_indirect_dma semaphore(%arg8 : memref<!tpu.dma_semaphore, #tpu.memory_space<semaphore_mem>>) src(%dma_wait3A_270 : memref<100000x128xf32, #tpu.memory_space<hbm>>) dst(%dma_wait3A_264 : memref<32x128xf32, #tpu.memory_space<vmem>>)
      %dma_wait3A_271 = arith.constant 2 : i32
      %dma_wait3A_272 = arith.constant 2 : i32
      %dma_wait3A_273 = arith.constant 0 : i32
      %dma_wait3A_274 = arith.constant 0 : i32
      %dma_wait3A_275 = tpu.memref_slice %arg6[%dma_wait3A_272, %dma_wait3A_273, %dma_wait3A_274] : memref<20x32x128xf32, #tpu.memory_space<vmem>> -> memref<1x32x128xf32, #tpu.memory_space<vmem>>
      %dma_wait3A_276 = tpu.memref_squeeze %dma_wait3A_275 : memref<1x32x128xf32, #tpu.memory_space<vmem>> -> memref<32x128xf32, #tpu.memory_space<vmem>>
      %dma_wait3A_277 = arith.constant 0 : i32
      %dma_wait3A_278 = tpu.memref_slice %arg5[%dma_wait3A_271, %dma_wait3A_277] : memref<20x32xi32, #tpu.memory_space<vmem>> -> memref<1x32xi32, #tpu.memory_space<vmem>>
      %dma_wait3A_279 = tpu.memref_squeeze %dma_wait3A_278 : memref<1x32xi32, #tpu.memory_space<vmem>> -> memref<32xi32, #tpu.memory_space<vmem>>
      %dma_wait3A_280 = arith.constant 0 : i32
      %dma_wait3A_281 = arith.constant 0 : i32
      %dma_wait3A_282 = tpu.memref_slice %arg3[%dma_wait3A_280, %dma_wait3A_281] : memref<100000x128xf32, #tpu.memory_space<hbm>> -> memref<100000x128xf32, #tpu.memory_space<hbm>>
      tpu.wait_indirect_dma semaphore(%arg8 : memref<!tpu.dma_semaphore, #tpu.memory_space<semaphore_mem>>) src(%dma_wait3A_282 : memref<100000x128xf32, #tpu.memory_space<hbm>>) dst(%dma_wait3A_276 : memref<32x128xf32, #tpu.memory_space<vmem>>)
      %dma_wait3A_283 = arith.constant 3 : i32
      %dma_wait3A_284 = arith.constant 3 : i32
      %dma_wait3A_285 = arith.constant 0 : i32
      %dma_wait3A_286 = arith.constant 0 : i32
      %dma_wait3A_287 = tpu.memref_slice %arg6[%dma_wait3A_284, %dma_wait3A_285, %dma_wait3A_286] : memref<20x32x128xf32, #tpu.memory_space<vmem>> -> memref<1x32x128xf32, #tpu.memory_space<vmem>>
      %dma_wait3A_288 = tpu.memref_squeeze %dma_wait3A_287 : memref<1x32x128xf32, #tpu.memory_space<vmem>> -> memref<32x128xf32, #tpu.memory_space<vmem>>
      %dma_wait3A_289 = arith.constant 0 : i32
      %dma_wait3A_290 = tpu.memref_slice %arg5[%dma_wait3A_283, %dma_wait3A_289] : memref<20x32xi32, #tpu.memory_space<vmem>> -> memref<1x32xi32, #tpu.memory_space<vmem>>
      %dma_wait3A_291 = tpu.memref_squeeze %dma_wait3A_290 : memref<1x32xi32, #tpu.memory_space<vmem>> -> memref<32xi32, #tpu.memory_space<vmem>>
      %dma_wait3A_292 = arith.constant 0 : i32
      %dma_wait3A_293 = arith.constant 0 : i32
      %dma_wait3A_294 = tpu.memref_slice %arg3[%dma_wait3A_292, %dma_wait3A_293] : memref<100000x128xf32, #tpu.memory_space<hbm>> -> memref<100000x128xf32, #tpu.memory_space<hbm>>
      tpu.wait_indirect_dma semaphore(%arg8 : memref<!tpu.dma_semaphore, #tpu.memory_space<semaphore_mem>>) src(%dma_wait3A_294 : memref<100000x128xf32, #tpu.memory_space<hbm>>) dst(%dma_wait3A_288 : memref<32x128xf32, #tpu.memory_space<vmem>>)
      %dma_wait3A_295 = arith.constant 4 : i32
      %dma_wait3A_296 = arith.constant 4 : i32
      %dma_wait3A_297 = arith.constant 0 : i32
      %dma_wait3A_298 = arith.constant 0 : i32
      %dma_wait3A_299 = tpu.memref_slice %arg6[%dma_wait3A_296, %dma_wait3A_297, %dma_wait3A_298] : memref<20x32x128xf32, #tpu.memory_space<vmem>> -> memref<1x32x128xf32, #tpu.memory_space<vmem>>
      %dma_wait3A_300 = tpu.memref_squeeze %dma_wait3A_299 : memref<1x32x128xf32, #tpu.memory_space<vmem>> -> memref<32x128xf32, #tpu.memory_space<vmem>>
      %dma_wait3A_301 = arith.constant 0 : i32
      %dma_wait3A_302 = tpu.memref_slice %arg5[%dma_wait3A_295, %dma_wait3A_301] : memref<20x32xi32, #tpu.memory_space<vmem>> -> memref<1x32xi32, #tpu.memory_space<vmem>>
      %dma_wait3A_303 = tpu.memref_squeeze %dma_wait3A_302 : memref<1x32xi32, #tpu.memory_space<vmem>> -> memref<32xi32, #tpu.memory_space<vmem>>
      %dma_wait3A_304 = arith.constant 0 : i32
      %dma_wait3A_305 = arith.constant 0 : i32
      %dma_wait3A_306 = tpu.memref_slice %arg3[%dma_wait3A_304, %dma_wait3A_305] : memref<100000x128xf32, #tpu.memory_space<hbm>> -> memref<100000x128xf32, #tpu.memory_space<hbm>>
      tpu.wait_indirect_dma semaphore(%arg8 : memref<!tpu.dma_semaphore, #tpu.memory_space<semaphore_mem>>) src(%dma_wait3A_306 : memref<100000x128xf32, #tpu.memory_space<hbm>>) dst(%dma_wait3A_300 : memref<32x128xf32, #tpu.memory_space<vmem>>)
      %dma_wait3A_307 = arith.constant 5 : i32
      %dma_wait3A_308 = arith.constant 5 : i32
      %dma_wait3A_309 = arith.constant 0 : i32
      %dma_wait3A_310 = arith.constant 0 : i32
      %dma_wait3A_311 = tpu.memref_slice %arg6[%dma_wait3A_308, %dma_wait3A_309, %dma_wait3A_310] : memref<20x32x128xf32, #tpu.memory_space<vmem>> -> memref<1x32x128xf32, #tpu.memory_space<vmem>>
      %dma_wait3A_312 = tpu.memref_squeeze %dma_wait3A_311 : memref<1x32x128xf32, #tpu.memory_space<vmem>> -> memref<32x128xf32, #tpu.memory_space<vmem>>
      %dma_wait3A_313 = arith.constant 0 : i32
      %dma_wait3A_314 = tpu.memref_slice %arg5[%dma_wait3A_307, %dma_wait3A_313] : memref<20x32xi32, #tpu.memory_space<vmem>> -> memref<1x32xi32, #tpu.memory_space<vmem>>
      %dma_wait3A_315 = tpu.memref_squeeze %dma_wait3A_314 : memref<1x32xi32, #tpu.memory_space<vmem>> -> memref<32xi32, #tpu.memory_space<vmem>>
      %dma_wait3A_316 = arith.constant 0 : i32
      %dma_wait3A_317 = arith.constant 0 : i32
      %dma_wait3A_318 = tpu.memref_slice %arg3[%dma_wait3A_316, %dma_wait3A_317] : memref<100000x128xf32, #tpu.memory_space<hbm>> -> memref<100000x128xf32, #tpu.memory_space<hbm>>
      tpu.wait_indirect_dma semaphore(%arg8 : memref<!tpu.dma_semaphore, #tpu.memory_space<semaphore_mem>>) src(%dma_wait3A_318 : memref<100000x128xf32, #tpu.memory_space<hbm>>) dst(%dma_wait3A_312 : memref<32x128xf32, #tpu.memory_space<vmem>>)
      %dma_wait3A_319 = arith.constant 6 : i32
      %dma_wait3A_320 = arith.constant 6 : i32
      %dma_wait3A_321 = arith.constant 0 : i32
      %dma_wait3A_322 = arith.constant 0 : i32
      %dma_wait3A_323 = tpu.memref_slice %arg6[%dma_wait3A_320, %dma_wait3A_321, %dma_wait3A_322] : memref<20x32x128xf32, #tpu.memory_space<vmem>> -> memref<1x32x128xf32, #tpu.memory_space<vmem>>
      %dma_wait3A_324 = tpu.memref_squeeze %dma_wait3A_323 : memref<1x32x128xf32, #tpu.memory_space<vmem>> -> memref<32x128xf32, #tpu.memory_space<vmem>>
      %dma_wait3A_325 = arith.constant 0 : i32
      %dma_wait3A_326 = tpu.memref_slice %arg5[%dma_wait3A_319, %dma_wait3A_325] : memref<20x32xi32, #tpu.memory_space<vmem>> -> memref<1x32xi32, #tpu.memory_space<vmem>>
      %dma_wait3A_327 = tpu.memref_squeeze %dma_wait3A_326 : memref<1x32xi32, #tpu.memory_space<vmem>> -> memref<32xi32, #tpu.memory_space<vmem>>
      %dma_wait3A_328 = arith.constant 0 : i32
      %dma_wait3A_329 = arith.constant 0 : i32
      %dma_wait3A_330 = tpu.memref_slice %arg3[%dma_wait3A_328, %dma_wait3A_329] : memref<100000x128xf32, #tpu.memory_space<hbm>> -> memref<100000x128xf32, #tpu.memory_space<hbm>>
      tpu.wait_indirect_dma semaphore(%arg8 : memref<!tpu.dma_semaphore, #tpu.memory_space<semaphore_mem>>) src(%dma_wait3A_330 : memref<100000x128xf32, #tpu.memory_space<hbm>>) dst(%dma_wait3A_324 : memref<32x128xf32, #tpu.memory_space<vmem>>)
      %dma_wait3A_331 = arith.constant 7 : i32
      %dma_wait3A_332 = arith.constant 7 : i32
      %dma_wait3A_333 = arith.constant 0 : i32
      %dma_wait3A_334 = arith.constant 0 : i32
      %dma_wait3A_335 = tpu.memref_slice %arg6[%dma_wait3A_332, %dma_wait3A_333, %dma_wait3A_334] : memref<20x32x128xf32, #tpu.memory_space<vmem>> -> memref<1x32x128xf32, #tpu.memory_space<vmem>>
      %dma_wait3A_336 = tpu.memref_squeeze %dma_wait3A_335 : memref<1x32x128xf32, #tpu.memory_space<vmem>> -> memref<32x128xf32, #tpu.memory_space<vmem>>
      %dma_wait3A_337 = arith.constant 0 : i32
      %dma_wait3A_338 = tpu.memref_slice %arg5[%dma_wait3A_331, %dma_wait3A_337] : memref<20x32xi32, #tpu.memory_space<vmem>> -> memref<1x32xi32, #tpu.memory_space<vmem>>
      %dma_wait3A_339 = tpu.memref_squeeze %dma_wait3A_338 : memref<1x32xi32, #tpu.memory_space<vmem>> -> memref<32xi32, #tpu.memory_space<vmem>>
      %dma_wait3A_340 = arith.constant 0 : i32
      %dma_wait3A_341 = arith.constant 0 : i32
      %dma_wait3A_342 = tpu.memref_slice %arg3[%dma_wait3A_340, %dma_wait3A_341] : memref<100000x128xf32, #tpu.memory_space<hbm>> -> memref<100000x128xf32, #tpu.memory_space<hbm>>
      tpu.wait_indirect_dma semaphore(%arg8 : memref<!tpu.dma_semaphore, #tpu.memory_space<semaphore_mem>>) src(%dma_wait3A_342 : memref<100000x128xf32, #tpu.memory_space<hbm>>) dst(%dma_wait3A_336 : memref<32x128xf32, #tpu.memory_space<vmem>>)
      %dma_wait3A_343 = arith.constant 8 : i32
      %dma_wait3A_344 = arith.constant 8 : i32
      %dma_wait3A_345 = arith.constant 0 : i32
      %dma_wait3A_346 = arith.constant 0 : i32
      %dma_wait3A_347 = tpu.memref_slice %arg6[%dma_wait3A_344, %dma_wait3A_345, %dma_wait3A_346] : memref<20x32x128xf32, #tpu.memory_space<vmem>> -> memref<1x32x128xf32, #tpu.memory_space<vmem>>
      %dma_wait3A_348 = tpu.memref_squeeze %dma_wait3A_347 : memref<1x32x128xf32, #tpu.memory_space<vmem>> -> memref<32x128xf32, #tpu.memory_space<vmem>>
      %dma_wait3A_349 = arith.constant 0 : i32
      %dma_wait3A_350 = tpu.memref_slice %arg5[%dma_wait3A_343, %dma_wait3A_349] : memref<20x32xi32, #tpu.memory_space<vmem>> -> memref<1x32xi32, #tpu.memory_space<vmem>>
      %dma_wait3A_351 = tpu.memref_squeeze %dma_wait3A_350 : memref<1x32xi32, #tpu.memory_space<vmem>> -> memref<32xi32, #tpu.memory_space<vmem>>
      %dma_wait3A_352 = arith.constant 0 : i32
      %dma_wait3A_353 = arith.constant 0 : i32
      %dma_wait3A_354 = tpu.memref_slice %arg3[%dma_wait3A_352, %dma_wait3A_353] : memref<100000x128xf32, #tpu.memory_space<hbm>> -> memref<100000x128xf32, #tpu.memory_space<hbm>>
      tpu.wait_indirect_dma semaphore(%arg8 : memref<!tpu.dma_semaphore, #tpu.memory_space<semaphore_mem>>) src(%dma_wait3A_354 : memref<100000x128xf32, #tpu.memory_space<hbm>>) dst(%dma_wait3A_348 : memref<32x128xf32, #tpu.memory_space<vmem>>)
      %dma_wait3A_355 = arith.constant 9 : i32
      %dma_wait3A_356 = arith.constant 9 : i32
      %dma_wait3A_357 = arith.constant 0 : i32
      %dma_wait3A_358 = arith.constant 0 : i32
      %dma_wait3A_359 = tpu.memref_slice %arg6[%dma_wait3A_356, %dma_wait3A_357, %dma_wait3A_358] : memref<20x32x128xf32, #tpu.memory_space<vmem>> -> memref<1x32x128xf32, #tpu.memory_space<vmem>>
      %dma_wait3A_360 = tpu.memref_squeeze %dma_wait3A_359 : memref<1x32x128xf32, #tpu.memory_space<vmem>> -> memref<32x128xf32, #tpu.memory_space<vmem>>
      %dma_wait3A_361 = arith.constant 0 : i32
      %dma_wait3A_362 = tpu.memref_slice %arg5[%dma_wait3A_355, %dma_wait3A_361] : memref<20x32xi32, #tpu.memory_space<vmem>> -> memref<1x32xi32, #tpu.memory_space<vmem>>
      %dma_wait3A_363 = tpu.memref_squeeze %dma_wait3A_362 : memref<1x32xi32, #tpu.memory_space<vmem>> -> memref<32xi32, #tpu.memory_space<vmem>>
      %dma_wait3A_364 = arith.constant 0 : i32
      %dma_wait3A_365 = arith.constant 0 : i32
      %dma_wait3A_366 = tpu.memref_slice %arg3[%dma_wait3A_364, %dma_wait3A_365] : memref<100000x128xf32, #tpu.memory_space<hbm>> -> memref<100000x128xf32, #tpu.memory_space<hbm>>
      tpu.wait_indirect_dma semaphore(%arg8 : memref<!tpu.dma_semaphore, #tpu.memory_space<semaphore_mem>>) src(%dma_wait3A_366 : memref<100000x128xf32, #tpu.memory_space<hbm>>) dst(%dma_wait3A_360 : memref<32x128xf32, #tpu.memory_space<vmem>>)
      %dma_wait3A_367 = arith.constant 10 : i32
      %dma_wait3A_368 = arith.constant 10 : i32
      %dma_wait3A_369 = arith.constant 0 : i32
      %dma_wait3A_370 = arith.constant 0 : i32
      %dma_wait3A_371 = tpu.memref_slice %arg6[%dma_wait3A_368, %dma_wait3A_369, %dma_wait3A_370] : memref<20x32x128xf32, #tpu.memory_space<vmem>> -> memref<1x32x128xf32, #tpu.memory_space<vmem>>
      %dma_wait3A_372 = tpu.memref_squeeze %dma_wait3A_371 : memref<1x32x128xf32, #tpu.memory_space<vmem>> -> memref<32x128xf32, #tpu.memory_space<vmem>>
      %dma_wait3A_373 = arith.constant 0 : i32
      %dma_wait3A_374 = tpu.memref_slice %arg5[%dma_wait3A_367, %dma_wait3A_373] : memref<20x32xi32, #tpu.memory_space<vmem>> -> memref<1x32xi32, #tpu.memory_space<vmem>>
      %dma_wait3A_375 = tpu.memref_squeeze %dma_wait3A_374 : memref<1x32xi32, #tpu.memory_space<vmem>> -> memref<32xi32, #tpu.memory_space<vmem>>
      %dma_wait3A_376 = arith.constant 0 : i32
      %dma_wait3A_377 = arith.constant 0 : i32
      %dma_wait3A_378 = tpu.memref_slice %arg3[%dma_wait3A_376, %dma_wait3A_377] : memref<100000x128xf32, #tpu.memory_space<hbm>> -> memref<100000x128xf32, #tpu.memory_space<hbm>>
      tpu.wait_indirect_dma semaphore(%arg8 : memref<!tpu.dma_semaphore, #tpu.memory_space<semaphore_mem>>) src(%dma_wait3A_378 : memref<100000x128xf32, #tpu.memory_space<hbm>>) dst(%dma_wait3A_372 : memref<32x128xf32, #tpu.memory_space<vmem>>)
      %dma_wait3A_379 = arith.constant 11 : i32
      %dma_wait3A_380 = arith.constant 11 : i32
      %dma_wait3A_381 = arith.constant 0 : i32
      %dma_wait3A_382 = arith.constant 0 : i32
      %dma_wait3A_383 = tpu.memref_slice %arg6[%dma_wait3A_380, %dma_wait3A_381, %dma_wait3A_382] : memref<20x32x128xf32, #tpu.memory_space<vmem>> -> memref<1x32x128xf32, #tpu.memory_space<vmem>>
      %dma_wait3A_384 = tpu.memref_squeeze %dma_wait3A_383 : memref<1x32x128xf32, #tpu.memory_space<vmem>> -> memref<32x128xf32, #tpu.memory_space<vmem>>
      %dma_wait3A_385 = arith.constant 0 : i32
      %dma_wait3A_386 = tpu.memref_slice %arg5[%dma_wait3A_379, %dma_wait3A_385] : memref<20x32xi32, #tpu.memory_space<vmem>> -> memref<1x32xi32, #tpu.memory_space<vmem>>
      %dma_wait3A_387 = tpu.memref_squeeze %dma_wait3A_386 : memref<1x32xi32, #tpu.memory_space<vmem>> -> memref<32xi32, #tpu.memory_space<vmem>>
      %dma_wait3A_388 = arith.constant 0 : i32
      %dma_wait3A_389 = arith.constant 0 : i32
      %dma_wait3A_390 = tpu.memref_slice %arg3[%dma_wait3A_388, %dma_wait3A_389] : memref<100000x128xf32, #tpu.memory_space<hbm>> -> memref<100000x128xf32, #tpu.memory_space<hbm>>
      tpu.wait_indirect_dma semaphore(%arg8 : memref<!tpu.dma_semaphore, #tpu.memory_space<semaphore_mem>>) src(%dma_wait3A_390 : memref<100000x128xf32, #tpu.memory_space<hbm>>) dst(%dma_wait3A_384 : memref<32x128xf32, #tpu.memory_space<vmem>>)
      %dma_wait3A_391 = arith.constant 12 : i32
      %dma_wait3A_392 = arith.constant 12 : i32
      %dma_wait3A_393 = arith.constant 0 : i32
      %dma_wait3A_394 = arith.constant 0 : i32
      %dma_wait3A_395 = tpu.memref_slice %arg6[%dma_wait3A_392, %dma_wait3A_393, %dma_wait3A_394] : memref<20x32x128xf32, #tpu.memory_space<vmem>> -> memref<1x32x128xf32, #tpu.memory_space<vmem>>
      %dma_wait3A_396 = tpu.memref_squeeze %dma_wait3A_395 : memref<1x32x128xf32, #tpu.memory_space<vmem>> -> memref<32x128xf32, #tpu.memory_space<vmem>>
      %dma_wait3A_397 = arith.constant 0 : i32
      %dma_wait3A_398 = tpu.memref_slice %arg5[%dma_wait3A_391, %dma_wait3A_397] : memref<20x32xi32, #tpu.memory_space<vmem>> -> memref<1x32xi32, #tpu.memory_space<vmem>>
      %dma_wait3A_399 = tpu.memref_squeeze %dma_wait3A_398 : memref<1x32xi32, #tpu.memory_space<vmem>> -> memref<32xi32, #tpu.memory_space<vmem>>
      %dma_wait3A_400 = arith.constant 0 : i32
      %dma_wait3A_401 = arith.constant 0 : i32
      %dma_wait3A_402 = tpu.memref_slice %arg3[%dma_wait3A_400, %dma_wait3A_401] : memref<100000x128xf32, #tpu.memory_space<hbm>> -> memref<100000x128xf32, #tpu.memory_space<hbm>>
      tpu.wait_indirect_dma semaphore(%arg8 : memref<!tpu.dma_semaphore, #tpu.memory_space<semaphore_mem>>) src(%dma_wait3A_402 : memref<100000x128xf32, #tpu.memory_space<hbm>>) dst(%dma_wait3A_396 : memref<32x128xf32, #tpu.memory_space<vmem>>)
      %dma_wait3A_403 = arith.constant 13 : i32
      %dma_wait3A_404 = arith.constant 13 : i32
      %dma_wait3A_405 = arith.constant 0 : i32
      %dma_wait3A_406 = arith.constant 0 : i32
      %dma_wait3A_407 = tpu.memref_slice %arg6[%dma_wait3A_404, %dma_wait3A_405, %dma_wait3A_406] : memref<20x32x128xf32, #tpu.memory_space<vmem>> -> memref<1x32x128xf32, #tpu.memory_space<vmem>>
      %dma_wait3A_408 = tpu.memref_squeeze %dma_wait3A_407 : memref<1x32x128xf32, #tpu.memory_space<vmem>> -> memref<32x128xf32, #tpu.memory_space<vmem>>
      %dma_wait3A_409 = arith.constant 0 : i32
      %dma_wait3A_410 = tpu.memref_slice %arg5[%dma_wait3A_403, %dma_wait3A_409] : memref<20x32xi32, #tpu.memory_space<vmem>> -> memref<1x32xi32, #tpu.memory_space<vmem>>
      %dma_wait3A_411 = tpu.memref_squeeze %dma_wait3A_410 : memref<1x32xi32, #tpu.memory_space<vmem>> -> memref<32xi32, #tpu.memory_space<vmem>>
      %dma_wait3A_412 = arith.constant 0 : i32
      %dma_wait3A_413 = arith.constant 0 : i32
      %dma_wait3A_414 = tpu.memref_slice %arg3[%dma_wait3A_412, %dma_wait3A_413] : memref<100000x128xf32, #tpu.memory_space<hbm>> -> memref<100000x128xf32, #tpu.memory_space<hbm>>
      tpu.wait_indirect_dma semaphore(%arg8 : memref<!tpu.dma_semaphore, #tpu.memory_space<semaphore_mem>>) src(%dma_wait3A_414 : memref<100000x128xf32, #tpu.memory_space<hbm>>) dst(%dma_wait3A_408 : memref<32x128xf32, #tpu.memory_space<vmem>>)
      %dma_wait3A_415 = arith.constant 14 : i32
      %dma_wait3A_416 = arith.constant 14 : i32
      %dma_wait3A_417 = arith.constant 0 : i32
      %dma_wait3A_418 = arith.constant 0 : i32
      %dma_wait3A_419 = tpu.memref_slice %arg6[%dma_wait3A_416, %dma_wait3A_417, %dma_wait3A_418] : memref<20x32x128xf32, #tpu.memory_space<vmem>> -> memref<1x32x128xf32, #tpu.memory_space<vmem>>
      %dma_wait3A_420 = tpu.memref_squeeze %dma_wait3A_419 : memref<1x32x128xf32, #tpu.memory_space<vmem>> -> memref<32x128xf32, #tpu.memory_space<vmem>>
      %dma_wait3A_421 = arith.constant 0 : i32
      %dma_wait3A_422 = tpu.memref_slice %arg5[%dma_wait3A_415, %dma_wait3A_421] : memref<20x32xi32, #tpu.memory_space<vmem>> -> memref<1x32xi32, #tpu.memory_space<vmem>>
      %dma_wait3A_423 = tpu.memref_squeeze %dma_wait3A_422 : memref<1x32xi32, #tpu.memory_space<vmem>> -> memref<32xi32, #tpu.memory_space<vmem>>
      %dma_wait3A_424 = arith.constant 0 : i32
      %dma_wait3A_425 = arith.constant 0 : i32
      %dma_wait3A_426 = tpu.memref_slice %arg3[%dma_wait3A_424, %dma_wait3A_425] : memref<100000x128xf32, #tpu.memory_space<hbm>> -> memref<100000x128xf32, #tpu.memory_space<hbm>>
      tpu.wait_indirect_dma semaphore(%arg8 : memref<!tpu.dma_semaphore, #tpu.memory_space<semaphore_mem>>) src(%dma_wait3A_426 : memref<100000x128xf32, #tpu.memory_space<hbm>>) dst(%dma_wait3A_420 : memref<32x128xf32, #tpu.memory_space<vmem>>)
      %dma_wait3A_427 = arith.constant 15 : i32
      %dma_wait3A_428 = arith.constant 15 : i32
      %dma_wait3A_429 = arith.constant 0 : i32
      %dma_wait3A_430 = arith.constant 0 : i32
      %dma_wait3A_431 = tpu.memref_slice %arg6[%dma_wait3A_428, %dma_wait3A_429, %dma_wait3A_430] : memref<20x32x128xf32, #tpu.memory_space<vmem>> -> memref<1x32x128xf32, #tpu.memory_space<vmem>>
      %dma_wait3A_432 = tpu.memref_squeeze %dma_wait3A_431 : memref<1x32x128xf32, #tpu.memory_space<vmem>> -> memref<32x128xf32, #tpu.memory_space<vmem>>
      %dma_wait3A_433 = arith.constant 0 : i32
      %dma_wait3A_434 = tpu.memref_slice %arg5[%dma_wait3A_427, %dma_wait3A_433] : memref<20x32xi32, #tpu.memory_space<vmem>> -> memref<1x32xi32, #tpu.memory_space<vmem>>
      %dma_wait3A_435 = tpu.memref_squeeze %dma_wait3A_434 : memref<1x32xi32, #tpu.memory_space<vmem>> -> memref<32xi32, #tpu.memory_space<vmem>>
      %dma_wait3A_436 = arith.constant 0 : i32
      %dma_wait3A_437 = arith.constant 0 : i32
      %dma_wait3A_438 = tpu.memref_slice %arg3[%dma_wait3A_436, %dma_wait3A_437] : memref<100000x128xf32, #tpu.memory_space<hbm>> -> memref<100000x128xf32, #tpu.memory_space<hbm>>
      tpu.wait_indirect_dma semaphore(%arg8 : memref<!tpu.dma_semaphore, #tpu.memory_space<semaphore_mem>>) src(%dma_wait3A_438 : memref<100000x128xf32, #tpu.memory_space<hbm>>) dst(%dma_wait3A_432 : memref<32x128xf32, #tpu.memory_space<vmem>>)
      %dma_wait3A_439 = arith.constant 16 : i32
      %dma_wait3A_440 = arith.constant 16 : i32
      %dma_wait3A_441 = arith.constant 0 : i32
      %dma_wait3A_442 = arith.constant 0 : i32
      %dma_wait3A_443 = tpu.memref_slice %arg6[%dma_wait3A_440, %dma_wait3A_441, %dma_wait3A_442] : memref<20x32x128xf32, #tpu.memory_space<vmem>> -> memref<1x32x128xf32, #tpu.memory_space<vmem>>
      %dma_wait3A_444 = tpu.memref_squeeze %dma_wait3A_443 : memref<1x32x128xf32, #tpu.memory_space<vmem>> -> memref<32x128xf32, #tpu.memory_space<vmem>>
      %dma_wait3A_445 = arith.constant 0 : i32
      %dma_wait3A_446 = tpu.memref_slice %arg5[%dma_wait3A_439, %dma_wait3A_445] : memref<20x32xi32, #tpu.memory_space<vmem>> -> memref<1x32xi32, #tpu.memory_space<vmem>>
      %dma_wait3A_447 = tpu.memref_squeeze %dma_wait3A_446 : memref<1x32xi32, #tpu.memory_space<vmem>> -> memref<32xi32, #tpu.memory_space<vmem>>
      %dma_wait3A_448 = arith.constant 0 : i32
      %dma_wait3A_449 = arith.constant 0 : i32
      %dma_wait3A_450 = tpu.memref_slice %arg3[%dma_wait3A_448, %dma_wait3A_449] : memref<100000x128xf32, #tpu.memory_space<hbm>> -> memref<100000x128xf32, #tpu.memory_space<hbm>>
      tpu.wait_indirect_dma semaphore(%arg8 : memref<!tpu.dma_semaphore, #tpu.memory_space<semaphore_mem>>) src(%dma_wait3A_450 : memref<100000x128xf32, #tpu.memory_space<hbm>>) dst(%dma_wait3A_444 : memref<32x128xf32, #tpu.memory_space<vmem>>)
      %dma_wait3A_451 = arith.constant 17 : i32
      %dma_wait3A_452 = arith.constant 17 : i32
      %dma_wait3A_453 = arith.constant 0 : i32
      %dma_wait3A_454 = arith.constant 0 : i32
      %dma_wait3A_455 = tpu.memref_slice %arg6[%dma_wait3A_452, %dma_wait3A_453, %dma_wait3A_454] : memref<20x32x128xf32, #tpu.memory_space<vmem>> -> memref<1x32x128xf32, #tpu.memory_space<vmem>>
      %dma_wait3A_456 = tpu.memref_squeeze %dma_wait3A_455 : memref<1x32x128xf32, #tpu.memory_space<vmem>> -> memref<32x128xf32, #tpu.memory_space<vmem>>
      %dma_wait3A_457 = arith.constant 0 : i32
      %dma_wait3A_458 = tpu.memref_slice %arg5[%dma_wait3A_451, %dma_wait3A_457] : memref<20x32xi32, #tpu.memory_space<vmem>> -> memref<1x32xi32, #tpu.memory_space<vmem>>
      %dma_wait3A_459 = tpu.memref_squeeze %dma_wait3A_458 : memref<1x32xi32, #tpu.memory_space<vmem>> -> memref<32xi32, #tpu.memory_space<vmem>>
      %dma_wait3A_460 = arith.constant 0 : i32
      %dma_wait3A_461 = arith.constant 0 : i32
      %dma_wait3A_462 = tpu.memref_slice %arg3[%dma_wait3A_460, %dma_wait3A_461] : memref<100000x128xf32, #tpu.memory_space<hbm>> -> memref<100000x128xf32, #tpu.memory_space<hbm>>
      tpu.wait_indirect_dma semaphore(%arg8 : memref<!tpu.dma_semaphore, #tpu.memory_space<semaphore_mem>>) src(%dma_wait3A_462 : memref<100000x128xf32, #tpu.memory_space<hbm>>) dst(%dma_wait3A_456 : memref<32x128xf32, #tpu.memory_space<vmem>>)
      %dma_wait3A_463 = arith.constant 18 : i32
      %dma_wait3A_464 = arith.constant 18 : i32
      %dma_wait3A_465 = arith.constant 0 : i32
      %dma_wait3A_466 = arith.constant 0 : i32
      %dma_wait3A_467 = tpu.memref_slice %arg6[%dma_wait3A_464, %dma_wait3A_465, %dma_wait3A_466] : memref<20x32x128xf32, #tpu.memory_space<vmem>> -> memref<1x32x128xf32, #tpu.memory_space<vmem>>
      %dma_wait3A_468 = tpu.memref_squeeze %dma_wait3A_467 : memref<1x32x128xf32, #tpu.memory_space<vmem>> -> memref<32x128xf32, #tpu.memory_space<vmem>>
      %dma_wait3A_469 = arith.constant 0 : i32
      %dma_wait3A_470 = tpu.memref_slice %arg5[%dma_wait3A_463, %dma_wait3A_469] : memref<20x32xi32, #tpu.memory_space<vmem>> -> memref<1x32xi32, #tpu.memory_space<vmem>>
      %dma_wait3A_471 = tpu.memref_squeeze %dma_wait3A_470 : memref<1x32xi32, #tpu.memory_space<vmem>> -> memref<32xi32, #tpu.memory_space<vmem>>
      %dma_wait3A_472 = arith.constant 0 : i32
      %dma_wait3A_473 = arith.constant 0 : i32
      %dma_wait3A_474 = tpu.memref_slice %arg3[%dma_wait3A_472, %dma_wait3A_473] : memref<100000x128xf32, #tpu.memory_space<hbm>> -> memref<100000x128xf32, #tpu.memory_space<hbm>>
      tpu.wait_indirect_dma semaphore(%arg8 : memref<!tpu.dma_semaphore, #tpu.memory_space<semaphore_mem>>) src(%dma_wait3A_474 : memref<100000x128xf32, #tpu.memory_space<hbm>>) dst(%dma_wait3A_468 : memref<32x128xf32, #tpu.memory_space<vmem>>)
      %dma_wait3A_475 = arith.constant 19 : i32
      %dma_wait3A_476 = arith.constant 19 : i32
      %dma_wait3A_477 = arith.constant 0 : i32
      %dma_wait3A_478 = arith.constant 0 : i32
      %dma_wait3A_479 = tpu.memref_slice %arg6[%dma_wait3A_476, %dma_wait3A_477, %dma_wait3A_478] : memref<20x32x128xf32, #tpu.memory_space<vmem>> -> memref<1x32x128xf32, #tpu.memory_space<vmem>>
      %dma_wait3A_480 = tpu.memref_squeeze %dma_wait3A_479 : memref<1x32x128xf32, #tpu.memory_space<vmem>> -> memref<32x128xf32, #tpu.memory_space<vmem>>
      %dma_wait3A_481 = arith.constant 0 : i32
      %dma_wait3A_482 = tpu.memref_slice %arg5[%dma_wait3A_475, %dma_wait3A_481] : memref<20x32xi32, #tpu.memory_space<vmem>> -> memref<1x32xi32, #tpu.memory_space<vmem>>
      %dma_wait3A_483 = tpu.memref_squeeze %dma_wait3A_482 : memref<1x32xi32, #tpu.memory_space<vmem>> -> memref<32xi32, #tpu.memory_space<vmem>>
      %dma_wait3A_484 = arith.constant 0 : i32
      %dma_wait3A_485 = arith.constant 0 : i32
      %dma_wait3A_486 = tpu.memref_slice %arg3[%dma_wait3A_484, %dma_wait3A_485] : memref<100000x128xf32, #tpu.memory_space<hbm>> -> memref<100000x128xf32, #tpu.memory_space<hbm>>
      tpu.wait_indirect_dma semaphore(%arg8 : memref<!tpu.dma_semaphore, #tpu.memory_space<semaphore_mem>>) src(%dma_wait3A_486 : memref<100000x128xf32, #tpu.memory_space<hbm>>) dst(%dma_wait3A_480 : memref<32x128xf32, #tpu.memory_space<vmem>>)
      %scan3A_487 = arith.constant 0 : i32
      %scan3A_488 = arith.constant 0 : i32
      %scan3A_489 = arith.constant 32 : i32
      %scan3A_490 = arith.addi %scan3A_488, %scan3A_489 : i32
      %scan3A_491 = arith.constant 1 : i32
      scf.for %scan3A_496 = %scan3A_488 to %scan3A_490 step %scan3A_491  : i32 {
        %get3A = arith.constant 0 : i32
        %get3A_497 = arith.index_cast %get3A : i32 to index
        %get3A_498 = arith.index_cast %scan3A_496 : i32 to index
        %get3A_499 = arith.constant 0 : index
        %get3A_500 = tpu.vector_load %arg6[%get3A_497, %get3A_498, %get3A_499] {strides = array<i32>} : memref<20x32x128xf32, #tpu.memory_space<vmem>>, vector<1x1x16xf32>,
        %get3A_501 = vector.shape_cast %get3A_500 : vector<1x1x16xf32> to vector<16xf32>
        %get3A_502 = arith.constant 1 : i32
        %get3A_503 = arith.index_cast %get3A_502 : i32 to index
        %get3A_504 = arith.index_cast %scan3A_496 : i32 to index
        %get3A_505 = arith.constant 0 : index
        %get3A_506 = tpu.vector_load %arg6[%get3A_503, %get3A_504, %get3A_505] {strides = array<i32>} : memref<20x32x128xf32, #tpu.memory_space<vmem>>, vector<1x1x16xf32>,
        %get3A_507 = vector.shape_cast %get3A_506 : vector<1x1x16xf32> to vector<16xf32>
        %add3A_508 = arith.addf %get3A_501, %get3A_507 : vector<16xf32>
        %get3A_509 = arith.constant 2 : i32
        %get3A_510 = arith.index_cast %get3A_509 : i32 to index
        %get3A_511 = arith.index_cast %scan3A_496 : i32 to index
        %get3A_512 = arith.constant 0 : index
        %get3A_513 = tpu.vector_load %arg6[%get3A_510, %get3A_511, %get3A_512] {strides = array<i32>} : memref<20x32x128xf32, #tpu.memory_space<vmem>>, vector<1x1x16xf32>,
        %get3A_514 = vector.shape_cast %get3A_513 : vector<1x1x16xf32> to vector<16xf32>
        %add3A_515 = arith.addf %add3A_508, %get3A_514 : vector<16xf32>
        %get3A_516 = arith.constant 3 : i32
        %get3A_517 = arith.index_cast %get3A_516 : i32 to index
        %get3A_518 = arith.index_cast %scan3A_496 : i32 to index
        %get3A_519 = arith.constant 0 : index
        %get3A_520 = tpu.vector_load %arg6[%get3A_517, %get3A_518, %get3A_519] {strides = array<i32>} : memref<20x32x128xf32, #tpu.memory_space<vmem>>, vector<1x1x16xf32>,
        %get3A_521 = vector.shape_cast %get3A_520 : vector<1x1x16xf32> to vector<16xf32>
        %add3A_522 = arith.addf %add3A_515, %get3A_521 : vector<16xf32>
        %get3A_523 = arith.constant 4 : i32
        %get3A_524 = arith.index_cast %get3A_523 : i32 to index
        %get3A_525 = arith.index_cast %scan3A_496 : i32 to index
        %get3A_526 = arith.constant 0 : index
        %get3A_527 = tpu.vector_load %arg6[%get3A_524, %get3A_525, %get3A_526] {strides = array<i32>} : memref<20x32x128xf32, #tpu.memory_space<vmem>>, vector<1x1x16xf32>,
        %get3A_528 = vector.shape_cast %get3A_527 : vector<1x1x16xf32> to vector<16xf32>
        %add3A_529 = arith.addf %add3A_522, %get3A_528 : vector<16xf32>
        %get3A_530 = arith.constant 5 : i32
        %get3A_531 = arith.index_cast %get3A_530 : i32 to index
        %get3A_532 = arith.index_cast %scan3A_496 : i32 to index
        %get3A_533 = arith.constant 0 : index
        %get3A_534 = tpu.vector_load %arg6[%get3A_531, %get3A_532, %get3A_533] {strides = array<i32>} : memref<20x32x128xf32, #tpu.memory_space<vmem>>, vector<1x1x16xf32>,
        %get3A_535 = vector.shape_cast %get3A_534 : vector<1x1x16xf32> to vector<16xf32>
        %add3A_536 = arith.addf %add3A_529, %get3A_535 : vector<16xf32>
        %get3A_537 = arith.constant 6 : i32
        %get3A_538 = arith.index_cast %get3A_537 : i32 to index
        %get3A_539 = arith.index_cast %scan3A_496 : i32 to index
        %get3A_540 = arith.constant 0 : index
        %get3A_541 = tpu.vector_load %arg6[%get3A_538, %get3A_539, %get3A_540] {strides = array<i32>} : memref<20x32x128xf32, #tpu.memory_space<vmem>>, vector<1x1x16xf32>,
        %get3A_542 = vector.shape_cast %get3A_541 : vector<1x1x16xf32> to vector<16xf32>
        %add3A_543 = arith.addf %add3A_536, %get3A_542 : vector<16xf32>
        %get3A_544 = arith.constant 7 : i32
        %get3A_545 = arith.index_cast %get3A_544 : i32 to index
        %get3A_546 = arith.index_cast %scan3A_496 : i32 to index
        %get3A_547 = arith.constant 0 : index
        %get3A_548 = tpu.vector_load %arg6[%get3A_545, %get3A_546, %get3A_547] {strides = array<i32>} : memref<20x32x128xf32, #tpu.memory_space<vmem>>, vector<1x1x16xf32>,
        %get3A_549 = vector.shape_cast %get3A_548 : vector<1x1x16xf32> to vector<16xf32>
        %add3A_550 = arith.addf %add3A_543, %get3A_549 : vector<16xf32>
        %get3A_551 = arith.constant 8 : i32
        %get3A_552 = arith.index_cast %get3A_551 : i32 to index
        %get3A_553 = arith.index_cast %scan3A_496 : i32 to index
        %get3A_554 = arith.constant 0 : index
        %get3A_555 = tpu.vector_load %arg6[%get3A_552, %get3A_553, %get3A_554] {strides = array<i32>} : memref<20x32x128xf32, #tpu.memory_space<vmem>>, vector<1x1x16xf32>,
        %get3A_556 = vector.shape_cast %get3A_555 : vector<1x1x16xf32> to vector<16xf32>
        %add3A_557 = arith.addf %add3A_550, %get3A_556 : vector<16xf32>
        %get3A_558 = arith.constant 9 : i32
        %get3A_559 = arith.index_cast %get3A_558 : i32 to index
        %get3A_560 = arith.index_cast %scan3A_496 : i32 to index
        %get3A_561 = arith.constant 0 : index
        %get3A_562 = tpu.vector_load %arg6[%get3A_559, %get3A_560, %get3A_561] {strides = array<i32>} : memref<20x32x128xf32, #tpu.memory_space<vmem>>, vector<1x1x16xf32>,
        %get3A_563 = vector.shape_cast %get3A_562 : vector<1x1x16xf32> to vector<16xf32>
        %add3A_564 = arith.addf %add3A_557, %get3A_563 : vector<16xf32>
        %get3A_565 = arith.constant 10 : i32
        %get3A_566 = arith.index_cast %get3A_565 : i32 to index
        %get3A_567 = arith.index_cast %scan3A_496 : i32 to index
        %get3A_568 = arith.constant 0 : index
        %get3A_569 = tpu.vector_load %arg6[%get3A_566, %get3A_567, %get3A_568] {strides = array<i32>} : memref<20x32x128xf32, #tpu.memory_space<vmem>>, vector<1x1x16xf32>,
        %get3A_570 = vector.shape_cast %get3A_569 : vector<1x1x16xf32> to vector<16xf32>
        %add3A_571 = arith.addf %add3A_564, %get3A_570 : vector<16xf32>
        %get3A_572 = arith.constant 11 : i32
        %get3A_573 = arith.index_cast %get3A_572 : i32 to index
        %get3A_574 = arith.index_cast %scan3A_496 : i32 to index
        %get3A_575 = arith.constant 0 : index
        %get3A_576 = tpu.vector_load %arg6[%get3A_573, %get3A_574, %get3A_575] {strides = array<i32>} : memref<20x32x128xf32, #tpu.memory_space<vmem>>, vector<1x1x16xf32>,
        %get3A_577 = vector.shape_cast %get3A_576 : vector<1x1x16xf32> to vector<16xf32>
        %add3A_578 = arith.addf %add3A_571, %get3A_577 : vector<16xf32>
        %get3A_579 = arith.constant 12 : i32
        %get3A_580 = arith.index_cast %get3A_579 : i32 to index
        %get3A_581 = arith.index_cast %scan3A_496 : i32 to index
        %get3A_582 = arith.constant 0 : index
        %get3A_583 = tpu.vector_load %arg6[%get3A_580, %get3A_581, %get3A_582] {strides = array<i32>} : memref<20x32x128xf32, #tpu.memory_space<vmem>>, vector<1x1x16xf32>,
        %get3A_584 = vector.shape_cast %get3A_583 : vector<1x1x16xf32> to vector<16xf32>
        %add3A_585 = arith.addf %add3A_578, %get3A_584 : vector<16xf32>
        %get3A_586 = arith.constant 13 : i32
        %get3A_587 = arith.index_cast %get3A_586 : i32 to index
        %get3A_588 = arith.index_cast %scan3A_496 : i32 to index
        %get3A_589 = arith.constant 0 : index
        %get3A_590 = tpu.vector_load %arg6[%get3A_587, %get3A_588, %get3A_589] {strides = array<i32>} : memref<20x32x128xf32, #tpu.memory_space<vmem>>, vector<1x1x16xf32>,
        %get3A_591 = vector.shape_cast %get3A_590 : vector<1x1x16xf32> to vector<16xf32>
        %add3A_592 = arith.addf %add3A_585, %get3A_591 : vector<16xf32>
        %get3A_593 = arith.constant 14 : i32
        %get3A_594 = arith.index_cast %get3A_593 : i32 to index
        %get3A_595 = arith.index_cast %scan3A_496 : i32 to index
        %get3A_596 = arith.constant 0 : index
        %get3A_597 = tpu.vector_load %arg6[%get3A_594, %get3A_595, %get3A_596] {strides = array<i32>} : memref<20x32x128xf32, #tpu.memory_space<vmem>>, vector<1x1x16xf32>,
        %get3A_598 = vector.shape_cast %get3A_597 : vector<1x1x16xf32> to vector<16xf32>
        %add3A_599 = arith.addf %add3A_592, %get3A_598 : vector<16xf32>
        %get3A_600 = arith.constant 15 : i32
        %get3A_601 = arith.index_cast %get3A_600 : i32 to index
        %get3A_602 = arith.index_cast %scan3A_496 : i32 to index
        %get3A_603 = arith.constant 0 : index
        %get3A_604 = tpu.vector_load %arg6[%get3A_601, %get3A_602, %get3A_603] {strides = array<i32>} : memref<20x32x128xf32, #tpu.memory_space<vmem>>, vector<1x1x16xf32>,
        %get3A_605 = vector.shape_cast %get3A_604 : vector<1x1x16xf32> to vector<16xf32>
        %add3A_606 = arith.addf %add3A_599, %get3A_605 : vector<16xf32>
        %get3A_607 = arith.constant 16 : i32
        %get3A_608 = arith.index_cast %get3A_607 : i32 to index
        %get3A_609 = arith.index_cast %scan3A_496 : i32 to index
        %get3A_610 = arith.constant 0 : index
        %get3A_611 = tpu.vector_load %arg6[%get3A_608, %get3A_609, %get3A_610] {strides = array<i32>} : memref<20x32x128xf32, #tpu.memory_space<vmem>>, vector<1x1x16xf32>,
        %get3A_612 = vector.shape_cast %get3A_611 : vector<1x1x16xf32> to vector<16xf32>
        %add3A_613 = arith.addf %add3A_606, %get3A_612 : vector<16xf32>
        %get3A_614 = arith.constant 17 : i32
        %get3A_615 = arith.index_cast %get3A_614 : i32 to index
        %get3A_616 = arith.index_cast %scan3A_496 : i32 to index
        %get3A_617 = arith.constant 0 : index
        %get3A_618 = tpu.vector_load %arg6[%get3A_615, %get3A_616, %get3A_617] {strides = array<i32>} : memref<20x32x128xf32, #tpu.memory_space<vmem>>, vector<1x1x16xf32>,
        %get3A_619 = vector.shape_cast %get3A_618 : vector<1x1x16xf32> to vector<16xf32>
        %add3A_620 = arith.addf %add3A_613, %get3A_619 : vector<16xf32>
        %get3A_621 = arith.constant 18 : i32
        %get3A_622 = arith.index_cast %get3A_621 : i32 to index
        %get3A_623 = arith.index_cast %scan3A_496 : i32 to index
        %get3A_624 = arith.constant 0 : index
        %get3A_625 = tpu.vector_load %arg6[%get3A_622, %get3A_623, %get3A_624] {strides = array<i32>} : memref<20x32x128xf32, #tpu.memory_space<vmem>>, vector<1x1x16xf32>,
        %get3A_626 = vector.shape_cast %get3A_625 : vector<1x1x16xf32> to vector<16xf32>
        %add3A_627 = arith.addf %add3A_620, %get3A_626 : vector<16xf32>
        %get3A_628 = arith.constant 19 : i32
        %get3A_629 = arith.index_cast %get3A_628 : i32 to index
        %get3A_630 = arith.index_cast %scan3A_496 : i32 to index
        %get3A_631 = arith.constant 0 : index
        %get3A_632 = tpu.vector_load %arg6[%get3A_629, %get3A_630, %get3A_631] {strides = array<i32>} : memref<20x32x128xf32, #tpu.memory_space<vmem>>, vector<1x1x16xf32>,
        %get3A_633 = vector.shape_cast %get3A_632 : vector<1x1x16xf32> to vector<16xf32>
        %add3A_634 = arith.addf %add3A_627, %get3A_633 : vector<16xf32>
        %mul3A_635 = arith.constant 5.000000e-02 : f32
        %mul3A_636 = vector.broadcast %mul3A_635 : f32 to vector<16xf32>
        %mul3A_637 = arith.mulf %add3A_634, %mul3A_636 : vector<16xf32>
        %swap3A = arith.index_cast %scan3A_496 : i32 to index
        %swap3A_638 = arith.constant 0 : index
        %swap3A_639 = tpu.vector_load %arg7[%swap3A, %swap3A_638] {strides = array<i32>} : memref<32x128xf32, #tpu.memory_space<vmem>>, vector<1x16xf32>,
        %swap3A_640 = vector.shape_cast %swap3A_639 : vector<1x16xf32> to vector<16xf32>
        %swap3A_641 = vector.shape_cast %mul3A_637 : vector<16xf32> to vector<1x16xf32>
        tpu.vector_store %arg7[%swap3A, %swap3A_638], %swap3A_641 {strides = array<i32>} : memref<32x128xf32, #tpu.memory_space<vmem>>, vector<1x16xf32>,
        %get3A_642 = arith.constant 0 : i32
        %get3A_643 = arith.index_cast %get3A_642 : i32 to index
        %get3A_644 = arith.index_cast %scan3A_496 : i32 to index
        %get3A_645 = arith.constant 16 : index
        %get3A_646 = tpu.vector_load %arg6[%get3A_643, %get3A_644, %get3A_645] {strides = array<i32>} : memref<20x32x128xf32, #tpu.memory_space<vmem>>, vector<1x1x16xf32>,
        %get3A_647 = vector.shape_cast %get3A_646 : vector<1x1x16xf32> to vector<16xf32>
        %get3A_648 = arith.constant 1 : i32
        %get3A_649 = arith.index_cast %get3A_648 : i32 to index
        %get3A_650 = arith.index_cast %scan3A_496 : i32 to index
        %get3A_651 = arith.constant 16 : index
        %get3A_652 = tpu.vector_load %arg6[%get3A_649, %get3A_650, %get3A_651] {strides = array<i32>} : memref<20x32x128xf32, #tpu.memory_space<vmem>>, vector<1x1x16xf32>,
        %get3A_653 = vector.shape_cast %get3A_652 : vector<1x1x16xf32> to vector<16xf32>
        %add3A_654 = arith.addf %get3A_647, %get3A_653 : vector<16xf32>
        %get3A_655 = arith.constant 2 : i32
        %get3A_656 = arith.index_cast %get3A_655 : i32 to index
        %get3A_657 = arith.index_cast %scan3A_496 : i32 to index
        %get3A_658 = arith.constant 16 : index
        %get3A_659 = tpu.vector_load %arg6[%get3A_656, %get3A_657, %get3A_658] {strides = array<i32>} : memref<20x32x128xf32, #tpu.memory_space<vmem>>, vector<1x1x16xf32>,
        %get3A_660 = vector.shape_cast %get3A_659 : vector<1x1x16xf32> to vector<16xf32>
        %add3A_661 = arith.addf %add3A_654, %get3A_660 : vector<16xf32>
        %get3A_662 = arith.constant 3 : i32
        %get3A_663 = arith.index_cast %get3A_662 : i32 to index
        %get3A_664 = arith.index_cast %scan3A_496 : i32 to index
        %get3A_665 = arith.constant 16 : index
        %get3A_666 = tpu.vector_load %arg6[%get3A_663, %get3A_664, %get3A_665] {strides = array<i32>} : memref<20x32x128xf32, #tpu.memory_space<vmem>>, vector<1x1x16xf32>,
        %get3A_667 = vector.shape_cast %get3A_666 : vector<1x1x16xf32> to vector<16xf32>
        %add3A_668 = arith.addf %add3A_661, %get3A_667 : vector<16xf32>
        %get3A_669 = arith.constant 4 : i32
        %get3A_670 = arith.index_cast %get3A_669 : i32 to index
        %get3A_671 = arith.index_cast %scan3A_496 : i32 to index
        %get3A_672 = arith.constant 16 : index
        %get3A_673 = tpu.vector_load %arg6[%get3A_670, %get3A_671, %get3A_672] {strides = array<i32>} : memref<20x32x128xf32, #tpu.memory_space<vmem>>, vector<1x1x16xf32>,
        %get3A_674 = vector.shape_cast %get3A_673 : vector<1x1x16xf32> to vector<16xf32>
        %add3A_675 = arith.addf %add3A_668, %get3A_674 : vector<16xf32>
        %get3A_676 = arith.constant 5 : i32
        %get3A_677 = arith.index_cast %get3A_676 : i32 to index
        %get3A_678 = arith.index_cast %scan3A_496 : i32 to index
        %get3A_679 = arith.constant 16 : index
        %get3A_680 = tpu.vector_load %arg6[%get3A_677, %get3A_678, %get3A_679] {strides = array<i32>} : memref<20x32x128xf32, #tpu.memory_space<vmem>>, vector<1x1x16xf32>,
        %get3A_681 = vector.shape_cast %get3A_680 : vector<1x1x16xf32> to vector<16xf32>
        %add3A_682 = arith.addf %add3A_675, %get3A_681 : vector<16xf32>
        %get3A_683 = arith.constant 6 : i32
        %get3A_684 = arith.index_cast %get3A_683 : i32 to index
        %get3A_685 = arith.index_cast %scan3A_496 : i32 to index
        %get3A_686 = arith.constant 16 : index
        %get3A_687 = tpu.vector_load %arg6[%get3A_684, %get3A_685, %get3A_686] {strides = array<i32>} : memref<20x32x128xf32, #tpu.memory_space<vmem>>, vector<1x1x16xf32>,
        %get3A_688 = vector.shape_cast %get3A_687 : vector<1x1x16xf32> to vector<16xf32>
        %add3A_689 = arith.addf %add3A_682, %get3A_688 : vector<16xf32>
        %get3A_690 = arith.constant 7 : i32
        %get3A_691 = arith.index_cast %get3A_690 : i32 to index
        %get3A_692 = arith.index_cast %scan3A_496 : i32 to index
        %get3A_693 = arith.constant 16 : index
        %get3A_694 = tpu.vector_load %arg6[%get3A_691, %get3A_692, %get3A_693] {strides = array<i32>} : memref<20x32x128xf32, #tpu.memory_space<vmem>>, vector<1x1x16xf32>,
        %get3A_695 = vector.shape_cast %get3A_694 : vector<1x1x16xf32> to vector<16xf32>
        %add3A_696 = arith.addf %add3A_689, %get3A_695 : vector<16xf32>
        %get3A_697 = arith.constant 8 : i32
        %get3A_698 = arith.index_cast %get3A_697 : i32 to index
        %get3A_699 = arith.index_cast %scan3A_496 : i32 to index
        %get3A_700 = arith.constant 16 : index
        %get3A_701 = tpu.vector_load %arg6[%get3A_698, %get3A_699, %get3A_700] {strides = array<i32>} : memref<20x32x128xf32, #tpu.memory_space<vmem>>, vector<1x1x16xf32>,
        %get3A_702 = vector.shape_cast %get3A_701 : vector<1x1x16xf32> to vector<16xf32>
        %add3A_703 = arith.addf %add3A_696, %get3A_702 : vector<16xf32>
        %get3A_704 = arith.constant 9 : i32
        %get3A_705 = arith.index_cast %get3A_704 : i32 to index
        %get3A_706 = arith.index_cast %scan3A_496 : i32 to index
        %get3A_707 = arith.constant 16 : index
        %get3A_708 = tpu.vector_load %arg6[%get3A_705, %get3A_706, %get3A_707] {strides = array<i32>} : memref<20x32x128xf32, #tpu.memory_space<vmem>>, vector<1x1x16xf32>,
        %get3A_709 = vector.shape_cast %get3A_708 : vector<1x1x16xf32> to vector<16xf32>
        %add3A_710 = arith.addf %add3A_703, %get3A_709 : vector<16xf32>
        %get3A_711 = arith.constant 10 : i32
        %get3A_712 = arith.index_cast %get3A_711 : i32 to index
        %get3A_713 = arith.index_cast %scan3A_496 : i32 to index
        %get3A_714 = arith.constant 16 : index
        %get3A_715 = tpu.vector_load %arg6[%get3A_712, %get3A_713, %get3A_714] {strides = array<i32>} : memref<20x32x128xf32, #tpu.memory_space<vmem>>, vector<1x1x16xf32>,
        %get3A_716 = vector.shape_cast %get3A_715 : vector<1x1x16xf32> to vector<16xf32>
        %add3A_717 = arith.addf %add3A_710, %get3A_716 : vector<16xf32>
        %get3A_718 = arith.constant 11 : i32
        %get3A_719 = arith.index_cast %get3A_718 : i32 to index
        %get3A_720 = arith.index_cast %scan3A_496 : i32 to index
        %get3A_721 = arith.constant 16 : index
        %get3A_722 = tpu.vector_load %arg6[%get3A_719, %get3A_720, %get3A_721] {strides = array<i32>} : memref<20x32x128xf32, #tpu.memory_space<vmem>>, vector<1x1x16xf32>,
        %get3A_723 = vector.shape_cast %get3A_722 : vector<1x1x16xf32> to vector<16xf32>
        %add3A_724 = arith.addf %add3A_717, %get3A_723 : vector<16xf32>
        %get3A_725 = arith.constant 12 : i32
        %get3A_726 = arith.index_cast %get3A_725 : i32 to index
        %get3A_727 = arith.index_cast %scan3A_496 : i32 to index
        %get3A_728 = arith.constant 16 : index
        %get3A_729 = tpu.vector_load %arg6[%get3A_726, %get3A_727, %get3A_728] {strides = array<i32>} : memref<20x32x128xf32, #tpu.memory_space<vmem>>, vector<1x1x16xf32>,
        %get3A_730 = vector.shape_cast %get3A_729 : vector<1x1x16xf32> to vector<16xf32>
        %add3A_731 = arith.addf %add3A_724, %get3A_730 : vector<16xf32>
        %get3A_732 = arith.constant 13 : i32
        %get3A_733 = arith.index_cast %get3A_732 : i32 to index
        %get3A_734 = arith.index_cast %scan3A_496 : i32 to index
        %get3A_735 = arith.constant 16 : index
        %get3A_736 = tpu.vector_load %arg6[%get3A_733, %get3A_734, %get3A_735] {strides = array<i32>} : memref<20x32x128xf32, #tpu.memory_space<vmem>>, vector<1x1x16xf32>,
        %get3A_737 = vector.shape_cast %get3A_736 : vector<1x1x16xf32> to vector<16xf32>
        %add3A_738 = arith.addf %add3A_731, %get3A_737 : vector<16xf32>
        %get3A_739 = arith.constant 14 : i32
        %get3A_740 = arith.index_cast %get3A_739 : i32 to index
        %get3A_741 = arith.index_cast %scan3A_496 : i32 to index
        %get3A_742 = arith.constant 16 : index
        %get3A_743 = tpu.vector_load %arg6[%get3A_740, %get3A_741, %get3A_742] {strides = array<i32>} : memref<20x32x128xf32, #tpu.memory_space<vmem>>, vector<1x1x16xf32>,
        %get3A_744 = vector.shape_cast %get3A_743 : vector<1x1x16xf32> to vector<16xf32>
        %add3A_745 = arith.addf %add3A_738, %get3A_744 : vector<16xf32>
        %get3A_746 = arith.constant 15 : i32
        %get3A_747 = arith.index_cast %get3A_746 : i32 to index
        %get3A_748 = arith.index_cast %scan3A_496 : i32 to index
        %get3A_749 = arith.constant 16 : index
        %get3A_750 = tpu.vector_load %arg6[%get3A_747, %get3A_748, %get3A_749] {strides = array<i32>} : memref<20x32x128xf32, #tpu.memory_space<vmem>>, vector<1x1x16xf32>,
        %get3A_751 = vector.shape_cast %get3A_750 : vector<1x1x16xf32> to vector<16xf32>
        %add3A_752 = arith.addf %add3A_745, %get3A_751 : vector<16xf32>
        %get3A_753 = arith.constant 16 : i32
        %get3A_754 = arith.index_cast %get3A_753 : i32 to index
        %get3A_755 = arith.index_cast %scan3A_496 : i32 to index
        %get3A_756 = arith.constant 16 : index
        %get3A_757 = tpu.vector_load %arg6[%get3A_754, %get3A_755, %get3A_756] {strides = array<i32>} : memref<20x32x128xf32, #tpu.memory_space<vmem>>, vector<1x1x16xf32>,
        %get3A_758 = vector.shape_cast %get3A_757 : vector<1x1x16xf32> to vector<16xf32>
        %add3A_759 = arith.addf %add3A_752, %get3A_758 : vector<16xf32>
        %get3A_760 = arith.constant 17 : i32
        %get3A_761 = arith.index_cast %get3A_760 : i32 to index
        %get3A_762 = arith.index_cast %scan3A_496 : i32 to index
        %get3A_763 = arith.constant 16 : index
        %get3A_764 = tpu.vector_load %arg6[%get3A_761, %get3A_762, %get3A_763] {strides = array<i32>} : memref<20x32x128xf32, #tpu.memory_space<vmem>>, vector<1x1x16xf32>,
        %get3A_765 = vector.shape_cast %get3A_764 : vector<1x1x16xf32> to vector<16xf32>
        %add3A_766 = arith.addf %add3A_759, %get3A_765 : vector<16xf32>
        %get3A_767 = arith.constant 18 : i32
        %get3A_768 = arith.index_cast %get3A_767 : i32 to index
        %get3A_769 = arith.index_cast %scan3A_496 : i32 to index
        %get3A_770 = arith.constant 16 : index
        %get3A_771 = tpu.vector_load %arg6[%get3A_768, %get3A_769, %get3A_770] {strides = array<i32>} : memref<20x32x128xf32, #tpu.memory_space<vmem>>, vector<1x1x16xf32>,
        %get3A_772 = vector.shape_cast %get3A_771 : vector<1x1x16xf32> to vector<16xf32>
        %add3A_773 = arith.addf %add3A_766, %get3A_772 : vector<16xf32>
        %get3A_774 = arith.constant 19 : i32
        %get3A_775 = arith.index_cast %get3A_774 : i32 to index
        %get3A_776 = arith.index_cast %scan3A_496 : i32 to index
        %get3A_777 = arith.constant 16 : index
        %get3A_778 = tpu.vector_load %arg6[%get3A_775, %get3A_776, %get3A_777] {strides = array<i32>} : memref<20x32x128xf32, #tpu.memory_space<vmem>>, vector<1x1x16xf32>,
        %get3A_779 = vector.shape_cast %get3A_778 : vector<1x1x16xf32> to vector<16xf32>
        %add3A_780 = arith.addf %add3A_773, %get3A_779 : vector<16xf32>
        %mul3A_781 = arith.constant 5.000000e-02 : f32
        %mul3A_782 = vector.broadcast %mul3A_781 : f32 to vector<16xf32>
        %mul3A_783 = arith.mulf %add3A_780, %mul3A_782 : vector<16xf32>
        %swap3A_784 = arith.index_cast %scan3A_496 : i32 to index
        %swap3A_785 = arith.constant 16 : index
        %swap3A_786 = tpu.vector_load %arg7[%swap3A_784, %swap3A_785] {strides = array<i32>} : memref<32x128xf32, #tpu.memory_space<vmem>>, vector<1x16xf32>,
        %swap3A_787 = vector.shape_cast %swap3A_786 : vector<1x16xf32> to vector<16xf32>
        %swap3A_788 = vector.shape_cast %mul3A_783 : vector<16xf32> to vector<1x16xf32>
        tpu.vector_store %arg7[%swap3A_784, %swap3A_785], %swap3A_788 {strides = array<i32>} : memref<32x128xf32, #tpu.memory_space<vmem>>, vector<1x16xf32>,
        %get3A_789 = arith.constant 0 : i32
        %get3A_790 = arith.index_cast %get3A_789 : i32 to index
        %get3A_791 = arith.index_cast %scan3A_496 : i32 to index
        %get3A_792 = arith.constant 32 : index
        %get3A_793 = tpu.vector_load %arg6[%get3A_790, %get3A_791, %get3A_792] {strides = array<i32>} : memref<20x32x128xf32, #tpu.memory_space<vmem>>, vector<1x1x16xf32>,
        %get3A_794 = vector.shape_cast %get3A_793 : vector<1x1x16xf32> to vector<16xf32>
        %get3A_795 = arith.constant 1 : i32
        %get3A_796 = arith.index_cast %get3A_795 : i32 to index
        %get3A_797 = arith.index_cast %scan3A_496 : i32 to index
        %get3A_798 = arith.constant 32 : index
        %get3A_799 = tpu.vector_load %arg6[%get3A_796, %get3A_797, %get3A_798] {strides = array<i32>} : memref<20x32x128xf32, #tpu.memory_space<vmem>>, vector<1x1x16xf32>,
        %get3A_800 = vector.shape_cast %get3A_799 : vector<1x1x16xf32> to vector<16xf32>
        %add3A_801 = arith.addf %get3A_794, %get3A_800 : vector<16xf32>
        %get3A_802 = arith.constant 2 : i32
        %get3A_803 = arith.index_cast %get3A_802 : i32 to index
        %get3A_804 = arith.index_cast %scan3A_496 : i32 to index
        %get3A_805 = arith.constant 32 : index
        %get3A_806 = tpu.vector_load %arg6[%get3A_803, %get3A_804, %get3A_805] {strides = array<i32>} : memref<20x32x128xf32, #tpu.memory_space<vmem>>, vector<1x1x16xf32>,
        %get3A_807 = vector.shape_cast %get3A_806 : vector<1x1x16xf32> to vector<16xf32>
        %add3A_808 = arith.addf %add3A_801, %get3A_807 : vector<16xf32>
        %get3A_809 = arith.constant 3 : i32
        %get3A_810 = arith.index_cast %get3A_809 : i32 to index
        %get3A_811 = arith.index_cast %scan3A_496 : i32 to index
        %get3A_812 = arith.constant 32 : index
        %get3A_813 = tpu.vector_load %arg6[%get3A_810, %get3A_811, %get3A_812] {strides = array<i32>} : memref<20x32x128xf32, #tpu.memory_space<vmem>>, vector<1x1x16xf32>,
        %get3A_814 = vector.shape_cast %get3A_813 : vector<1x1x16xf32> to vector<16xf32>
        %add3A_815 = arith.addf %add3A_808, %get3A_814 : vector<16xf32>
        %get3A_816 = arith.constant 4 : i32
        %get3A_817 = arith.index_cast %get3A_816 : i32 to index
        %get3A_818 = arith.index_cast %scan3A_496 : i32 to index
        %get3A_819 = arith.constant 32 : index
        %get3A_820 = tpu.vector_load %arg6[%get3A_817, %get3A_818, %get3A_819] {strides = array<i32>} : memref<20x32x128xf32, #tpu.memory_space<vmem>>, vector<1x1x16xf32>,
        %get3A_821 = vector.shape_cast %get3A_820 : vector<1x1x16xf32> to vector<16xf32>
        %add3A_822 = arith.addf %add3A_815, %get3A_821 : vector<16xf32>
        %get3A_823 = arith.constant 5 : i32
        %get3A_824 = arith.index_cast %get3A_823 : i32 to index
        %get3A_825 = arith.index_cast %scan3A_496 : i32 to index
        %get3A_826 = arith.constant 32 : index
        %get3A_827 = tpu.vector_load %arg6[%get3A_824, %get3A_825, %get3A_826] {strides = array<i32>} : memref<20x32x128xf32, #tpu.memory_space<vmem>>, vector<1x1x16xf32>,
        %get3A_828 = vector.shape_cast %get3A_827 : vector<1x1x16xf32> to vector<16xf32>
        %add3A_829 = arith.addf %add3A_822, %get3A_828 : vector<16xf32>
        %get3A_830 = arith.constant 6 : i32
        %get3A_831 = arith.index_cast %get3A_830 : i32 to index
        %get3A_832 = arith.index_cast %scan3A_496 : i32 to index
        %get3A_833 = arith.constant 32 : index
        %get3A_834 = tpu.vector_load %arg6[%get3A_831, %get3A_832, %get3A_833] {strides = array<i32>} : memref<20x32x128xf32, #tpu.memory_space<vmem>>, vector<1x1x16xf32>,
        %get3A_835 = vector.shape_cast %get3A_834 : vector<1x1x16xf32> to vector<16xf32>
        %add3A_836 = arith.addf %add3A_829, %get3A_835 : vector<16xf32>
        %get3A_837 = arith.constant 7 : i32
        %get3A_838 = arith.index_cast %get3A_837 : i32 to index
        %get3A_839 = arith.index_cast %scan3A_496 : i32 to index
        %get3A_840 = arith.constant 32 : index
        %get3A_841 = tpu.vector_load %arg6[%get3A_838, %get3A_839, %get3A_840] {strides = array<i32>} : memref<20x32x128xf32, #tpu.memory_space<vmem>>, vector<1x1x16xf32>,
        %get3A_842 = vector.shape_cast %get3A_841 : vector<1x1x16xf32> to vector<16xf32>
        %add3A_843 = arith.addf %add3A_836, %get3A_842 : vector<16xf32>
        %get3A_844 = arith.constant 8 : i32
        %get3A_845 = arith.index_cast %get3A_844 : i32 to index
        %get3A_846 = arith.index_cast %scan3A_496 : i32 to index
        %get3A_847 = arith.constant 32 : index
        %get3A_848 = tpu.vector_load %arg6[%get3A_845, %get3A_846, %get3A_847] {strides = array<i32>} : memref<20x32x128xf32, #tpu.memory_space<vmem>>, vector<1x1x16xf32>,
        %get3A_849 = vector.shape_cast %get3A_848 : vector<1x1x16xf32> to vector<16xf32>
        %add3A_850 = arith.addf %add3A_843, %get3A_849 : vector<16xf32>
        %get3A_851 = arith.constant 9 : i32
        %get3A_852 = arith.index_cast %get3A_851 : i32 to index
        %get3A_853 = arith.index_cast %scan3A_496 : i32 to index
        %get3A_854 = arith.constant 32 : index
        %get3A_855 = tpu.vector_load %arg6[%get3A_852, %get3A_853, %get3A_854] {strides = array<i32>} : memref<20x32x128xf32, #tpu.memory_space<vmem>>, vector<1x1x16xf32>,
        %get3A_856 = vector.shape_cast %get3A_855 : vector<1x1x16xf32> to vector<16xf32>
        %add3A_857 = arith.addf %add3A_850, %get3A_856 : vector<16xf32>
        %get3A_858 = arith.constant 10 : i32
        %get3A_859 = arith.index_cast %get3A_858 : i32 to index
        %get3A_860 = arith.index_cast %scan3A_496 : i32 to index
        %get3A_861 = arith.constant 32 : index
        %get3A_862 = tpu.vector_load %arg6[%get3A_859, %get3A_860, %get3A_861] {strides = array<i32>} : memref<20x32x128xf32, #tpu.memory_space<vmem>>, vector<1x1x16xf32>,
        %get3A_863 = vector.shape_cast %get3A_862 : vector<1x1x16xf32> to vector<16xf32>
        %add3A_864 = arith.addf %add3A_857, %get3A_863 : vector<16xf32>
        %get3A_865 = arith.constant 11 : i32
        %get3A_866 = arith.index_cast %get3A_865 : i32 to index
        %get3A_867 = arith.index_cast %scan3A_496 : i32 to index
        %get3A_868 = arith.constant 32 : index
        %get3A_869 = tpu.vector_load %arg6[%get3A_866, %get3A_867, %get3A_868] {strides = array<i32>} : memref<20x32x128xf32, #tpu.memory_space<vmem>>, vector<1x1x16xf32>,
        %get3A_870 = vector.shape_cast %get3A_869 : vector<1x1x16xf32> to vector<16xf32>
        %add3A_871 = arith.addf %add3A_864, %get3A_870 : vector<16xf32>
        %get3A_872 = arith.constant 12 : i32
        %get3A_873 = arith.index_cast %get3A_872 : i32 to index
        %get3A_874 = arith.index_cast %scan3A_496 : i32 to index
        %get3A_875 = arith.constant 32 : index
        %get3A_876 = tpu.vector_load %arg6[%get3A_873, %get3A_874, %get3A_875] {strides = array<i32>} : memref<20x32x128xf32, #tpu.memory_space<vmem>>, vector<1x1x16xf32>,
        %get3A_877 = vector.shape_cast %get3A_876 : vector<1x1x16xf32> to vector<16xf32>
        %add3A_878 = arith.addf %add3A_871, %get3A_877 : vector<16xf32>
        %get3A_879 = arith.constant 13 : i32
        %get3A_880 = arith.index_cast %get3A_879 : i32 to index
        %get3A_881 = arith.index_cast %scan3A_496 : i32 to index
        %get3A_882 = arith.constant 32 : index
        %get3A_883 = tpu.vector_load %arg6[%get3A_880, %get3A_881, %get3A_882] {strides = array<i32>} : memref<20x32x128xf32, #tpu.memory_space<vmem>>, vector<1x1x16xf32>,
        %get3A_884 = vector.shape_cast %get3A_883 : vector<1x1x16xf32> to vector<16xf32>
        %add3A_885 = arith.addf %add3A_878, %get3A_884 : vector<16xf32>
        %get3A_886 = arith.constant 14 : i32
        %get3A_887 = arith.index_cast %get3A_886 : i32 to index
        %get3A_888 = arith.index_cast %scan3A_496 : i32 to index
        %get3A_889 = arith.constant 32 : index
        %get3A_890 = tpu.vector_load %arg6[%get3A_887, %get3A_888, %get3A_889] {strides = array<i32>} : memref<20x32x128xf32, #tpu.memory_space<vmem>>, vector<1x1x16xf32>,
        %get3A_891 = vector.shape_cast %get3A_890 : vector<1x1x16xf32> to vector<16xf32>
        %add3A_892 = arith.addf %add3A_885, %get3A_891 : vector<16xf32>
        %get3A_893 = arith.constant 15 : i32
        %get3A_894 = arith.index_cast %get3A_893 : i32 to index
        %get3A_895 = arith.index_cast %scan3A_496 : i32 to index
        %get3A_896 = arith.constant 32 : index
        %get3A_897 = tpu.vector_load %arg6[%get3A_894, %get3A_895, %get3A_896] {strides = array<i32>} : memref<20x32x128xf32, #tpu.memory_space<vmem>>, vector<1x1x16xf32>,
        %get3A_898 = vector.shape_cast %get3A_897 : vector<1x1x16xf32> to vector<16xf32>
        %add3A_899 = arith.addf %add3A_892, %get3A_898 : vector<16xf32>
        %get3A_900 = arith.constant 16 : i32
        %get3A_901 = arith.index_cast %get3A_900 : i32 to index
        %get3A_902 = arith.index_cast %scan3A_496 : i32 to index
        %get3A_903 = arith.constant 32 : index
        %get3A_904 = tpu.vector_load %arg6[%get3A_901, %get3A_902, %get3A_903] {strides = array<i32>} : memref<20x32x128xf32, #tpu.memory_space<vmem>>, vector<1x1x16xf32>,
        %get3A_905 = vector.shape_cast %get3A_904 : vector<1x1x16xf32> to vector<16xf32>
        %add3A_906 = arith.addf %add3A_899, %get3A_905 : vector<16xf32>
        %get3A_907 = arith.constant 17 : i32
        %get3A_908 = arith.index_cast %get3A_907 : i32 to index
        %get3A_909 = arith.index_cast %scan3A_496 : i32 to index
        %get3A_910 = arith.constant 32 : index
        %get3A_911 = tpu.vector_load %arg6[%get3A_908, %get3A_909, %get3A_910] {strides = array<i32>} : memref<20x32x128xf32, #tpu.memory_space<vmem>>, vector<1x1x16xf32>,
        %get3A_912 = vector.shape_cast %get3A_911 : vector<1x1x16xf32> to vector<16xf32>
        %add3A_913 = arith.addf %add3A_906, %get3A_912 : vector<16xf32>
        %get3A_914 = arith.constant 18 : i32
        %get3A_915 = arith.index_cast %get3A_914 : i32 to index
        %get3A_916 = arith.index_cast %scan3A_496 : i32 to index
        %get3A_917 = arith.constant 32 : index
        %get3A_918 = tpu.vector_load %arg6[%get3A_915, %get3A_916, %get3A_917] {strides = array<i32>} : memref<20x32x128xf32, #tpu.memory_space<vmem>>, vector<1x1x16xf32>,
        %get3A_919 = vector.shape_cast %get3A_918 : vector<1x1x16xf32> to vector<16xf32>
        %add3A_920 = arith.addf %add3A_913, %get3A_919 : vector<16xf32>
        %get3A_921 = arith.constant 19 : i32
        %get3A_922 = arith.index_cast %get3A_921 : i32 to index
        %get3A_923 = arith.index_cast %scan3A_496 : i32 to index
        %get3A_924 = arith.constant 32 : index
        %get3A_925 = tpu.vector_load %arg6[%get3A_922, %get3A_923, %get3A_924] {strides = array<i32>} : memref<20x32x128xf32, #tpu.memory_space<vmem>>, vector<1x1x16xf32>,
        %get3A_926 = vector.shape_cast %get3A_925 : vector<1x1x16xf32> to vector<16xf32>
        %add3A_927 = arith.addf %add3A_920, %get3A_926 : vector<16xf32>
        %mul3A_928 = arith.constant 5.000000e-02 : f32
        %mul3A_929 = vector.broadcast %mul3A_928 : f32 to vector<16xf32>
        %mul3A_930 = arith.mulf %add3A_927, %mul3A_929 : vector<16xf32>
        %swap3A_931 = arith.index_cast %scan3A_496 : i32 to index
        %swap3A_932 = arith.constant 32 : index
        %swap3A_933 = tpu.vector_load %arg7[%swap3A_931, %swap3A_932] {strides = array<i32>} : memref<32x128xf32, #tpu.memory_space<vmem>>, vector<1x16xf32>,
        %swap3A_934 = vector.shape_cast %swap3A_933 : vector<1x16xf32> to vector<16xf32>
        %swap3A_935 = vector.shape_cast %mul3A_930 : vector<16xf32> to vector<1x16xf32>
        tpu.vector_store %arg7[%swap3A_931, %swap3A_932], %swap3A_935 {strides = array<i32>} : memref<32x128xf32, #tpu.memory_space<vmem>>, vector<1x16xf32>,
        %get3A_936 = arith.constant 0 : i32
        %get3A_937 = arith.index_cast %get3A_936 : i32 to index
        %get3A_938 = arith.index_cast %scan3A_496 : i32 to index
        %get3A_939 = arith.constant 48 : index
        %get3A_940 = tpu.vector_load %arg6[%get3A_937, %get3A_938, %get3A_939] {strides = array<i32>} : memref<20x32x128xf32, #tpu.memory_space<vmem>>, vector<1x1x16xf32>,
        %get3A_941 = vector.shape_cast %get3A_940 : vector<1x1x16xf32> to vector<16xf32>
        %get3A_942 = arith.constant 1 : i32
        %get3A_943 = arith.index_cast %get3A_942 : i32 to index
        %get3A_944 = arith.index_cast %scan3A_496 : i32 to index
        %get3A_945 = arith.constant 48 : index
        %get3A_946 = tpu.vector_load %arg6[%get3A_943, %get3A_944, %get3A_945] {strides = array<i32>} : memref<20x32x128xf32, #tpu.memory_space<vmem>>, vector<1x1x16xf32>,
        %get3A_947 = vector.shape_cast %get3A_946 : vector<1x1x16xf32> to vector<16xf32>
        %add3A_948 = arith.addf %get3A_941, %get3A_947 : vector<16xf32>
        %get3A_949 = arith.constant 2 : i32
        %get3A_950 = arith.index_cast %get3A_949 : i32 to index
        %get3A_951 = arith.index_cast %scan3A_496 : i32 to index
        %get3A_952 = arith.constant 48 : index
        %get3A_953 = tpu.vector_load %arg6[%get3A_950, %get3A_951, %get3A_952] {strides = array<i32>} : memref<20x32x128xf32, #tpu.memory_space<vmem>>, vector<1x1x16xf32>,
        %get3A_954 = vector.shape_cast %get3A_953 : vector<1x1x16xf32> to vector<16xf32>
        %add3A_955 = arith.addf %add3A_948, %get3A_954 : vector<16xf32>
        %get3A_956 = arith.constant 3 : i32
        %get3A_957 = arith.index_cast %get3A_956 : i32 to index
        %get3A_958 = arith.index_cast %scan3A_496 : i32 to index
        %get3A_959 = arith.constant 48 : index
        %get3A_960 = tpu.vector_load %arg6[%get3A_957, %get3A_958, %get3A_959] {strides = array<i32>} : memref<20x32x128xf32, #tpu.memory_space<vmem>>, vector<1x1x16xf32>,
        %get3A_961 = vector.shape_cast %get3A_960 : vector<1x1x16xf32> to vector<16xf32>
        %add3A_962 = arith.addf %add3A_955, %get3A_961 : vector<16xf32>
        %get3A_963 = arith.constant 4 : i32
        %get3A_964 = arith.index_cast %get3A_963 : i32 to index
        %get3A_965 = arith.index_cast %scan3A_496 : i32 to index
        %get3A_966 = arith.constant 48 : index
        %get3A_967 = tpu.vector_load %arg6[%get3A_964, %get3A_965, %get3A_966] {strides = array<i32>} : memref<20x32x128xf32, #tpu.memory_space<vmem>>, vector<1x1x16xf32>,
        %get3A_968 = vector.shape_cast %get3A_967 : vector<1x1x16xf32> to vector<16xf32>
        %add3A_969 = arith.addf %add3A_962, %get3A_968 : vector<16xf32>
        %get3A_970 = arith.constant 5 : i32
        %get3A_971 = arith.index_cast %get3A_970 : i32 to index
        %get3A_972 = arith.index_cast %scan3A_496 : i32 to index
        %get3A_973 = arith.constant 48 : index
        %get3A_974 = tpu.vector_load %arg6[%get3A_971, %get3A_972, %get3A_973] {strides = array<i32>} : memref<20x32x128xf32, #tpu.memory_space<vmem>>, vector<1x1x16xf32>,
        %get3A_975 = vector.shape_cast %get3A_974 : vector<1x1x16xf32> to vector<16xf32>
        %add3A_976 = arith.addf %add3A_969, %get3A_975 : vector<16xf32>
        %get3A_977 = arith.constant 6 : i32
        %get3A_978 = arith.index_cast %get3A_977 : i32 to index
        %get3A_979 = arith.index_cast %scan3A_496 : i32 to index
        %get3A_980 = arith.constant 48 : index
        %get3A_981 = tpu.vector_load %arg6[%get3A_978, %get3A_979, %get3A_980] {strides = array<i32>} : memref<20x32x128xf32, #tpu.memory_space<vmem>>, vector<1x1x16xf32>,
        %get3A_982 = vector.shape_cast %get3A_981 : vector<1x1x16xf32> to vector<16xf32>
        %add3A_983 = arith.addf %add3A_976, %get3A_982 : vector<16xf32>
        %get3A_984 = arith.constant 7 : i32
        %get3A_985 = arith.index_cast %get3A_984 : i32 to index
        %get3A_986 = arith.index_cast %scan3A_496 : i32 to index
        %get3A_987 = arith.constant 48 : index
        %get3A_988 = tpu.vector_load %arg6[%get3A_985, %get3A_986, %get3A_987] {strides = array<i32>} : memref<20x32x128xf32, #tpu.memory_space<vmem>>, vector<1x1x16xf32>,
        %get3A_989 = vector.shape_cast %get3A_988 : vector<1x1x16xf32> to vector<16xf32>
        %add3A_990 = arith.addf %add3A_983, %get3A_989 : vector<16xf32>
        %get3A_991 = arith.constant 8 : i32
        %get3A_992 = arith.index_cast %get3A_991 : i32 to index
        %get3A_993 = arith.index_cast %scan3A_496 : i32 to index
        %get3A_994 = arith.constant 48 : index
        %get3A_995 = tpu.vector_load %arg6[%get3A_992, %get3A_993, %get3A_994] {strides = array<i32>} : memref<20x32x128xf32, #tpu.memory_space<vmem>>, vector<1x1x16xf32>,
        %get3A_996 = vector.shape_cast %get3A_995 : vector<1x1x16xf32> to vector<16xf32>
        %add3A_997 = arith.addf %add3A_990, %get3A_996 : vector<16xf32>
        %get3A_998 = arith.constant 9 : i32
        %get3A_999 = arith.index_cast %get3A_998 : i32 to index
        %get3A_1000 = arith.index_cast %scan3A_496 : i32 to index
        %get3A_1001 = arith.constant 48 : index
        %get3A_1002 = tpu.vector_load %arg6[%get3A_999, %get3A_1000, %get3A_1001] {strides = array<i32>} : memref<20x32x128xf32, #tpu.memory_space<vmem>>, vector<1x1x16xf32>,
        %get3A_1003 = vector.shape_cast %get3A_1002 : vector<1x1x16xf32> to vector<16xf32>
        %add3A_1004 = arith.addf %add3A_997, %get3A_1003 : vector<16xf32>
        %get3A_1005 = arith.constant 10 : i32
        %get3A_1006 = arith.index_cast %get3A_1005 : i32 to index
        %get3A_1007 = arith.index_cast %scan3A_496 : i32 to index
        %get3A_1008 = arith.constant 48 : index
        %get3A_1009 = tpu.vector_load %arg6[%get3A_1006, %get3A_1007, %get3A_1008] {strides = array<i32>} : memref<20x32x128xf32, #tpu.memory_space<vmem>>, vector<1x1x16xf32>,
        %get3A_1010 = vector.shape_cast %get3A_1009 : vector<1x1x16xf32> to vector<16xf32>
        %add3A_1011 = arith.addf %add3A_1004, %get3A_1010 : vector<16xf32>
        %get3A_1012 = arith.constant 11 : i32
        %get3A_1013 = arith.index_cast %get3A_1012 : i32 to index
        %get3A_1014 = arith.index_cast %scan3A_496 : i32 to index
        %get3A_1015 = arith.constant 48 : index
        %get3A_1016 = tpu.vector_load %arg6[%get3A_1013, %get3A_1014, %get3A_1015] {strides = array<i32>} : memref<20x32x128xf32, #tpu.memory_space<vmem>>, vector<1x1x16xf32>,
        %get3A_1017 = vector.shape_cast %get3A_1016 : vector<1x1x16xf32> to vector<16xf32>
        %add3A_1018 = arith.addf %add3A_1011, %get3A_1017 : vector<16xf32>
        %get3A_1019 = arith.constant 12 : i32
        %get3A_1020 = arith.index_cast %get3A_1019 : i32 to index
        %get3A_1021 = arith.index_cast %scan3A_496 : i32 to index
        %get3A_1022 = arith.constant 48 : index
        %get3A_1023 = tpu.vector_load %arg6[%get3A_1020, %get3A_1021, %get3A_1022] {strides = array<i32>} : memref<20x32x128xf32, #tpu.memory_space<vmem>>, vector<1x1x16xf32>,
        %get3A_1024 = vector.shape_cast %get3A_1023 : vector<1x1x16xf32> to vector<16xf32>
        %add3A_1025 = arith.addf %add3A_1018, %get3A_1024 : vector<16xf32>
        %get3A_1026 = arith.constant 13 : i32
        %get3A_1027 = arith.index_cast %get3A_1026 : i32 to index
        %get3A_1028 = arith.index_cast %scan3A_496 : i32 to index
        %get3A_1029 = arith.constant 48 : index
        %get3A_1030 = tpu.vector_load %arg6[%get3A_1027, %get3A_1028, %get3A_1029] {strides = array<i32>} : memref<20x32x128xf32, #tpu.memory_space<vmem>>, vector<1x1x16xf32>,
        %get3A_1031 = vector.shape_cast %get3A_1030 : vector<1x1x16xf32> to vector<16xf32>
        %add3A_1032 = arith.addf %add3A_1025, %get3A_1031 : vector<16xf32>
        %get3A_1033 = arith.constant 14 : i32
        %get3A_1034 = arith.index_cast %get3A_1033 : i32 to index
        %get3A_1035 = arith.index_cast %scan3A_496 : i32 to index
        %get3A_1036 = arith.constant 48 : index
        %get3A_1037 = tpu.vector_load %arg6[%get3A_1034, %get3A_1035, %get3A_1036] {strides = array<i32>} : memref<20x32x128xf32, #tpu.memory_space<vmem>>, vector<1x1x16xf32>,
        %get3A_1038 = vector.shape_cast %get3A_1037 : vector<1x1x16xf32> to vector<16xf32>
        %add3A_1039 = arith.addf %add3A_1032, %get3A_1038 : vector<16xf32>
        %get3A_1040 = arith.constant 15 : i32
        %get3A_1041 = arith.index_cast %get3A_1040 : i32 to index
        %get3A_1042 = arith.index_cast %scan3A_496 : i32 to index
        %get3A_1043 = arith.constant 48 : index
        %get3A_1044 = tpu.vector_load %arg6[%get3A_1041, %get3A_1042, %get3A_1043] {strides = array<i32>} : memref<20x32x128xf32, #tpu.memory_space<vmem>>, vector<1x1x16xf32>,
        %get3A_1045 = vector.shape_cast %get3A_1044 : vector<1x1x16xf32> to vector<16xf32>
        %add3A_1046 = arith.addf %add3A_1039, %get3A_1045 : vector<16xf32>
        %get3A_1047 = arith.constant 16 : i32
        %get3A_1048 = arith.index_cast %get3A_1047 : i32 to index
        %get3A_1049 = arith.index_cast %scan3A_496 : i32 to index
        %get3A_1050 = arith.constant 48 : index
        %get3A_1051 = tpu.vector_load %arg6[%get3A_1048, %get3A_1049, %get3A_1050] {strides = array<i32>} : memref<20x32x128xf32, #tpu.memory_space<vmem>>, vector<1x1x16xf32>,
        %get3A_1052 = vector.shape_cast %get3A_1051 : vector<1x1x16xf32> to vector<16xf32>
        %add3A_1053 = arith.addf %add3A_1046, %get3A_1052 : vector<16xf32>
        %get3A_1054 = arith.constant 17 : i32
        %get3A_1055 = arith.index_cast %get3A_1054 : i32 to index
        %get3A_1056 = arith.index_cast %scan3A_496 : i32 to index
        %get3A_1057 = arith.constant 48 : index
        %get3A_1058 = tpu.vector_load %arg6[%get3A_1055, %get3A_1056, %get3A_1057] {strides = array<i32>} : memref<20x32x128xf32, #tpu.memory_space<vmem>>, vector<1x1x16xf32>,
        %get3A_1059 = vector.shape_cast %get3A_1058 : vector<1x1x16xf32> to vector<16xf32>
        %add3A_1060 = arith.addf %add3A_1053, %get3A_1059 : vector<16xf32>
        %get3A_1061 = arith.constant 18 : i32
        %get3A_1062 = arith.index_cast %get3A_1061 : i32 to index
        %get3A_1063 = arith.index_cast %scan3A_496 : i32 to index
        %get3A_1064 = arith.constant 48 : index
        %get3A_1065 = tpu.vector_load %arg6[%get3A_1062, %get3A_1063, %get3A_1064] {strides = array<i32>} : memref<20x32x128xf32, #tpu.memory_space<vmem>>, vector<1x1x16xf32>,
        %get3A_1066 = vector.shape_cast %get3A_1065 : vector<1x1x16xf32> to vector<16xf32>
        %add3A_1067 = arith.addf %add3A_1060, %get3A_1066 : vector<16xf32>
        %get3A_1068 = arith.constant 19 : i32
        %get3A_1069 = arith.index_cast %get3A_1068 : i32 to index
        %get3A_1070 = arith.index_cast %scan3A_496 : i32 to index
        %get3A_1071 = arith.constant 48 : index
        %get3A_1072 = tpu.vector_load %arg6[%get3A_1069, %get3A_1070, %get3A_1071] {strides = array<i32>} : memref<20x32x128xf32, #tpu.memory_space<vmem>>, vector<1x1x16xf32>,
        %get3A_1073 = vector.shape_cast %get3A_1072 : vector<1x1x16xf32> to vector<16xf32>
        %add3A_1074 = arith.addf %add3A_1067, %get3A_1073 : vector<16xf32>
        %mul3A_1075 = arith.constant 5.000000e-02 : f32
        %mul3A_1076 = vector.broadcast %mul3A_1075 : f32 to vector<16xf32>
        %mul3A_1077 = arith.mulf %add3A_1074, %mul3A_1076 : vector<16xf32>
        %swap3A_1078 = arith.index_cast %scan3A_496 : i32 to index
        %swap3A_1079 = arith.constant 48 : index
        %swap3A_1080 = tpu.vector_load %arg7[%swap3A_1078, %swap3A_1079] {strides = array<i32>} : memref<32x128xf32, #tpu.memory_space<vmem>>, vector<1x16xf32>,
        %swap3A_1081 = vector.shape_cast %swap3A_1080 : vector<1x16xf32> to vector<16xf32>
        %swap3A_1082 = vector.shape_cast %mul3A_1077 : vector<16xf32> to vector<1x16xf32>
        tpu.vector_store %arg7[%swap3A_1078, %swap3A_1079], %swap3A_1082 {strides = array<i32>} : memref<32x128xf32, #tpu.memory_space<vmem>>, vector<1x16xf32>,
        %get3A_1083 = arith.constant 0 : i32
        %get3A_1084 = arith.index_cast %get3A_1083 : i32 to index
        %get3A_1085 = arith.index_cast %scan3A_496 : i32 to index
        %get3A_1086 = arith.constant 64 : index
        %get3A_1087 = tpu.vector_load %arg6[%get3A_1084, %get3A_1085, %get3A_1086] {strides = array<i32>} : memref<20x32x128xf32, #tpu.memory_space<vmem>>, vector<1x1x16xf32>,
        %get3A_1088 = vector.shape_cast %get3A_1087 : vector<1x1x16xf32> to vector<16xf32>
        %get3A_1089 = arith.constant 1 : i32
        %get3A_1090 = arith.index_cast %get3A_1089 : i32 to index
        %get3A_1091 = arith.index_cast %scan3A_496 : i32 to index
        %get3A_1092 = arith.constant 64 : index
        %get3A_1093 = tpu.vector_load %arg6[%get3A_1090, %get3A_1091, %get3A_1092] {strides = array<i32>} : memref<20x32x128xf32, #tpu.memory_space<vmem>>, vector<1x1x16xf32>,
        %get3A_1094 = vector.shape_cast %get3A_1093 : vector<1x1x16xf32> to vector<16xf32>
        %add3A_1095 = arith.addf %get3A_1088, %get3A_1094 : vector<16xf32>
        %get3A_1096 = arith.constant 2 : i32
        %get3A_1097 = arith.index_cast %get3A_1096 : i32 to index
        %get3A_1098 = arith.index_cast %scan3A_496 : i32 to index
        %get3A_1099 = arith.constant 64 : index
        %get3A_1100 = tpu.vector_load %arg6[%get3A_1097, %get3A_1098, %get3A_1099] {strides = array<i32>} : memref<20x32x128xf32, #tpu.memory_space<vmem>>, vector<1x1x16xf32>,
        %get3A_1101 = vector.shape_cast %get3A_1100 : vector<1x1x16xf32> to vector<16xf32>
        %add3A_1102 = arith.addf %add3A_1095, %get3A_1101 : vector<16xf32>
        %get3A_1103 = arith.constant 3 : i32
        %get3A_1104 = arith.index_cast %get3A_1103 : i32 to index
        %get3A_1105 = arith.index_cast %scan3A_496 : i32 to index
        %get3A_1106 = arith.constant 64 : index
        %get3A_1107 = tpu.vector_load %arg6[%get3A_1104, %get3A_1105, %get3A_1106] {strides = array<i32>} : memref<20x32x128xf32, #tpu.memory_space<vmem>>, vector<1x1x16xf32>,
        %get3A_1108 = vector.shape_cast %get3A_1107 : vector<1x1x16xf32> to vector<16xf32>
        %add3A_1109 = arith.addf %add3A_1102, %get3A_1108 : vector<16xf32>
        %get3A_1110 = arith.constant 4 : i32
        %get3A_1111 = arith.index_cast %get3A_1110 : i32 to index
        %get3A_1112 = arith.index_cast %scan3A_496 : i32 to index
        %get3A_1113 = arith.constant 64 : index
        %get3A_1114 = tpu.vector_load %arg6[%get3A_1111, %get3A_1112, %get3A_1113] {strides = array<i32>} : memref<20x32x128xf32, #tpu.memory_space<vmem>>, vector<1x1x16xf32>,
        %get3A_1115 = vector.shape_cast %get3A_1114 : vector<1x1x16xf32> to vector<16xf32>
        %add3A_1116 = arith.addf %add3A_1109, %get3A_1115 : vector<16xf32>
        %get3A_1117 = arith.constant 5 : i32
        %get3A_1118 = arith.index_cast %get3A_1117 : i32 to index
        %get3A_1119 = arith.index_cast %scan3A_496 : i32 to index
        %get3A_1120 = arith.constant 64 : index
        %get3A_1121 = tpu.vector_load %arg6[%get3A_1118, %get3A_1119, %get3A_1120] {strides = array<i32>} : memref<20x32x128xf32, #tpu.memory_space<vmem>>, vector<1x1x16xf32>,
        %get3A_1122 = vector.shape_cast %get3A_1121 : vector<1x1x16xf32> to vector<16xf32>
        %add3A_1123 = arith.addf %add3A_1116, %get3A_1122 : vector<16xf32>
        %get3A_1124 = arith.constant 6 : i32
        %get3A_1125 = arith.index_cast %get3A_1124 : i32 to index
        %get3A_1126 = arith.index_cast %scan3A_496 : i32 to index
        %get3A_1127 = arith.constant 64 : index
        %get3A_1128 = tpu.vector_load %arg6[%get3A_1125, %get3A_1126, %get3A_1127] {strides = array<i32>} : memref<20x32x128xf32, #tpu.memory_space<vmem>>, vector<1x1x16xf32>,
        %get3A_1129 = vector.shape_cast %get3A_1128 : vector<1x1x16xf32> to vector<16xf32>
        %add3A_1130 = arith.addf %add3A_1123, %get3A_1129 : vector<16xf32>
        %get3A_1131 = arith.constant 7 : i32
        %get3A_1132 = arith.index_cast %get3A_1131 : i32 to index
        %get3A_1133 = arith.index_cast %scan3A_496 : i32 to index
        %get3A_1134 = arith.constant 64 : index
        %get3A_1135 = tpu.vector_load %arg6[%get3A_1132, %get3A_1133, %get3A_1134] {strides = array<i32>} : memref<20x32x128xf32, #tpu.memory_space<vmem>>, vector<1x1x16xf32>,
        %get3A_1136 = vector.shape_cast %get3A_1135 : vector<1x1x16xf32> to vector<16xf32>
        %add3A_1137 = arith.addf %add3A_1130, %get3A_1136 : vector<16xf32>
        %get3A_1138 = arith.constant 8 : i32
        %get3A_1139 = arith.index_cast %get3A_1138 : i32 to index
        %get3A_1140 = arith.index_cast %scan3A_496 : i32 to index
        %get3A_1141 = arith.constant 64 : index
        %get3A_1142 = tpu.vector_load %arg6[%get3A_1139, %get3A_1140, %get3A_1141] {strides = array<i32>} : memref<20x32x128xf32, #tpu.memory_space<vmem>>, vector<1x1x16xf32>,
        %get3A_1143 = vector.shape_cast %get3A_1142 : vector<1x1x16xf32> to vector<16xf32>
        %add3A_1144 = arith.addf %add3A_1137, %get3A_1143 : vector<16xf32>
        %get3A_1145 = arith.constant 9 : i32
        %get3A_1146 = arith.index_cast %get3A_1145 : i32 to index
        %get3A_1147 = arith.index_cast %scan3A_496 : i32 to index
        %get3A_1148 = arith.constant 64 : index
        %get3A_1149 = tpu.vector_load %arg6[%get3A_1146, %get3A_1147, %get3A_1148] {strides = array<i32>} : memref<20x32x128xf32, #tpu.memory_space<vmem>>, vector<1x1x16xf32>,
        %get3A_1150 = vector.shape_cast %get3A_1149 : vector<1x1x16xf32> to vector<16xf32>
        %add3A_1151 = arith.addf %add3A_1144, %get3A_1150 : vector<16xf32>
        %get3A_1152 = arith.constant 10 : i32
        %get3A_1153 = arith.index_cast %get3A_1152 : i32 to index
        %get3A_1154 = arith.index_cast %scan3A_496 : i32 to index
        %get3A_1155 = arith.constant 64 : index
        %get3A_1156 = tpu.vector_load %arg6[%get3A_1153, %get3A_1154, %get3A_1155] {strides = array<i32>} : memref<20x32x128xf32, #tpu.memory_space<vmem>>, vector<1x1x16xf32>,
        %get3A_1157 = vector.shape_cast %get3A_1156 : vector<1x1x16xf32> to vector<16xf32>
        %add3A_1158 = arith.addf %add3A_1151, %get3A_1157 : vector<16xf32>
        %get3A_1159 = arith.constant 11 : i32
        %get3A_1160 = arith.index_cast %get3A_1159 : i32 to index
        %get3A_1161 = arith.index_cast %scan3A_496 : i32 to index
        %get3A_1162 = arith.constant 64 : index
        %get3A_1163 = tpu.vector_load %arg6[%get3A_1160, %get3A_1161, %get3A_1162] {strides = array<i32>} : memref<20x32x128xf32, #tpu.memory_space<vmem>>, vector<1x1x16xf32>,
        %get3A_1164 = vector.shape_cast %get3A_1163 : vector<1x1x16xf32> to vector<16xf32>
        %add3A_1165 = arith.addf %add3A_1158, %get3A_1164 : vector<16xf32>
        %get3A_1166 = arith.constant 12 : i32
        %get3A_1167 = arith.index_cast %get3A_1166 : i32 to index
        %get3A_1168 = arith.index_cast %scan3A_496 : i32 to index
        %get3A_1169 = arith.constant 64 : index
        %get3A_1170 = tpu.vector_load %arg6[%get3A_1167, %get3A_1168, %get3A_1169] {strides = array<i32>} : memref<20x32x128xf32, #tpu.memory_space<vmem>>, vector<1x1x16xf32>,
        %get3A_1171 = vector.shape_cast %get3A_1170 : vector<1x1x16xf32> to vector<16xf32>
        %add3A_1172 = arith.addf %add3A_1165, %get3A_1171 : vector<16xf32>
        %get3A_1173 = arith.constant 13 : i32
        %get3A_1174 = arith.index_cast %get3A_1173 : i32 to index
        %get3A_1175 = arith.index_cast %scan3A_496 : i32 to index
        %get3A_1176 = arith.constant 64 : index
        %get3A_1177 = tpu.vector_load %arg6[%get3A_1174, %get3A_1175, %get3A_1176] {strides = array<i32>} : memref<20x32x128xf32, #tpu.memory_space<vmem>>, vector<1x1x16xf32>,
        %get3A_1178 = vector.shape_cast %get3A_1177 : vector<1x1x16xf32> to vector<16xf32>
        %add3A_1179 = arith.addf %add3A_1172, %get3A_1178 : vector<16xf32>
        %get3A_1180 = arith.constant 14 : i32
        %get3A_1181 = arith.index_cast %get3A_1180 : i32 to index
        %get3A_1182 = arith.index_cast %scan3A_496 : i32 to index
        %get3A_1183 = arith.constant 64 : index
        %get3A_1184 = tpu.vector_load %arg6[%get3A_1181, %get3A_1182, %get3A_1183] {strides = array<i32>} : memref<20x32x128xf32, #tpu.memory_space<vmem>>, vector<1x1x16xf32>,
        %get3A_1185 = vector.shape_cast %get3A_1184 : vector<1x1x16xf32> to vector<16xf32>
        %add3A_1186 = arith.addf %add3A_1179, %get3A_1185 : vector<16xf32>
        %get3A_1187 = arith.constant 15 : i32
        %get3A_1188 = arith.index_cast %get3A_1187 : i32 to index
        %get3A_1189 = arith.index_cast %scan3A_496 : i32 to index
        %get3A_1190 = arith.constant 64 : index
        %get3A_1191 = tpu.vector_load %arg6[%get3A_1188, %get3A_1189, %get3A_1190] {strides = array<i32>} : memref<20x32x128xf32, #tpu.memory_space<vmem>>, vector<1x1x16xf32>,
        %get3A_1192 = vector.shape_cast %get3A_1191 : vector<1x1x16xf32> to vector<16xf32>
        %add3A_1193 = arith.addf %add3A_1186, %get3A_1192 : vector<16xf32>
        %get3A_1194 = arith.constant 16 : i32
        %get3A_1195 = arith.index_cast %get3A_1194 : i32 to index
        %get3A_1196 = arith.index_cast %scan3A_496 : i32 to index
        %get3A_1197 = arith.constant 64 : index
        %get3A_1198 = tpu.vector_load %arg6[%get3A_1195, %get3A_1196, %get3A_1197] {strides = array<i32>} : memref<20x32x128xf32, #tpu.memory_space<vmem>>, vector<1x1x16xf32>,
        %get3A_1199 = vector.shape_cast %get3A_1198 : vector<1x1x16xf32> to vector<16xf32>
        %add3A_1200 = arith.addf %add3A_1193, %get3A_1199 : vector<16xf32>
        %get3A_1201 = arith.constant 17 : i32
        %get3A_1202 = arith.index_cast %get3A_1201 : i32 to index
        %get3A_1203 = arith.index_cast %scan3A_496 : i32 to index
        %get3A_1204 = arith.constant 64 : index
        %get3A_1205 = tpu.vector_load %arg6[%get3A_1202, %get3A_1203, %get3A_1204] {strides = array<i32>} : memref<20x32x128xf32, #tpu.memory_space<vmem>>, vector<1x1x16xf32>,
        %get3A_1206 = vector.shape_cast %get3A_1205 : vector<1x1x16xf32> to vector<16xf32>
        %add3A_1207 = arith.addf %add3A_1200, %get3A_1206 : vector<16xf32>
        %get3A_1208 = arith.constant 18 : i32
        %get3A_1209 = arith.index_cast %get3A_1208 : i32 to index
        %get3A_1210 = arith.index_cast %scan3A_496 : i32 to index
        %get3A_1211 = arith.constant 64 : index
        %get3A_1212 = tpu.vector_load %arg6[%get3A_1209, %get3A_1210, %get3A_1211] {strides = array<i32>} : memref<20x32x128xf32, #tpu.memory_space<vmem>>, vector<1x1x16xf32>,
        %get3A_1213 = vector.shape_cast %get3A_1212 : vector<1x1x16xf32> to vector<16xf32>
        %add3A_1214 = arith.addf %add3A_1207, %get3A_1213 : vector<16xf32>
        %get3A_1215 = arith.constant 19 : i32
        %get3A_1216 = arith.index_cast %get3A_1215 : i32 to index
        %get3A_1217 = arith.index_cast %scan3A_496 : i32 to index
        %get3A_1218 = arith.constant 64 : index
        %get3A_1219 = tpu.vector_load %arg6[%get3A_1216, %get3A_1217, %get3A_1218] {strides = array<i32>} : memref<20x32x128xf32, #tpu.memory_space<vmem>>, vector<1x1x16xf32>,
        %get3A_1220 = vector.shape_cast %get3A_1219 : vector<1x1x16xf32> to vector<16xf32>
        %add3A_1221 = arith.addf %add3A_1214, %get3A_1220 : vector<16xf32>
        %mul3A_1222 = arith.constant 5.000000e-02 : f32
        %mul3A_1223 = vector.broadcast %mul3A_1222 : f32 to vector<16xf32>
        %mul3A_1224 = arith.mulf %add3A_1221, %mul3A_1223 : vector<16xf32>
        %swap3A_1225 = arith.index_cast %scan3A_496 : i32 to index
        %swap3A_1226 = arith.constant 64 : index
        %swap3A_1227 = tpu.vector_load %arg7[%swap3A_1225, %swap3A_1226] {strides = array<i32>} : memref<32x128xf32, #tpu.memory_space<vmem>>, vector<1x16xf32>,
        %swap3A_1228 = vector.shape_cast %swap3A_1227 : vector<1x16xf32> to vector<16xf32>
        %swap3A_1229 = vector.shape_cast %mul3A_1224 : vector<16xf32> to vector<1x16xf32>
        tpu.vector_store %arg7[%swap3A_1225, %swap3A_1226], %swap3A_1229 {strides = array<i32>} : memref<32x128xf32, #tpu.memory_space<vmem>>, vector<1x16xf32>,
        %get3A_1230 = arith.constant 0 : i32
        %get3A_1231 = arith.index_cast %get3A_1230 : i32 to index
        %get3A_1232 = arith.index_cast %scan3A_496 : i32 to index
        %get3A_1233 = arith.constant 80 : index
        %get3A_1234 = tpu.vector_load %arg6[%get3A_1231, %get3A_1232, %get3A_1233] {strides = array<i32>} : memref<20x32x128xf32, #tpu.memory_space<vmem>>, vector<1x1x16xf32>,
        %get3A_1235 = vector.shape_cast %get3A_1234 : vector<1x1x16xf32> to vector<16xf32>
        %get3A_1236 = arith.constant 1 : i32
        %get3A_1237 = arith.index_cast %get3A_1236 : i32 to index
        %get3A_1238 = arith.index_cast %scan3A_496 : i32 to index
        %get3A_1239 = arith.constant 80 : index
        %get3A_1240 = tpu.vector_load %arg6[%get3A_1237, %get3A_1238, %get3A_1239] {strides = array<i32>} : memref<20x32x128xf32, #tpu.memory_space<vmem>>, vector<1x1x16xf32>,
        %get3A_1241 = vector.shape_cast %get3A_1240 : vector<1x1x16xf32> to vector<16xf32>
        %add3A_1242 = arith.addf %get3A_1235, %get3A_1241 : vector<16xf32>
        %get3A_1243 = arith.constant 2 : i32
        %get3A_1244 = arith.index_cast %get3A_1243 : i32 to index
        %get3A_1245 = arith.index_cast %scan3A_496 : i32 to index
        %get3A_1246 = arith.constant 80 : index
        %get3A_1247 = tpu.vector_load %arg6[%get3A_1244, %get3A_1245, %get3A_1246] {strides = array<i32>} : memref<20x32x128xf32, #tpu.memory_space<vmem>>, vector<1x1x16xf32>,
        %get3A_1248 = vector.shape_cast %get3A_1247 : vector<1x1x16xf32> to vector<16xf32>
        %add3A_1249 = arith.addf %add3A_1242, %get3A_1248 : vector<16xf32>
        %get3A_1250 = arith.constant 3 : i32
        %get3A_1251 = arith.index_cast %get3A_1250 : i32 to index
        %get3A_1252 = arith.index_cast %scan3A_496 : i32 to index
        %get3A_1253 = arith.constant 80 : index
        %get3A_1254 = tpu.vector_load %arg6[%get3A_1251, %get3A_1252, %get3A_1253] {strides = array<i32>} : memref<20x32x128xf32, #tpu.memory_space<vmem>>, vector<1x1x16xf32>,
        %get3A_1255 = vector.shape_cast %get3A_1254 : vector<1x1x16xf32> to vector<16xf32>
        %add3A_1256 = arith.addf %add3A_1249, %get3A_1255 : vector<16xf32>
        %get3A_1257 = arith.constant 4 : i32
        %get3A_1258 = arith.index_cast %get3A_1257 : i32 to index
        %get3A_1259 = arith.index_cast %scan3A_496 : i32 to index
        %get3A_1260 = arith.constant 80 : index
        %get3A_1261 = tpu.vector_load %arg6[%get3A_1258, %get3A_1259, %get3A_1260] {strides = array<i32>} : memref<20x32x128xf32, #tpu.memory_space<vmem>>, vector<1x1x16xf32>,
        %get3A_1262 = vector.shape_cast %get3A_1261 : vector<1x1x16xf32> to vector<16xf32>
        %add3A_1263 = arith.addf %add3A_1256, %get3A_1262 : vector<16xf32>
        %get3A_1264 = arith.constant 5 : i32
        %get3A_1265 = arith.index_cast %get3A_1264 : i32 to index
        %get3A_1266 = arith.index_cast %scan3A_496 : i32 to index
        %get3A_1267 = arith.constant 80 : index
        %get3A_1268 = tpu.vector_load %arg6[%get3A_1265, %get3A_1266, %get3A_1267] {strides = array<i32>} : memref<20x32x128xf32, #tpu.memory_space<vmem>>, vector<1x1x16xf32>,
        %get3A_1269 = vector.shape_cast %get3A_1268 : vector<1x1x16xf32> to vector<16xf32>
        %add3A_1270 = arith.addf %add3A_1263, %get3A_1269 : vector<16xf32>
        %get3A_1271 = arith.constant 6 : i32
        %get3A_1272 = arith.index_cast %get3A_1271 : i32 to index
        %get3A_1273 = arith.index_cast %scan3A_496 : i32 to index
        %get3A_1274 = arith.constant 80 : index
        %get3A_1275 = tpu.vector_load %arg6[%get3A_1272, %get3A_1273, %get3A_1274] {strides = array<i32>} : memref<20x32x128xf32, #tpu.memory_space<vmem>>, vector<1x1x16xf32>,
        %get3A_1276 = vector.shape_cast %get3A_1275 : vector<1x1x16xf32> to vector<16xf32>
        %add3A_1277 = arith.addf %add3A_1270, %get3A_1276 : vector<16xf32>
        %get3A_1278 = arith.constant 7 : i32
        %get3A_1279 = arith.index_cast %get3A_1278 : i32 to index
        %get3A_1280 = arith.index_cast %scan3A_496 : i32 to index
        %get3A_1281 = arith.constant 80 : index
        %get3A_1282 = tpu.vector_load %arg6[%get3A_1279, %get3A_1280, %get3A_1281] {strides = array<i32>} : memref<20x32x128xf32, #tpu.memory_space<vmem>>, vector<1x1x16xf32>,
        %get3A_1283 = vector.shape_cast %get3A_1282 : vector<1x1x16xf32> to vector<16xf32>
        %add3A_1284 = arith.addf %add3A_1277, %get3A_1283 : vector<16xf32>
        %get3A_1285 = arith.constant 8 : i32
        %get3A_1286 = arith.index_cast %get3A_1285 : i32 to index
        %get3A_1287 = arith.index_cast %scan3A_496 : i32 to index
        %get3A_1288 = arith.constant 80 : index
        %get3A_1289 = tpu.vector_load %arg6[%get3A_1286, %get3A_1287, %get3A_1288] {strides = array<i32>} : memref<20x32x128xf32, #tpu.memory_space<vmem>>, vector<1x1x16xf32>,
        %get3A_1290 = vector.shape_cast %get3A_1289 : vector<1x1x16xf32> to vector<16xf32>
        %add3A_1291 = arith.addf %add3A_1284, %get3A_1290 : vector<16xf32>
        %get3A_1292 = arith.constant 9 : i32
        %get3A_1293 = arith.index_cast %get3A_1292 : i32 to index
        %get3A_1294 = arith.index_cast %scan3A_496 : i32 to index
        %get3A_1295 = arith.constant 80 : index
        %get3A_1296 = tpu.vector_load %arg6[%get3A_1293, %get3A_1294, %get3A_1295] {strides = array<i32>} : memref<20x32x128xf32, #tpu.memory_space<vmem>>, vector<1x1x16xf32>,
        %get3A_1297 = vector.shape_cast %get3A_1296 : vector<1x1x16xf32> to vector<16xf32>
        %add3A_1298 = arith.addf %add3A_1291, %get3A_1297 : vector<16xf32>
        %get3A_1299 = arith.constant 10 : i32
        %get3A_1300 = arith.index_cast %get3A_1299 : i32 to index
        %get3A_1301 = arith.index_cast %scan3A_496 : i32 to index
        %get3A_1302 = arith.constant 80 : index
        %get3A_1303 = tpu.vector_load %arg6[%get3A_1300, %get3A_1301, %get3A_1302] {strides = array<i32>} : memref<20x32x128xf32, #tpu.memory_space<vmem>>, vector<1x1x16xf32>,
        %get3A_1304 = vector.shape_cast %get3A_1303 : vector<1x1x16xf32> to vector<16xf32>
        %add3A_1305 = arith.addf %add3A_1298, %get3A_1304 : vector<16xf32>
        %get3A_1306 = arith.constant 11 : i32
        %get3A_1307 = arith.index_cast %get3A_1306 : i32 to index
        %get3A_1308 = arith.index_cast %scan3A_496 : i32 to index
        %get3A_1309 = arith.constant 80 : index
        %get3A_1310 = tpu.vector_load %arg6[%get3A_1307, %get3A_1308, %get3A_1309] {strides = array<i32>} : memref<20x32x128xf32, #tpu.memory_space<vmem>>, vector<1x1x16xf32>,
        %get3A_1311 = vector.shape_cast %get3A_1310 : vector<1x1x16xf32> to vector<16xf32>
        %add3A_1312 = arith.addf %add3A_1305, %get3A_1311 : vector<16xf32>
        %get3A_1313 = arith.constant 12 : i32
        %get3A_1314 = arith.index_cast %get3A_1313 : i32 to index
        %get3A_1315 = arith.index_cast %scan3A_496 : i32 to index
        %get3A_1316 = arith.constant 80 : index
        %get3A_1317 = tpu.vector_load %arg6[%get3A_1314, %get3A_1315, %get3A_1316] {strides = array<i32>} : memref<20x32x128xf32, #tpu.memory_space<vmem>>, vector<1x1x16xf32>,
        %get3A_1318 = vector.shape_cast %get3A_1317 : vector<1x1x16xf32> to vector<16xf32>
        %add3A_1319 = arith.addf %add3A_1312, %get3A_1318 : vector<16xf32>
        %get3A_1320 = arith.constant 13 : i32
        %get3A_1321 = arith.index_cast %get3A_1320 : i32 to index
        %get3A_1322 = arith.index_cast %scan3A_496 : i32 to index
        %get3A_1323 = arith.constant 80 : index
        %get3A_1324 = tpu.vector_load %arg6[%get3A_1321, %get3A_1322, %get3A_1323] {strides = array<i32>} : memref<20x32x128xf32, #tpu.memory_space<vmem>>, vector<1x1x16xf32>,
        %get3A_1325 = vector.shape_cast %get3A_1324 : vector<1x1x16xf32> to vector<16xf32>
        %add3A_1326 = arith.addf %add3A_1319, %get3A_1325 : vector<16xf32>
        %get3A_1327 = arith.constant 14 : i32
        %get3A_1328 = arith.index_cast %get3A_1327 : i32 to index
        %get3A_1329 = arith.index_cast %scan3A_496 : i32 to index
        %get3A_1330 = arith.constant 80 : index
        %get3A_1331 = tpu.vector_load %arg6[%get3A_1328, %get3A_1329, %get3A_1330] {strides = array<i32>} : memref<20x32x128xf32, #tpu.memory_space<vmem>>, vector<1x1x16xf32>,
        %get3A_1332 = vector.shape_cast %get3A_1331 : vector<1x1x16xf32> to vector<16xf32>
        %add3A_1333 = arith.addf %add3A_1326, %get3A_1332 : vector<16xf32>
        %get3A_1334 = arith.constant 15 : i32
        %get3A_1335 = arith.index_cast %get3A_1334 : i32 to index
        %get3A_1336 = arith.index_cast %scan3A_496 : i32 to index
        %get3A_1337 = arith.constant 80 : index
        %get3A_1338 = tpu.vector_load %arg6[%get3A_1335, %get3A_1336, %get3A_1337] {strides = array<i32>} : memref<20x32x128xf32, #tpu.memory_space<vmem>>, vector<1x1x16xf32>,
        %get3A_1339 = vector.shape_cast %get3A_1338 : vector<1x1x16xf32> to vector<16xf32>
        %add3A_1340 = arith.addf %add3A_1333, %get3A_1339 : vector<16xf32>
        %get3A_1341 = arith.constant 16 : i32
        %get3A_1342 = arith.index_cast %get3A_1341 : i32 to index
        %get3A_1343 = arith.index_cast %scan3A_496 : i32 to index
        %get3A_1344 = arith.constant 80 : index
        %get3A_1345 = tpu.vector_load %arg6[%get3A_1342, %get3A_1343, %get3A_1344] {strides = array<i32>} : memref<20x32x128xf32, #tpu.memory_space<vmem>>, vector<1x1x16xf32>,
        %get3A_1346 = vector.shape_cast %get3A_1345 : vector<1x1x16xf32> to vector<16xf32>
        %add3A_1347 = arith.addf %add3A_1340, %get3A_1346 : vector<16xf32>
        %get3A_1348 = arith.constant 17 : i32
        %get3A_1349 = arith.index_cast %get3A_1348 : i32 to index
        %get3A_1350 = arith.index_cast %scan3A_496 : i32 to index
        %get3A_1351 = arith.constant 80 : index
        %get3A_1352 = tpu.vector_load %arg6[%get3A_1349, %get3A_1350, %get3A_1351] {strides = array<i32>} : memref<20x32x128xf32, #tpu.memory_space<vmem>>, vector<1x1x16xf32>,
        %get3A_1353 = vector.shape_cast %get3A_1352 : vector<1x1x16xf32> to vector<16xf32>
        %add3A_1354 = arith.addf %add3A_1347, %get3A_1353 : vector<16xf32>
        %get3A_1355 = arith.constant 18 : i32
        %get3A_1356 = arith.index_cast %get3A_1355 : i32 to index
        %get3A_1357 = arith.index_cast %scan3A_496 : i32 to index
        %get3A_1358 = arith.constant 80 : index
        %get3A_1359 = tpu.vector_load %arg6[%get3A_1356, %get3A_1357, %get3A_1358] {strides = array<i32>} : memref<20x32x128xf32, #tpu.memory_space<vmem>>, vector<1x1x16xf32>,
        %get3A_1360 = vector.shape_cast %get3A_1359 : vector<1x1x16xf32> to vector<16xf32>
        %add3A_1361 = arith.addf %add3A_1354, %get3A_1360 : vector<16xf32>
        %get3A_1362 = arith.constant 19 : i32
        %get3A_1363 = arith.index_cast %get3A_1362 : i32 to index
        %get3A_1364 = arith.index_cast %scan3A_496 : i32 to index
        %get3A_1365 = arith.constant 80 : index
        %get3A_1366 = tpu.vector_load %arg6[%get3A_1363, %get3A_1364, %get3A_1365] {strides = array<i32>} : memref<20x32x128xf32, #tpu.memory_space<vmem>>, vector<1x1x16xf32>,
        %get3A_1367 = vector.shape_cast %get3A_1366 : vector<1x1x16xf32> to vector<16xf32>
        %add3A_1368 = arith.addf %add3A_1361, %get3A_1367 : vector<16xf32>
        %mul3A_1369 = arith.constant 5.000000e-02 : f32
        %mul3A_1370 = vector.broadcast %mul3A_1369 : f32 to vector<16xf32>
        %mul3A_1371 = arith.mulf %add3A_1368, %mul3A_1370 : vector<16xf32>
        %swap3A_1372 = arith.index_cast %scan3A_496 : i32 to index
        %swap3A_1373 = arith.constant 80 : index
        %swap3A_1374 = tpu.vector_load %arg7[%swap3A_1372, %swap3A_1373] {strides = array<i32>} : memref<32x128xf32, #tpu.memory_space<vmem>>, vector<1x16xf32>,
        %swap3A_1375 = vector.shape_cast %swap3A_1374 : vector<1x16xf32> to vector<16xf32>
        %swap3A_1376 = vector.shape_cast %mul3A_1371 : vector<16xf32> to vector<1x16xf32>
        tpu.vector_store %arg7[%swap3A_1372, %swap3A_1373], %swap3A_1376 {strides = array<i32>} : memref<32x128xf32, #tpu.memory_space<vmem>>, vector<1x16xf32>,
        %get3A_1377 = arith.constant 0 : i32
        %get3A_1378 = arith.index_cast %get3A_1377 : i32 to index
        %get3A_1379 = arith.index_cast %scan3A_496 : i32 to index
        %get3A_1380 = arith.constant 96 : index
        %get3A_1381 = tpu.vector_load %arg6[%get3A_1378, %get3A_1379, %get3A_1380] {strides = array<i32>} : memref<20x32x128xf32, #tpu.memory_space<vmem>>, vector<1x1x16xf32>,
        %get3A_1382 = vector.shape_cast %get3A_1381 : vector<1x1x16xf32> to vector<16xf32>
        %get3A_1383 = arith.constant 1 : i32
        %get3A_1384 = arith.index_cast %get3A_1383 : i32 to index
        %get3A_1385 = arith.index_cast %scan3A_496 : i32 to index
        %get3A_1386 = arith.constant 96 : index
        %get3A_1387 = tpu.vector_load %arg6[%get3A_1384, %get3A_1385, %get3A_1386] {strides = array<i32>} : memref<20x32x128xf32, #tpu.memory_space<vmem>>, vector<1x1x16xf32>,
        %get3A_1388 = vector.shape_cast %get3A_1387 : vector<1x1x16xf32> to vector<16xf32>
        %add3A_1389 = arith.addf %get3A_1382, %get3A_1388 : vector<16xf32>
        %get3A_1390 = arith.constant 2 : i32
        %get3A_1391 = arith.index_cast %get3A_1390 : i32 to index
        %get3A_1392 = arith.index_cast %scan3A_496 : i32 to index
        %get3A_1393 = arith.constant 96 : index
        %get3A_1394 = tpu.vector_load %arg6[%get3A_1391, %get3A_1392, %get3A_1393] {strides = array<i32>} : memref<20x32x128xf32, #tpu.memory_space<vmem>>, vector<1x1x16xf32>,
        %get3A_1395 = vector.shape_cast %get3A_1394 : vector<1x1x16xf32> to vector<16xf32>
        %add3A_1396 = arith.addf %add3A_1389, %get3A_1395 : vector<16xf32>
        %get3A_1397 = arith.constant 3 : i32
        %get3A_1398 = arith.index_cast %get3A_1397 : i32 to index
        %get3A_1399 = arith.index_cast %scan3A_496 : i32 to index
        %get3A_1400 = arith.constant 96 : index
        %get3A_1401 = tpu.vector_load %arg6[%get3A_1398, %get3A_1399, %get3A_1400] {strides = array<i32>} : memref<20x32x128xf32, #tpu.memory_space<vmem>>, vector<1x1x16xf32>,
        %get3A_1402 = vector.shape_cast %get3A_1401 : vector<1x1x16xf32> to vector<16xf32>
        %add3A_1403 = arith.addf %add3A_1396, %get3A_1402 : vector<16xf32>
        %get3A_1404 = arith.constant 4 : i32
        %get3A_1405 = arith.index_cast %get3A_1404 : i32 to index
        %get3A_1406 = arith.index_cast %scan3A_496 : i32 to index
        %get3A_1407 = arith.constant 96 : index
        %get3A_1408 = tpu.vector_load %arg6[%get3A_1405, %get3A_1406, %get3A_1407] {strides = array<i32>} : memref<20x32x128xf32, #tpu.memory_space<vmem>>, vector<1x1x16xf32>,
        %get3A_1409 = vector.shape_cast %get3A_1408 : vector<1x1x16xf32> to vector<16xf32>
        %add3A_1410 = arith.addf %add3A_1403, %get3A_1409 : vector<16xf32>
        %get3A_1411 = arith.constant 5 : i32
        %get3A_1412 = arith.index_cast %get3A_1411 : i32 to index
        %get3A_1413 = arith.index_cast %scan3A_496 : i32 to index
        %get3A_1414 = arith.constant 96 : index
        %get3A_1415 = tpu.vector_load %arg6[%get3A_1412, %get3A_1413, %get3A_1414] {strides = array<i32>} : memref<20x32x128xf32, #tpu.memory_space<vmem>>, vector<1x1x16xf32>,
        %get3A_1416 = vector.shape_cast %get3A_1415 : vector<1x1x16xf32> to vector<16xf32>
        %add3A_1417 = arith.addf %add3A_1410, %get3A_1416 : vector<16xf32>
        %get3A_1418 = arith.constant 6 : i32
        %get3A_1419 = arith.index_cast %get3A_1418 : i32 to index
        %get3A_1420 = arith.index_cast %scan3A_496 : i32 to index
        %get3A_1421 = arith.constant 96 : index
        %get3A_1422 = tpu.vector_load %arg6[%get3A_1419, %get3A_1420, %get3A_1421] {strides = array<i32>} : memref<20x32x128xf32, #tpu.memory_space<vmem>>, vector<1x1x16xf32>,
        %get3A_1423 = vector.shape_cast %get3A_1422 : vector<1x1x16xf32> to vector<16xf32>
        %add3A_1424 = arith.addf %add3A_1417, %get3A_1423 : vector<16xf32>
        %get3A_1425 = arith.constant 7 : i32
        %get3A_1426 = arith.index_cast %get3A_1425 : i32 to index
        %get3A_1427 = arith.index_cast %scan3A_496 : i32 to index
        %get3A_1428 = arith.constant 96 : index
        %get3A_1429 = tpu.vector_load %arg6[%get3A_1426, %get3A_1427, %get3A_1428] {strides = array<i32>} : memref<20x32x128xf32, #tpu.memory_space<vmem>>, vector<1x1x16xf32>,
        %get3A_1430 = vector.shape_cast %get3A_1429 : vector<1x1x16xf32> to vector<16xf32>
        %add3A_1431 = arith.addf %add3A_1424, %get3A_1430 : vector<16xf32>
        %get3A_1432 = arith.constant 8 : i32
        %get3A_1433 = arith.index_cast %get3A_1432 : i32 to index
        %get3A_1434 = arith.index_cast %scan3A_496 : i32 to index
        %get3A_1435 = arith.constant 96 : index
        %get3A_1436 = tpu.vector_load %arg6[%get3A_1433, %get3A_1434, %get3A_1435] {strides = array<i32>} : memref<20x32x128xf32, #tpu.memory_space<vmem>>, vector<1x1x16xf32>,
        %get3A_1437 = vector.shape_cast %get3A_1436 : vector<1x1x16xf32> to vector<16xf32>
        %add3A_1438 = arith.addf %add3A_1431, %get3A_1437 : vector<16xf32>
        %get3A_1439 = arith.constant 9 : i32
        %get3A_1440 = arith.index_cast %get3A_1439 : i32 to index
        %get3A_1441 = arith.index_cast %scan3A_496 : i32 to index
        %get3A_1442 = arith.constant 96 : index
        %get3A_1443 = tpu.vector_load %arg6[%get3A_1440, %get3A_1441, %get3A_1442] {strides = array<i32>} : memref<20x32x128xf32, #tpu.memory_space<vmem>>, vector<1x1x16xf32>,
        %get3A_1444 = vector.shape_cast %get3A_1443 : vector<1x1x16xf32> to vector<16xf32>
        %add3A_1445 = arith.addf %add3A_1438, %get3A_1444 : vector<16xf32>
        %get3A_1446 = arith.constant 10 : i32
        %get3A_1447 = arith.index_cast %get3A_1446 : i32 to index
        %get3A_1448 = arith.index_cast %scan3A_496 : i32 to index
        %get3A_1449 = arith.constant 96 : index
        %get3A_1450 = tpu.vector_load %arg6[%get3A_1447, %get3A_1448, %get3A_1449] {strides = array<i32>} : memref<20x32x128xf32, #tpu.memory_space<vmem>>, vector<1x1x16xf32>,
        %get3A_1451 = vector.shape_cast %get3A_1450 : vector<1x1x16xf32> to vector<16xf32>
        %add3A_1452 = arith.addf %add3A_1445, %get3A_1451 : vector<16xf32>
        %get3A_1453 = arith.constant 11 : i32
        %get3A_1454 = arith.index_cast %get3A_1453 : i32 to index
        %get3A_1455 = arith.index_cast %scan3A_496 : i32 to index
        %get3A_1456 = arith.constant 96 : index
        %get3A_1457 = tpu.vector_load %arg6[%get3A_1454, %get3A_1455, %get3A_1456] {strides = array<i32>} : memref<20x32x128xf32, #tpu.memory_space<vmem>>, vector<1x1x16xf32>,
        %get3A_1458 = vector.shape_cast %get3A_1457 : vector<1x1x16xf32> to vector<16xf32>
        %add3A_1459 = arith.addf %add3A_1452, %get3A_1458 : vector<16xf32>
        %get3A_1460 = arith.constant 12 : i32
        %get3A_1461 = arith.index_cast %get3A_1460 : i32 to index
        %get3A_1462 = arith.index_cast %scan3A_496 : i32 to index
        %get3A_1463 = arith.constant 96 : index
        %get3A_1464 = tpu.vector_load %arg6[%get3A_1461, %get3A_1462, %get3A_1463] {strides = array<i32>} : memref<20x32x128xf32, #tpu.memory_space<vmem>>, vector<1x1x16xf32>,
        %get3A_1465 = vector.shape_cast %get3A_1464 : vector<1x1x16xf32> to vector<16xf32>
        %add3A_1466 = arith.addf %add3A_1459, %get3A_1465 : vector<16xf32>
        %get3A_1467 = arith.constant 13 : i32
        %get3A_1468 = arith.index_cast %get3A_1467 : i32 to index
        %get3A_1469 = arith.index_cast %scan3A_496 : i32 to index
        %get3A_1470 = arith.constant 96 : index
        %get3A_1471 = tpu.vector_load %arg6[%get3A_1468, %get3A_1469, %get3A_1470] {strides = array<i32>} : memref<20x32x128xf32, #tpu.memory_space<vmem>>, vector<1x1x16xf32>,
        %get3A_1472 = vector.shape_cast %get3A_1471 : vector<1x1x16xf32> to vector<16xf32>
        %add3A_1473 = arith.addf %add3A_1466, %get3A_1472 : vector<16xf32>
        %get3A_1474 = arith.constant 14 : i32
        %get3A_1475 = arith.index_cast %get3A_1474 : i32 to index
        %get3A_1476 = arith.index_cast %scan3A_496 : i32 to index
        %get3A_1477 = arith.constant 96 : index
        %get3A_1478 = tpu.vector_load %arg6[%get3A_1475, %get3A_1476, %get3A_1477] {strides = array<i32>} : memref<20x32x128xf32, #tpu.memory_space<vmem>>, vector<1x1x16xf32>,
        %get3A_1479 = vector.shape_cast %get3A_1478 : vector<1x1x16xf32> to vector<16xf32>
        %add3A_1480 = arith.addf %add3A_1473, %get3A_1479 : vector<16xf32>
        %get3A_1481 = arith.constant 15 : i32
        %get3A_1482 = arith.index_cast %get3A_1481 : i32 to index
        %get3A_1483 = arith.index_cast %scan3A_496 : i32 to index
        %get3A_1484 = arith.constant 96 : index
        %get3A_1485 = tpu.vector_load %arg6[%get3A_1482, %get3A_1483, %get3A_1484] {strides = array<i32>} : memref<20x32x128xf32, #tpu.memory_space<vmem>>, vector<1x1x16xf32>,
        %get3A_1486 = vector.shape_cast %get3A_1485 : vector<1x1x16xf32> to vector<16xf32>
        %add3A_1487 = arith.addf %add3A_1480, %get3A_1486 : vector<16xf32>
        %get3A_1488 = arith.constant 16 : i32
        %get3A_1489 = arith.index_cast %get3A_1488 : i32 to index
        %get3A_1490 = arith.index_cast %scan3A_496 : i32 to index
        %get3A_1491 = arith.constant 96 : index
        %get3A_1492 = tpu.vector_load %arg6[%get3A_1489, %get3A_1490, %get3A_1491] {strides = array<i32>} : memref<20x32x128xf32, #tpu.memory_space<vmem>>, vector<1x1x16xf32>,
        %get3A_1493 = vector.shape_cast %get3A_1492 : vector<1x1x16xf32> to vector<16xf32>
        %add3A_1494 = arith.addf %add3A_1487, %get3A_1493 : vector<16xf32>
        %get3A_1495 = arith.constant 17 : i32
        %get3A_1496 = arith.index_cast %get3A_1495 : i32 to index
        %get3A_1497 = arith.index_cast %scan3A_496 : i32 to index
        %get3A_1498 = arith.constant 96 : index
        %get3A_1499 = tpu.vector_load %arg6[%get3A_1496, %get3A_1497, %get3A_1498] {strides = array<i32>} : memref<20x32x128xf32, #tpu.memory_space<vmem>>, vector<1x1x16xf32>,
        %get3A_1500 = vector.shape_cast %get3A_1499 : vector<1x1x16xf32> to vector<16xf32>
        %add3A_1501 = arith.addf %add3A_1494, %get3A_1500 : vector<16xf32>
        %get3A_1502 = arith.constant 18 : i32
        %get3A_1503 = arith.index_cast %get3A_1502 : i32 to index
        %get3A_1504 = arith.index_cast %scan3A_496 : i32 to index
        %get3A_1505 = arith.constant 96 : index
        %get3A_1506 = tpu.vector_load %arg6[%get3A_1503, %get3A_1504, %get3A_1505] {strides = array<i32>} : memref<20x32x128xf32, #tpu.memory_space<vmem>>, vector<1x1x16xf32>,
        %get3A_1507 = vector.shape_cast %get3A_1506 : vector<1x1x16xf32> to vector<16xf32>
        %add3A_1508 = arith.addf %add3A_1501, %get3A_1507 : vector<16xf32>
        %get3A_1509 = arith.constant 19 : i32
        %get3A_1510 = arith.index_cast %get3A_1509 : i32 to index
        %get3A_1511 = arith.index_cast %scan3A_496 : i32 to index
        %get3A_1512 = arith.constant 96 : index
        %get3A_1513 = tpu.vector_load %arg6[%get3A_1510, %get3A_1511, %get3A_1512] {strides = array<i32>} : memref<20x32x128xf32, #tpu.memory_space<vmem>>, vector<1x1x16xf32>,
        %get3A_1514 = vector.shape_cast %get3A_1513 : vector<1x1x16xf32> to vector<16xf32>
        %add3A_1515 = arith.addf %add3A_1508, %get3A_1514 : vector<16xf32>
        %mul3A_1516 = arith.constant 5.000000e-02 : f32
        %mul3A_1517 = vector.broadcast %mul3A_1516 : f32 to vector<16xf32>
        %mul3A_1518 = arith.mulf %add3A_1515, %mul3A_1517 : vector<16xf32>
        %swap3A_1519 = arith.index_cast %scan3A_496 : i32 to index
        %swap3A_1520 = arith.constant 96 : index
        %swap3A_1521 = tpu.vector_load %arg7[%swap3A_1519, %swap3A_1520] {strides = array<i32>} : memref<32x128xf32, #tpu.memory_space<vmem>>, vector<1x16xf32>,
        %swap3A_1522 = vector.shape_cast %swap3A_1521 : vector<1x16xf32> to vector<16xf32>
        %swap3A_1523 = vector.shape_cast %mul3A_1518 : vector<16xf32> to vector<1x16xf32>
        tpu.vector_store %arg7[%swap3A_1519, %swap3A_1520], %swap3A_1523 {strides = array<i32>} : memref<32x128xf32, #tpu.memory_space<vmem>>, vector<1x16xf32>,
        %get3A_1524 = arith.constant 0 : i32
        %get3A_1525 = arith.index_cast %get3A_1524 : i32 to index
        %get3A_1526 = arith.index_cast %scan3A_496 : i32 to index
        %get3A_1527 = arith.constant 112 : index
        %get3A_1528 = tpu.vector_load %arg6[%get3A_1525, %get3A_1526, %get3A_1527] {strides = array<i32>} : memref<20x32x128xf32, #tpu.memory_space<vmem>>, vector<1x1x16xf32>,
        %get3A_1529 = vector.shape_cast %get3A_1528 : vector<1x1x16xf32> to vector<16xf32>
        %get3A_1530 = arith.constant 1 : i32
        %get3A_1531 = arith.index_cast %get3A_1530 : i32 to index
        %get3A_1532 = arith.index_cast %scan3A_496 : i32 to index
        %get3A_1533 = arith.constant 112 : index
        %get3A_1534 = tpu.vector_load %arg6[%get3A_1531, %get3A_1532, %get3A_1533] {strides = array<i32>} : memref<20x32x128xf32, #tpu.memory_space<vmem>>, vector<1x1x16xf32>,
        %get3A_1535 = vector.shape_cast %get3A_1534 : vector<1x1x16xf32> to vector<16xf32>
        %add3A_1536 = arith.addf %get3A_1529, %get3A_1535 : vector<16xf32>
        %get3A_1537 = arith.constant 2 : i32
        %get3A_1538 = arith.index_cast %get3A_1537 : i32 to index
        %get3A_1539 = arith.index_cast %scan3A_496 : i32 to index
        %get3A_1540 = arith.constant 112 : index
        %get3A_1541 = tpu.vector_load %arg6[%get3A_1538, %get3A_1539, %get3A_1540] {strides = array<i32>} : memref<20x32x128xf32, #tpu.memory_space<vmem>>, vector<1x1x16xf32>,
        %get3A_1542 = vector.shape_cast %get3A_1541 : vector<1x1x16xf32> to vector<16xf32>
        %add3A_1543 = arith.addf %add3A_1536, %get3A_1542 : vector<16xf32>
        %get3A_1544 = arith.constant 3 : i32
        %get3A_1545 = arith.index_cast %get3A_1544 : i32 to index
        %get3A_1546 = arith.index_cast %scan3A_496 : i32 to index
        %get3A_1547 = arith.constant 112 : index
        %get3A_1548 = tpu.vector_load %arg6[%get3A_1545, %get3A_1546, %get3A_1547] {strides = array<i32>} : memref<20x32x128xf32, #tpu.memory_space<vmem>>, vector<1x1x16xf32>,
        %get3A_1549 = vector.shape_cast %get3A_1548 : vector<1x1x16xf32> to vector<16xf32>
        %add3A_1550 = arith.addf %add3A_1543, %get3A_1549 : vector<16xf32>
        %get3A_1551 = arith.constant 4 : i32
        %get3A_1552 = arith.index_cast %get3A_1551 : i32 to index
        %get3A_1553 = arith.index_cast %scan3A_496 : i32 to index
        %get3A_1554 = arith.constant 112 : index
        %get3A_1555 = tpu.vector_load %arg6[%get3A_1552, %get3A_1553, %get3A_1554] {strides = array<i32>} : memref<20x32x128xf32, #tpu.memory_space<vmem>>, vector<1x1x16xf32>,
        %get3A_1556 = vector.shape_cast %get3A_1555 : vector<1x1x16xf32> to vector<16xf32>
        %add3A_1557 = arith.addf %add3A_1550, %get3A_1556 : vector<16xf32>
        %get3A_1558 = arith.constant 5 : i32
        %get3A_1559 = arith.index_cast %get3A_1558 : i32 to index
        %get3A_1560 = arith.index_cast %scan3A_496 : i32 to index
        %get3A_1561 = arith.constant 112 : index
        %get3A_1562 = tpu.vector_load %arg6[%get3A_1559, %get3A_1560, %get3A_1561] {strides = array<i32>} : memref<20x32x128xf32, #tpu.memory_space<vmem>>, vector<1x1x16xf32>,
        %get3A_1563 = vector.shape_cast %get3A_1562 : vector<1x1x16xf32> to vector<16xf32>
        %add3A_1564 = arith.addf %add3A_1557, %get3A_1563 : vector<16xf32>
        %get3A_1565 = arith.constant 6 : i32
        %get3A_1566 = arith.index_cast %get3A_1565 : i32 to index
        %get3A_1567 = arith.index_cast %scan3A_496 : i32 to index
        %get3A_1568 = arith.constant 112 : index
        %get3A_1569 = tpu.vector_load %arg6[%get3A_1566, %get3A_1567, %get3A_1568] {strides = array<i32>} : memref<20x32x128xf32, #tpu.memory_space<vmem>>, vector<1x1x16xf32>,
        %get3A_1570 = vector.shape_cast %get3A_1569 : vector<1x1x16xf32> to vector<16xf32>
        %add3A_1571 = arith.addf %add3A_1564, %get3A_1570 : vector<16xf32>
        %get3A_1572 = arith.constant 7 : i32
        %get3A_1573 = arith.index_cast %get3A_1572 : i32 to index
        %get3A_1574 = arith.index_cast %scan3A_496 : i32 to index
        %get3A_1575 = arith.constant 112 : index
        %get3A_1576 = tpu.vector_load %arg6[%get3A_1573, %get3A_1574, %get3A_1575] {strides = array<i32>} : memref<20x32x128xf32, #tpu.memory_space<vmem>>, vector<1x1x16xf32>,
        %get3A_1577 = vector.shape_cast %get3A_1576 : vector<1x1x16xf32> to vector<16xf32>
        %add3A_1578 = arith.addf %add3A_1571, %get3A_1577 : vector<16xf32>
        %get3A_1579 = arith.constant 8 : i32
        %get3A_1580 = arith.index_cast %get3A_1579 : i32 to index
        %get3A_1581 = arith.index_cast %scan3A_496 : i32 to index
        %get3A_1582 = arith.constant 112 : index
        %get3A_1583 = tpu.vector_load %arg6[%get3A_1580, %get3A_1581, %get3A_1582] {strides = array<i32>} : memref<20x32x128xf32, #tpu.memory_space<vmem>>, vector<1x1x16xf32>,
        %get3A_1584 = vector.shape_cast %get3A_1583 : vector<1x1x16xf32> to vector<16xf32>
        %add3A_1585 = arith.addf %add3A_1578, %get3A_1584 : vector<16xf32>
        %get3A_1586 = arith.constant 9 : i32
        %get3A_1587 = arith.index_cast %get3A_1586 : i32 to index
        %get3A_1588 = arith.index_cast %scan3A_496 : i32 to index
        %get3A_1589 = arith.constant 112 : index
        %get3A_1590 = tpu.vector_load %arg6[%get3A_1587, %get3A_1588, %get3A_1589] {strides = array<i32>} : memref<20x32x128xf32, #tpu.memory_space<vmem>>, vector<1x1x16xf32>,
        %get3A_1591 = vector.shape_cast %get3A_1590 : vector<1x1x16xf32> to vector<16xf32>
        %add3A_1592 = arith.addf %add3A_1585, %get3A_1591 : vector<16xf32>
        %get3A_1593 = arith.constant 10 : i32
        %get3A_1594 = arith.index_cast %get3A_1593 : i32 to index
        %get3A_1595 = arith.index_cast %scan3A_496 : i32 to index
        %get3A_1596 = arith.constant 112 : index
        %get3A_1597 = tpu.vector_load %arg6[%get3A_1594, %get3A_1595, %get3A_1596] {strides = array<i32>} : memref<20x32x128xf32, #tpu.memory_space<vmem>>, vector<1x1x16xf32>,
        %get3A_1598 = vector.shape_cast %get3A_1597 : vector<1x1x16xf32> to vector<16xf32>
        %add3A_1599 = arith.addf %add3A_1592, %get3A_1598 : vector<16xf32>
        %get3A_1600 = arith.constant 11 : i32
        %get3A_1601 = arith.index_cast %get3A_1600 : i32 to index
        %get3A_1602 = arith.index_cast %scan3A_496 : i32 to index
        %get3A_1603 = arith.constant 112 : index
        %get3A_1604 = tpu.vector_load %arg6[%get3A_1601, %get3A_1602, %get3A_1603] {strides = array<i32>} : memref<20x32x128xf32, #tpu.memory_space<vmem>>, vector<1x1x16xf32>,
        %get3A_1605 = vector.shape_cast %get3A_1604 : vector<1x1x16xf32> to vector<16xf32>
        %add3A_1606 = arith.addf %add3A_1599, %get3A_1605 : vector<16xf32>
        %get3A_1607 = arith.constant 12 : i32
        %get3A_1608 = arith.index_cast %get3A_1607 : i32 to index
        %get3A_1609 = arith.index_cast %scan3A_496 : i32 to index
        %get3A_1610 = arith.constant 112 : index
        %get3A_1611 = tpu.vector_load %arg6[%get3A_1608, %get3A_1609, %get3A_1610] {strides = array<i32>} : memref<20x32x128xf32, #tpu.memory_space<vmem>>, vector<1x1x16xf32>,
        %get3A_1612 = vector.shape_cast %get3A_1611 : vector<1x1x16xf32> to vector<16xf32>
        %add3A_1613 = arith.addf %add3A_1606, %get3A_1612 : vector<16xf32>
        %get3A_1614 = arith.constant 13 : i32
        %get3A_1615 = arith.index_cast %get3A_1614 : i32 to index
        %get3A_1616 = arith.index_cast %scan3A_496 : i32 to index
        %get3A_1617 = arith.constant 112 : index
        %get3A_1618 = tpu.vector_load %arg6[%get3A_1615, %get3A_1616, %get3A_1617] {strides = array<i32>} : memref<20x32x128xf32, #tpu.memory_space<vmem>>, vector<1x1x16xf32>,
        %get3A_1619 = vector.shape_cast %get3A_1618 : vector<1x1x16xf32> to vector<16xf32>
        %add3A_1620 = arith.addf %add3A_1613, %get3A_1619 : vector<16xf32>
        %get3A_1621 = arith.constant 14 : i32
        %get3A_1622 = arith.index_cast %get3A_1621 : i32 to index
        %get3A_1623 = arith.index_cast %scan3A_496 : i32 to index
        %get3A_1624 = arith.constant 112 : index
        %get3A_1625 = tpu.vector_load %arg6[%get3A_1622, %get3A_1623, %get3A_1624] {strides = array<i32>} : memref<20x32x128xf32, #tpu.memory_space<vmem>>, vector<1x1x16xf32>,
        %get3A_1626 = vector.shape_cast %get3A_1625 : vector<1x1x16xf32> to vector<16xf32>
        %add3A_1627 = arith.addf %add3A_1620, %get3A_1626 : vector<16xf32>
        %get3A_1628 = arith.constant 15 : i32
        %get3A_1629 = arith.index_cast %get3A_1628 : i32 to index
        %get3A_1630 = arith.index_cast %scan3A_496 : i32 to index
        %get3A_1631 = arith.constant 112 : index
        %get3A_1632 = tpu.vector_load %arg6[%get3A_1629, %get3A_1630, %get3A_1631] {strides = array<i32>} : memref<20x32x128xf32, #tpu.memory_space<vmem>>, vector<1x1x16xf32>,
        %get3A_1633 = vector.shape_cast %get3A_1632 : vector<1x1x16xf32> to vector<16xf32>
        %add3A_1634 = arith.addf %add3A_1627, %get3A_1633 : vector<16xf32>
        %get3A_1635 = arith.constant 16 : i32
        %get3A_1636 = arith.index_cast %get3A_1635 : i32 to index
        %get3A_1637 = arith.index_cast %scan3A_496 : i32 to index
        %get3A_1638 = arith.constant 112 : index
        %get3A_1639 = tpu.vector_load %arg6[%get3A_1636, %get3A_1637, %get3A_1638] {strides = array<i32>} : memref<20x32x128xf32, #tpu.memory_space<vmem>>, vector<1x1x16xf32>,
        %get3A_1640 = vector.shape_cast %get3A_1639 : vector<1x1x16xf32> to vector<16xf32>
        %add3A_1641 = arith.addf %add3A_1634, %get3A_1640 : vector<16xf32>
        %get3A_1642 = arith.constant 17 : i32
        %get3A_1643 = arith.index_cast %get3A_1642 : i32 to index
        %get3A_1644 = arith.index_cast %scan3A_496 : i32 to index
        %get3A_1645 = arith.constant 112 : index
        %get3A_1646 = tpu.vector_load %arg6[%get3A_1643, %get3A_1644, %get3A_1645] {strides = array<i32>} : memref<20x32x128xf32, #tpu.memory_space<vmem>>, vector<1x1x16xf32>,
        %get3A_1647 = vector.shape_cast %get3A_1646 : vector<1x1x16xf32> to vector<16xf32>
        %add3A_1648 = arith.addf %add3A_1641, %get3A_1647 : vector<16xf32>
        %get3A_1649 = arith.constant 18 : i32
        %get3A_1650 = arith.index_cast %get3A_1649 : i32 to index
        %get3A_1651 = arith.index_cast %scan3A_496 : i32 to index
        %get3A_1652 = arith.constant 112 : index
        %get3A_1653 = tpu.vector_load %arg6[%get3A_1650, %get3A_1651, %get3A_1652] {strides = array<i32>} : memref<20x32x128xf32, #tpu.memory_space<vmem>>, vector<1x1x16xf32>,
        %get3A_1654 = vector.shape_cast %get3A_1653 : vector<1x1x16xf32> to vector<16xf32>
        %add3A_1655 = arith.addf %add3A_1648, %get3A_1654 : vector<16xf32>
        %get3A_1656 = arith.constant 19 : i32
        %get3A_1657 = arith.index_cast %get3A_1656 : i32 to index
        %get3A_1658 = arith.index_cast %scan3A_496 : i32 to index
        %get3A_1659 = arith.constant 112 : index
        %get3A_1660 = tpu.vector_load %arg6[%get3A_1657, %get3A_1658, %get3A_1659] {strides = array<i32>} : memref<20x32x128xf32, #tpu.memory_space<vmem>>, vector<1x1x16xf32>,
        %get3A_1661 = vector.shape_cast %get3A_1660 : vector<1x1x16xf32> to vector<16xf32>
        %add3A_1662 = arith.addf %add3A_1655, %get3A_1661 : vector<16xf32>
        %mul3A_1663 = arith.constant 5.000000e-02 : f32
        %mul3A_1664 = vector.broadcast %mul3A_1663 : f32 to vector<16xf32>
        %mul3A_1665 = arith.mulf %add3A_1662, %mul3A_1664 : vector<16xf32>
        %swap3A_1666 = arith.index_cast %scan3A_496 : i32 to index
        %swap3A_1667 = arith.constant 112 : index
        %swap3A_1668 = tpu.vector_load %arg7[%swap3A_1666, %swap3A_1667] {strides = array<i32>} : memref<32x128xf32, #tpu.memory_space<vmem>>, vector<1x16xf32>,
        %swap3A_1669 = vector.shape_cast %swap3A_1668 : vector<1x16xf32> to vector<16xf32>
        %swap3A_1670 = vector.shape_cast %mul3A_1665 : vector<16xf32> to vector<1x16xf32>
        tpu.vector_store %arg7[%swap3A_1666, %swap3A_1667], %swap3A_1670 {strides = array<i32>} : memref<32x128xf32, #tpu.memory_space<vmem>>, vector<1x16xf32>,
      }
      %scan3A_492 = arith.constant 32 : i32
      %mul3A_493 = arith.constant 32 : i32
      %mul3A_494 = arith.muli %scan3A_8, %mul3A_493 : i32
      %add3A_495 = arith.addi %mul3A_2, %mul3A_494 : i32
      "tpu.region"() ({
        %run_scoped3A = tpu.sem_alloc : memref<!tpu.dma_semaphore, #tpu.memory_space<semaphore_mem>>
        %dma_start3A_496 = arith.constant 0 : i32
        %dma_start3A_497 = tpu.memref_slice %arg4[%add3A_495, %dma_start3A_496] : memref<4096x128xf32, #tpu.memory_space<hbm>> -> memref<32x128xf32, #tpu.memory_space<hbm>>
        %dma_start3A_498 = arith.constant 0 : i32
        %dma_start3A_499 = tpu.memref_slice %arg4[%add3A_495, %dma_start3A_498] : memref<4096x128xf32, #tpu.memory_space<hbm>> -> memref<32x128xf32, #tpu.memory_space<hbm>>
        tpu.enqueue_dma source(%arg7 : memref<32x128xf32, #tpu.memory_space<vmem>>) target(%dma_start3A_499 : memref<32x128xf32, #tpu.memory_space<hbm>>) target_semaphore(%run_scoped3A : memref<!tpu.dma_semaphore, #tpu.memory_space<semaphore_mem>>)
        %dma_wait3A_500 = arith.constant 0 : i32
        %dma_wait3A_501 = tpu.memref_slice %arg4[%add3A_495, %dma_wait3A_500] : memref<4096x128xf32, #tpu.memory_space<hbm>> -> memref<32x128xf32, #tpu.memory_space<hbm>>
        %dma_wait3A_502 = arith.constant 0 : i32
        %dma_wait3A_503 = tpu.memref_slice %arg4[%add3A_495, %dma_wait3A_502] : memref<4096x128xf32, #tpu.memory_space<hbm>> -> memref<32x128xf32, #tpu.memory_space<hbm>>
        tpu.wait_dma2 semaphore(%run_scoped3A : memref<!tpu.dma_semaphore, #tpu.memory_space<semaphore_mem>>) src(%arg7 : memref<32x128xf32, #tpu.memory_space<vmem>>) dst(%dma_wait3A_503 : memref<32x128xf32, #tpu.memory_space<hbm>>)
        tpu.yield
      }) : () -> ()
    }
    %scan3A_7 = arith.constant 4 : i32
    return
  }
}

module attributes {stable_mosaic.version = 14 : i64} {
  func.func @_tc_body(%arg0: i32, %arg1: i32, %arg2: memref<1000x128xbf16, #tpu.memory_space<vmem>>, %arg3: memref<1000x1xf32, #tpu.memory_space<vmem>>, %arg4: memref<128x4096xbf16, #tpu.memory_space<vmem>>, %arg5: memref<1000x2048xf32, #tpu.memory_space<vmem>>, %arg6: memref<1x4096xf32, #tpu.memory_space<vmem>>) attributes {dimension_semantics = [#tpu.dimension_semantics<arbitrary>, #tpu.dimension_semantics<arbitrary>], iteration_bounds = array<i64: 3, 100>, scalar_prefetch = 0 : i64, scratch_operands = 1 : i64, tpu.core_type = #tpu.core_type<tc>, window_params = [{transform_indices = @transform_0, window_bounds = array<i64: 1000, 128>}, {transform_indices = @transform_1, window_bounds = array<i64: 1000, 1>}, {pipeline_mode = #tpu.pipeline_mode<synchronous>, transform_indices = @transform_2, window_bounds = array<i64: 128, 4096>}, {transform_indices = @transform_3, window_bounds = array<i64: 1000, 2048>}]} {
    %eq3A = arith.constant 0 : i32
    %eq3A_0 = arith.cmpi eq, %arg0, %eq3A : i32
    %eq3A_1 = arith.constant 0 : i32
    %eq3A_2 = arith.cmpi eq, %arg1, %eq3A_1 : i32
    %and3A = arith.andi %eq3A_0, %eq3A_2 : i1
    %convert_element_type3A = arith.extui %and3A : i1 to i32
    %cond3A = arith.constant 0 : i32
    %cond3A_3 = arith.cmpi ne, %convert_element_type3A, %cond3A : i32
    scf.if %cond3A_3 {
      %broadcast_in_dim3A = arith.constant 0.000000e+00 : f32
      %broadcast_in_dim3A_19 = vector.broadcast %broadcast_in_dim3A : f32 to vector<1x4096xf32>
      %swap3A = arith.constant 0 : index
      %swap3A_20 = arith.constant 0 : index
      %swap3A_21 = vector.load %arg6[%swap3A, %swap3A_20] : memref<1x4096xf32, #tpu.memory_space<vmem>>, vector<1x4096xf32>
      tpu.vector_store %arg6[%swap3A, %swap3A_20], %broadcast_in_dim3A_19 {strides = array<i32>} : memref<1x4096xf32, #tpu.memory_space<vmem>>, vector<1x4096xf32>,
    } else {
    }
    %eq3A_4 = arith.constant 0 : i32
    %eq3A_5 = arith.cmpi eq, %arg0, %eq3A_4 : i32
    %convert_element_type3A_6 = arith.extui %eq3A_5 : i1 to i32
    %cond3A_7 = arith.constant 0 : i32
    %cond3A_8 = arith.cmpi ne, %convert_element_type3A_6, %cond3A_7 : i32
    scf.if %cond3A_8 {
      %get3A = arith.constant 0 : index
      %get3A_19 = arith.constant 0 : index
      %get3A_20 = vector.load %arg2[%get3A, %get3A_19] : memref<1000x128xbf16, #tpu.memory_space<vmem>>, vector<1000x128xbf16>
      %get3A_21 = arith.constant 0 : index
      %get3A_22 = arith.constant 0 : index
      %get3A_23 = vector.load %arg4[%get3A_21, %get3A_22] : memref<128x4096xbf16, #tpu.memory_space<vmem>>, vector<128x2048xbf16>
      %dot_general3A = arith.constant dense<0.000000e+00> : vector<1000x2048xf32>
      %dot_general3A_24 = tpu.matmul %get3A_20, %get3A_23, %dot_general3A {dimension_numbers = #tpu.dot_dimension_numbers<[1], [0], [0], [1], [0, 0, 1, 1], [], []>, transpose_lhs_hint = false} : vector<1000x128xbf16>, vector<128x2048xbf16>, vector<1000x2048xf32> -> vector<1000x2048xf32>
      %exp3A = math.exp %dot_general3A_24 : vector<1000x2048xf32>
      %convert_element_type3A_25 = arith.truncf %exp3A : vector<1000x2048xf32> to vector<1000x2048xbf16>
      %get3A_26 = arith.constant 0 : index
      %get3A_27 = arith.constant 0 : index
      %get3A_28 = vector.load %arg3[%get3A_26, %get3A_27] : memref<1000x1xf32, #tpu.memory_space<vmem>>, vector<1000x1xf32>
      %exp3A_29 = math.exp %get3A_28 : vector<1000x1xf32>
      %convert_element_type3A_30 = arith.truncf %exp3A_29 : vector<1000x1xf32> to vector<1000x1xbf16>
      %get3A_31 = arith.constant 0 : index
      %get3A_32 = arith.constant 0 : index
      %get3A_33 = vector.load %arg6[%get3A_31, %get3A_32] : memref<1x4096xf32, #tpu.memory_space<vmem>>, vector<1x2048xf32>
      %dot_general3A_34 = arith.constant dense<0.000000e+00> : vector<1x2048xf32>
      %dot_general3A_35 = tpu.matmul %convert_element_type3A_30, %convert_element_type3A_25, %dot_general3A_34 {dimension_numbers = #tpu.dot_dimension_numbers<[0], [0], [1], [1], [0, 1, 1, 1], [], []>, transpose_lhs_hint = false} : vector<1000x1xbf16>, vector<1000x2048xbf16>, vector<1x2048xf32> -> vector<1x2048xf32>
      %add3A = arith.addf %get3A_33, %dot_general3A_35 : vector<1x2048xf32>
      %swap3A = arith.constant 0 : index
      %swap3A_36 = arith.constant 0 : index
      %swap3A_37 = vector.load %arg6[%swap3A, %swap3A_36] : memref<1x4096xf32, #tpu.memory_space<vmem>>, vector<1x2048xf32>
      tpu.vector_store %arg6[%swap3A, %swap3A_36], %add3A {strides = array<i32>} : memref<1x4096xf32, #tpu.memory_space<vmem>>, vector<1x2048xf32>,
    } else {
    }
    %eq3A_9 = arith.constant 1 : i32
    %eq3A_10 = arith.cmpi eq, %arg0, %eq3A_9 : i32
    %convert_element_type3A_11 = arith.extui %eq3A_10 : i1 to i32
    %cond3A_12 = arith.constant 0 : i32
    %cond3A_13 = arith.cmpi ne, %convert_element_type3A_11, %cond3A_12 : i32
    scf.if %cond3A_13 {
      %eq3A_19 = arith.constant 0 : i32
      %eq3A_20 = arith.cmpi eq, %arg1, %eq3A_19 : i32
      %convert_element_type3A_21 = arith.extui %eq3A_20 : i1 to i32
      %cond3A_22 = arith.constant 0 : i32
      %cond3A_23 = arith.cmpi ne, %convert_element_type3A_21, %cond3A_22 : i32
      scf.if %cond3A_23 {
        %get3A_63 = arith.constant 0 : index
        %get3A_64 = arith.constant 0 : index
        %get3A_65 = vector.load %arg6[%get3A_63, %get3A_64] : memref<1x4096xf32, #tpu.memory_space<vmem>>, vector<1x2048xf32>
        %log3A = math.log %get3A_65 : vector<1x2048xf32>
        %swap3A_66 = arith.constant 0 : index
        %swap3A_67 = arith.constant 0 : index
        %swap3A_68 = vector.load %arg6[%swap3A_66, %swap3A_67] : memref<1x4096xf32, #tpu.memory_space<vmem>>, vector<1x2048xf32>
        tpu.vector_store %arg6[%swap3A_66, %swap3A_67], %log3A {strides = array<i32>} : memref<1x4096xf32, #tpu.memory_space<vmem>>, vector<1x2048xf32>,
      } else {
      }
      %get3A = arith.constant 0 : index
      %get3A_24 = arith.constant 0 : index
      %get3A_25 = vector.load %arg2[%get3A, %get3A_24] : memref<1000x128xbf16, #tpu.memory_space<vmem>>, vector<1000x128xbf16>
      %get3A_26 = arith.constant 0 : index
      %get3A_27 = arith.constant 2048 : index
      %get3A_28 = vector.load %arg4[%get3A_26, %get3A_27] : memref<128x4096xbf16, #tpu.memory_space<vmem>>, vector<128x2048xbf16>
      %dot_general3A = arith.constant dense<0.000000e+00> : vector<1000x2048xf32>
      %dot_general3A_29 = tpu.matmul %get3A_25, %get3A_28, %dot_general3A {dimension_numbers = #tpu.dot_dimension_numbers<[1], [0], [0], [1], [0, 0, 1, 1], [], []>, transpose_lhs_hint = false} : vector<1000x128xbf16>, vector<128x2048xbf16>, vector<1000x2048xf32> -> vector<1000x2048xf32>
      %exp3A = math.exp %dot_general3A_29 : vector<1000x2048xf32>
      %convert_element_type3A_30 = arith.truncf %exp3A : vector<1000x2048xf32> to vector<1000x2048xbf16>
      %get3A_31 = arith.constant 0 : index
      %get3A_32 = arith.constant 0 : index
      %get3A_33 = vector.load %arg3[%get3A_31, %get3A_32] : memref<1000x1xf32, #tpu.memory_space<vmem>>, vector<1000x1xf32>
      %exp3A_34 = math.exp %get3A_33 : vector<1000x1xf32>
      %convert_element_type3A_35 = arith.truncf %exp3A_34 : vector<1000x1xf32> to vector<1000x1xbf16>
      %get3A_36 = arith.constant 0 : index
      %get3A_37 = arith.constant 2048 : index
      %get3A_38 = vector.load %arg6[%get3A_36, %get3A_37] : memref<1x4096xf32, #tpu.memory_space<vmem>>, vector<1x2048xf32>
      %dot_general3A_39 = arith.constant dense<0.000000e+00> : vector<1x2048xf32>
      %dot_general3A_40 = tpu.matmul %convert_element_type3A_35, %convert_element_type3A_30, %dot_general3A_39 {dimension_numbers = #tpu.dot_dimension_numbers<[0], [0], [1], [1], [0, 1, 1, 1], [], []>, transpose_lhs_hint = false} : vector<1000x1xbf16>, vector<1000x2048xbf16>, vector<1x2048xf32> -> vector<1x2048xf32>
      %add3A = arith.addf %get3A_38, %dot_general3A_40 : vector<1x2048xf32>
      %swap3A = arith.constant 0 : index
      %swap3A_41 = arith.constant 2048 : index
      %swap3A_42 = vector.load %arg6[%swap3A, %swap3A_41] : memref<1x4096xf32, #tpu.memory_space<vmem>>, vector<1x2048xf32>
      tpu.vector_store %arg6[%swap3A, %swap3A_41], %add3A {strides = array<i32>} : memref<1x4096xf32, #tpu.memory_space<vmem>>, vector<1x2048xf32>,
      %get3A_43 = arith.constant 0 : index
      %get3A_44 = arith.constant 0 : index
      %get3A_45 = vector.load %arg2[%get3A_43, %get3A_44] : memref<1000x128xbf16, #tpu.memory_space<vmem>>, vector<1000x128xbf16>
      %get3A_46 = arith.constant 0 : index
      %get3A_47 = arith.constant 0 : index
      %get3A_48 = vector.load %arg4[%get3A_46, %get3A_47] : memref<128x4096xbf16, #tpu.memory_space<vmem>>, vector<128x2048xbf16>
      %dot_general3A_49 = arith.constant dense<0.000000e+00> : vector<1000x2048xf32>
      %dot_general3A_50 = tpu.matmul %get3A_45, %get3A_48, %dot_general3A_49 {dimension_numbers = #tpu.dot_dimension_numbers<[1], [0], [0], [1], [0, 0, 1, 1], [], []>, transpose_lhs_hint = false} : vector<1000x128xbf16>, vector<128x2048xbf16>, vector<1000x2048xf32> -> vector<1000x2048xf32>
      %get3A_51 = arith.constant 0 : index
      %get3A_52 = arith.constant 0 : index
      %get3A_53 = vector.load %arg3[%get3A_51, %get3A_52] : memref<1000x1xf32, #tpu.memory_space<vmem>>, vector<1000x1xf32>
      %add3A_54 = vector.broadcast %get3A_53 : vector<1000x1xf32> to vector<1000x2048xf32>
      %add3A_55 = arith.addf %dot_general3A_50, %add3A_54 : vector<1000x2048xf32>
      %get3A_56 = arith.constant 0 : index
      %get3A_57 = arith.constant 0 : index
      %get3A_58 = vector.load %arg6[%get3A_56, %get3A_57] : memref<1x4096xf32, #tpu.memory_space<vmem>>, vector<1x2048xf32>
      %sub3A = vector.broadcast %get3A_58 : vector<1x2048xf32> to vector<1000x2048xf32>
      %sub3A_59 = arith.subf %add3A_55, %sub3A : vector<1000x2048xf32>
      %swap3A_60 = arith.constant 0 : index
      %swap3A_61 = arith.constant 0 : index
      %swap3A_62 = vector.load %arg5[%swap3A_60, %swap3A_61] : memref<1000x2048xf32, #tpu.memory_space<vmem>>, vector<1000x2048xf32>
      tpu.vector_store %arg5[%swap3A_60, %swap3A_61], %sub3A_59 {strides = array<i32>} : memref<1000x2048xf32, #tpu.memory_space<vmem>>, vector<1000x2048xf32>,
    } else {
    }
    %eq3A_14 = arith.constant 2 : i32
    %eq3A_15 = arith.cmpi eq, %arg0, %eq3A_14 : i32
    %convert_element_type3A_16 = arith.extui %eq3A_15 : i1 to i32
    %cond3A_17 = arith.constant 0 : i32
    %cond3A_18 = arith.cmpi ne, %convert_element_type3A_16, %cond3A_17 : i32
    scf.if %cond3A_18 {
      %eq3A_19 = arith.constant 0 : i32
      %eq3A_20 = arith.cmpi eq, %arg1, %eq3A_19 : i32
      %convert_element_type3A_21 = arith.extui %eq3A_20 : i1 to i32
      %cond3A_22 = arith.constant 0 : i32
      %cond3A_23 = arith.cmpi ne, %convert_element_type3A_21, %cond3A_22 : i32
      scf.if %cond3A_23 {
        %get3A_40 = arith.constant 0 : index
        %get3A_41 = arith.constant 2048 : index
        %get3A_42 = vector.load %arg6[%get3A_40, %get3A_41] : memref<1x4096xf32, #tpu.memory_space<vmem>>, vector<1x2048xf32>
        %log3A = math.log %get3A_42 : vector<1x2048xf32>
        %swap3A_43 = arith.constant 0 : index
        %swap3A_44 = arith.constant 2048 : index
        %swap3A_45 = vector.load %arg6[%swap3A_43, %swap3A_44] : memref<1x4096xf32, #tpu.memory_space<vmem>>, vector<1x2048xf32>
        tpu.vector_store %arg6[%swap3A_43, %swap3A_44], %log3A {strides = array<i32>} : memref<1x4096xf32, #tpu.memory_space<vmem>>, vector<1x2048xf32>,
      } else {
      }
      %get3A = arith.constant 0 : index
      %get3A_24 = arith.constant 0 : index
      %get3A_25 = vector.load %arg2[%get3A, %get3A_24] : memref<1000x128xbf16, #tpu.memory_space<vmem>>, vector<1000x128xbf16>
      %get3A_26 = arith.constant 0 : index
      %get3A_27 = arith.constant 2048 : index
      %get3A_28 = vector.load %arg4[%get3A_26, %get3A_27] : memref<128x4096xbf16, #tpu.memory_space<vmem>>, vector<128x2048xbf16>
      %dot_general3A = arith.constant dense<0.000000e+00> : vector<1000x2048xf32>
      %dot_general3A_29 = tpu.matmul %get3A_25, %get3A_28, %dot_general3A {dimension_numbers = #tpu.dot_dimension_numbers<[1], [0], [0], [1], [0, 0, 1, 1], [], []>, transpose_lhs_hint = false} : vector<1000x128xbf16>, vector<128x2048xbf16>, vector<1000x2048xf32> -> vector<1000x2048xf32>
      %get3A_30 = arith.constant 0 : index
      %get3A_31 = arith.constant 0 : index
      %get3A_32 = vector.load %arg3[%get3A_30, %get3A_31] : memref<1000x1xf32, #tpu.memory_space<vmem>>, vector<1000x1xf32>
      %add3A = vector.broadcast %get3A_32 : vector<1000x1xf32> to vector<1000x2048xf32>
      %add3A_33 = arith.addf %dot_general3A_29, %add3A : vector<1000x2048xf32>
      %get3A_34 = arith.constant 0 : index
      %get3A_35 = arith.constant 2048 : index
      %get3A_36 = vector.load %arg6[%get3A_34, %get3A_35] : memref<1x4096xf32, #tpu.memory_space<vmem>>, vector<1x2048xf32>
      %sub3A = vector.broadcast %get3A_36 : vector<1x2048xf32> to vector<1000x2048xf32>
      %sub3A_37 = arith.subf %add3A_33, %sub3A : vector<1000x2048xf32>
      %swap3A = arith.constant 0 : index
      %swap3A_38 = arith.constant 0 : index
      %swap3A_39 = vector.load %arg5[%swap3A, %swap3A_38] : memref<1000x2048xf32, #tpu.memory_space<vmem>>, vector<1000x2048xf32>
      tpu.vector_store %arg5[%swap3A, %swap3A_38], %sub3A_37 {strides = array<i32>} : memref<1000x2048xf32, #tpu.memory_space<vmem>>, vector<1000x2048xf32>,
    } else {
    }
    return
  }
  func.func @transform_0(%arg0: i32, %arg1: i32) -> (i32, i32) {
    %c0_i32 = arith.constant 0 : i32
    %c0_i32_0 = arith.constant 0 : i32
    return %arg1, %c0_i32 : i32, i32
  }
  func.func @transform_1(%arg0: i32, %arg1: i32) -> (i32, i32) {
    %c0_i32 = arith.constant 0 : i32
    %c0_i32_0 = arith.constant 0 : i32
    return %arg1, %c0_i32 : i32, i32
  }
  func.func @transform_2(%arg0: i32, %arg1: i32) -> (i32, i32) {
    %c0_i32 = arith.constant 0 : i32
    %c0_i32_0 = arith.constant 0 : i32
    %c0_i32_1 = arith.constant 0 : i32
    return %c0_i32, %c0_i32_0 : i32, i32
  }
  func.func @transform_3(%arg0: i32, %arg1: i32) -> (i32, i32) {
    %eq3A = arith.constant 0 : i32
    %eq3A_0 = arith.cmpi eq, %arg0, %eq3A : i32
    %jit3A = arith.constant 0 : i32
    %select_n3A = arith.select %eq3A_0, %jit3A, %arg1 : i32
    %sub3A = arith.constant 1 : i32
    %sub3A_1 = arith.subi %arg0, %sub3A : i32
    %max3A = arith.constant 0 : i32
    %max3A_2 = arith.maxsi %sub3A_1, %max3A : i32
    %c0_i32 = arith.constant 0 : i32
    return %select_n3A, %max3A_2 : i32, i32
  }
}

</mosaic_0001>

<sc_bundles>
// kernel: kernel.4.cloned.1.call-start
scs
__scs_entry_jumppad:
0x0: {  	(pc) =	sbr.rel $0x88, $3  }
0x1: {  	(tag) =	ssettag $0x0;
	lr =	simm.s32 $0x1  }
0x2: {  	[smem:$0x3F9D] =	sst lr;
	_ =	strace $0xD0000000  }
0x3: {  	_ = 	snop  }
0x4: {  	_ = 	snop  }
0x5: {  	_ = 	snop  }
0x6: {  	_ = 	snop  }
0x7: {  	_ = 	snop  }
__scs_overlays_trampoline_lowered:
0x8: {  	[smem:$0x3FAC] =	sst s0  }
0x9: {  	[smem:$0x3FAD] =	sst s1  }
0xa: {  	[smem:$0x3FAE] =	sst s2  }
0xb: {  	[smem:$0x3FAF] =	sst s3  }
0xc: {  	[smem:$0x3FB0] =	sst s4  }
0xd: {  	[smem:$0x3FB1] =	sst s5  }
0xe: {  	[smem:$0x3FB2] =	sst s6  }
0xf: {  	[smem:$0x3FB3] =	sst s7  }
0x10: {  	[smem:$0x3FB4] =	sst s8  }
0x11: {  	[smem:$0x3FB5] =	sst s9;
	s0 =	simm.s32 @!p0 $0x0  }
0x12: {  	s1 =	sld [smem:$0x3F9B];
	s0 =	simm.s32 @p0 $0x1  }
0x13: {  	[smem:$0x3FB6] =	sst s0;
	s0 =	simm.s32 @!p1 $0x0  }
0x14: {  	s2 =	sld [smem:$0x3F9A];
	s0 =	simm.s32 @p1 $0x1  }
0x15: {  	[smem:$0x3FB7] =	sst s0;
	s0 =	simm.s32 @!p2 $0x0  }
0x16: {  	s3 =	sld [smem:$0x3FDB];
	s0 =	simm.s32 @p2 $0x1  }
0x17: {  	s4 =	simm.s32 $0x1BF5;
	[smem:$0x3FB9] =	sst s0  }
0x18: {  	s0 =	sld [smem:$0x3F9C];
	_ =	swait.ge [sflag:s4], $0x0  }
0x19: {  	s7 =	sld [smem:$0x3F9D]  }
0x1a: {  	s8 =	sadd.s32 $0xFFFFE003, lr  }
0x1b: {  	s9 =	sadd.s32 $0xFFFFFEF7, lr;
	s5 =	simm.s32 $0xFFFFFFFF;
	p2 =	slt.u32 s8, $0xFFFFF086  }
0x1c: {  	p1 =	slt.u32 s9, $0xF7A;
	s5 =	simm.s32 @!p2 $0x0  }
0x1d: {  	s5 =	simm.s32 @p1 $0x1;
	p0 =	seq.s32 s7, s2  }
0x1e: {  	s7 =	smul.u32 @!p0 $0xF7A, s2;
	p2 =	seq.s32 @!p0 s5, $0x0  }
0x1f: {  	s9 =	smul.u32 $0xF7A, s1;
	s8 =	simm.s32 @!p0 $0x1BF5;
	p2 =	por !p2, p0  }
0x20: {  	[sflag:s8] =	ssyncset.s32 @!p0 $0xFFFFF086;
	s6 =	sadd.s32 @!p0 s3, s7;
	s7 =	simm.s32 @!p0 $0x108  }
0x21: {  	s3 =	sadd.s32 s3, s9;
	s6 =	sadd.s32 @!p0 $0x88, s6;
	s7 =	simm.s32 @p2 $0x1082  }
0x22: {  	[simem:s7], [sflag:s8] =	dma.local @!p0 [hbm:s6], $0xF7A  }
0x23: {  	s9 =	sor.u32 $0xD0000000, s2;
	s6 =	simm.s32 $0x108;
	_ =	swait.ge @!p0 [sflag:s8], $0x0  }
0x24: {  	s3 =	sadd.s32 $0x88, s3;
	s6 =	simm.s32 @!p1 $0x1082;
	[sflag:s4] =	ssyncset.s32 $0xFFFFF086  }
0x25: {  	[simem:s6], [sflag:s4] =	dma.local [hbm:s3], $0xF7A  }
0x26: {  	[smem:$0x3F9D] =	sst s1;
	(tag) =	ssettag s2;
	_ =	strace s9  }
0x27: {  	s1 =	sld [smem:$0x3FAD]  }
0x28: {  	s2 =	sld [smem:$0x3FAE]  }
0x29: {  	s4 =	sld [smem:$0x3FB0]  }
0x2a: {  	p0 =	seq.s32 s5, $0x0;
	s5 =	sld [smem:$0x3FB1]  }
0x2b: {  	s6 =	sld [smem:$0x3FB2]  }
0x2c: {  	s7 =	sld [smem:$0x3FB3]  }
0x2d: {  	s3 =	simm.s32 $0x108;
	s8 =	sld [smem:$0x3FB4]  }
0x2e: {  	s3 =	simm.s32 @!p0 $0x1082;
	s9 =	sld [smem:$0x3FB5]  }
0x2f: {  	lr =	sadd.s32 s0, s3;
	s0 =	sld [smem:$0x3FAC]  }
0x30: {  	s3 =	sld [smem:$0x3FAF]  }
0x31: {  	[smem:$0x3FB8] =	sst s10  }
0x32: {  	s10 =	sld [smem:$0x3FB6];
	_ =	sdelay $0x3  }
0x33: {  	p0 =	seq.s32 s10, $0x1;
	s10 =	sld [smem:$0x3FB8];
	_ =	sdelay $0x3  }
0x34: {  	[smem:$0x3FB8] =	sst s10  }
0x35: {  	s10 =	sld [smem:$0x3FB7];
	_ =	sdelay $0x3  }
0x36: {  	p1 =	seq.s32 s10, $0x1;
	s10 =	sld [smem:$0x3FB8];
	_ =	sdelay $0x3  }
0x37: {  	[smem:$0x3FB8] =	sst s10  }
0x38: {  	s10 =	sld [smem:$0x3FB9]  }
0x39: {  	_ = 	snop;
	(pc) =	sbr.ind lr, $3  }
0x3a: {  	_ = 	snop  }
0x3b: {  	_ = 	snop  }
0x3c: {  	p2 =	seq.s32 s10, $0x1;
	s10 =	sld [smem:$0x3FB8]  }
0x3d: {  	_ =	shalt  }
0x3e: {  	_ =	shalt  }
0x3f: {  	_ =	shalt  }
0x40: {  	_ =	shalt  }
0x41: {  	_ =	shalt  }
0x42: {  	_ =	shalt  }
0x43: {  	_ =	shalt  }
0x44: {  	_ =	shalt  }
0x45: {  	_ =	shalt  }
0x46: {  	_ =	shalt  }
0x47: {  	_ =	shalt  }
0x48: {  	_ =	shalt  }
0x49: {  	_ =	shalt  }
0x4a: {  	_ =	shalt  }
0x4b: {  	_ =	shalt  }
0x4c: {  	_ =	shalt  }
0x4d: {  	_ =	shalt  }
0x4e: {  	_ =	shalt  }
0x4f: {  	_ =	shalt  }
0x50: {  	_ =	shalt  }
0x51: {  	_ =	shalt  }
0x52: {  	_ =	shalt  }
0x53: {  	_ =	shalt  }
0x54: {  	_ =	shalt  }
0x55: {  	_ =	shalt  }
0x56: {  	_ =	shalt  }
0x57: {  	_ =	shalt  }
0x58: {  	_ =	shalt  }
0x59: {  	_ =	shalt  }
0x5a: {  	_ =	shalt  }
0x5b: {  	_ =	shalt  }
0x5c: {  	_ =	shalt  }
0x5d: {  	_ =	shalt  }
0x5e: {  	_ =	shalt  }
0x5f: {  	_ =	shalt  }
0x60: {  	_ =	shalt  }
0x61: {  	_ =	shalt  }
0x62: {  	_ =	shalt  }
0x63: {  	_ =	shalt  }
0x64: {  	_ =	shalt  }
0x65: {  	_ =	shalt  }
0x66: {  	_ =	shalt  }
0x67: {  	_ =	shalt  }
0x68: {  	_ =	shalt  }
0x69: {  	_ =	shalt  }
0x6a: {  	_ =	shalt  }
0x6b: {  	_ =	shalt  }
0x6c: {  	_ =	shalt  }
0x6d: {  	_ =	shalt  }
0x6e: {  	_ =	shalt  }
0x6f: {  	_ =	shalt  }
0x70: {  	_ =	shalt  }
0x71: {  	_ =	shalt  }
0x72: {  	_ =	shalt  }
0x73: {  	_ =	shalt  }
0x74: {  	_ =	shalt  }
0x75: {  	_ =	shalt  }
0x76: {  	_ =	shalt  }
0x77: {  	_ =	shalt  }
0x78: {  	_ =	shalt  }
0x79: {  	_ =	shalt  }
0x7a: {  	_ =	shalt  }
0x7b: {  	_ =	shalt  }
0x7c: {  	_ =	shalt  }
0x7d: {  	_ =	shalt  }
0x7e: {  	_ =	shalt  }
0x7f: {  	_ =	shalt  }
0x80: {  	_ =	shalt  }
0x81: {  	_ =	shalt  }
0x82: {  	_ =	shalt  }
0x83: {  	_ =	shalt  }
0x84: {  	_ =	shalt  }
0x85: {  	_ =	shalt  }
0x86: {  	_ =	shalt  }
0x87: {  	_ =	shalt  }
.Lfunc_end0:
.L_simem_size_0:
called_computation_lowered:
.L_overlay_start_0:
0x88: {  	s2 =	sld [smem:$0x3FD9]  }
0x89: {  	s3 =	sld [smem:$0x3FFE];
	_ =	sdelay $0x1  }
0x8a: {  	s1 =	srdreg.scid  }
0x8b: {  	s0 =	sand.u32 $0x1, s1  }
0x8c: {  	s17 =	sshll.u32 s0, $0xA;
	s2 =	sadd.s32 s3, s2  }
0x8d: {  	s2 =	sadd.s32 s2, s17  }
0x8e: {  	[smem:$0x3FC4] =	sst s2  }
0x8f: {  	_ = 	snop  }
0x90: {  	s2 =	sld [smem:$0x3FC8]  }
0x91: {  	s18 =	sld [smem:$0x3FD0];
	(tm) =	ssettm $0x1  }
0x92: {  	s4 =	sld [smem:$0x3FFB];
	_ =	sdelay $0x3  }
0x93: {  	_ =	strace s4  }
0x94: {  	s4 =	sld [smem:$0x3FFC];
	_ =	sdelay $0x3  }
0x95: {  	_ =	strace s4  }
0x96: {  	s4 =	sld [smem:$0x3FFD];
	_ =	sdelay $0x3  }
0x97: {  	_ =	strace s4  }
0x98: {  	_ =	strace $0x8FFFFFFF  }
0x99: {  	s19 =	sld [smem:$0x3FDB];
	_ =	sdelay $0x1  }
0x9a: {  	s5 =	simm.s32 $_scs_section_size  }
0x9b: {  	s6 =	simm.s32 $_size__tile_overlayer_lowered;
	s7 =	simm.s32 $_tile_overlayer_lowered  }
0x9c: {  	s22 =	simm.s32 $0x1BFF;
	s21 =	sshll.u32 s7, $0x1;
	s4 =	sadd.s32 s5, s19  }
0x9d: {  	s8 =	simm.s32 $0x0;
	s20 =	sshll.u32 s6, $0x1;
	s6 =	sadd.s32 s21, s4  }
0x9e: {  	[timem:s8], [sflag:s22] =	dma.local [hbm:s6], s20  }
0x9f: {  	_ =	swait.ge [sflag:s22], s20  }
0xa0: {  	s5 =	ssub.s32 $0x0, s20;
	[sflag:s22] =	ssyncset.done $0x0  }
0xa1: {  	[sflag:s22] =	ssyncadd.s32 s5;
	_ =	sdelay $0x1  }
0xa2: {  	s23 =	simm.s32 $0x1B8B  }
0xa3: {  	_ =	swait.ge [sflag:s23], $0x1  }
0xa4: {  	[sflag:s23] =	ssyncset.done $0x0  }
0xa5: {  	s25 =	simm.s32 $0x1B8E;
	s24 =	sld [smem:$0x3FFE];
	[sflag:s23] =	ssyncadd.s32 $0xFFFFFFFF  }
0xa6: {  	s26 =	simm.s32 $execute0_lowered;
	[smem:$0x3FD2] =	sst s25  }
0xa7: {  	s6 =	sshll.u32 s26, $0x1;
	_ =	strace $0x80000046;
	[dreg:$0x1] =	wrdreg $0xFFFFFFFF  }
0xa8: {  	s28 =	simm.s32 $_size_execute0_lowered;
	s4 =	sadd.s32 s4, s6;
	[dreg:$0x0] =	wrdreg $0x0  }
0xa9: {  	s6 =	sshll.u32 s28, $0x1;
	[dreg:$0x2] =	wrdreg s4  }
0xaa: {  	[dreg:$0x3] =	wrdreg s6  }
0xab: {  	[dreg:$0x4] =	wrdreg $0xC0  }
0xac: {  	_ =	task [dreg:s8], $0x5FFFF  }
0xad: {  	[dreg:$0x1] =	wrdreg $0xFFFFFFFF  }
0xae: {  	[dreg:$0x0] =	wrdreg $0x60  }
0xaf: {  	[dreg:$0x2] =	wrdreg s24  }
0xb0: {  	[dreg:$0x3] =	wrdreg s2  }
0xb1: {  	[dreg:$0x4] =	wrdreg s18  }
0xb2: {  	[dreg:$0x5] =	wrdreg $0x9  }
0xb3: {  	_ =	task.clear_ibuf [dreg:s8], $0x6FFFF;
	_ =	strace $0x90000046  }
0xb4: {  	s29 =	simm.s32 $0x9;
	_ =	strace $0x80000048  }
0xb5: {  	_ =	swait.ge [sflag:s29], $0x1  }
0xb6: {  	[sflag:s29] =	ssyncadd.s32 $0xFFFFFFFF  }
0xb7: {  	_ =	strace $0x90000048  }
0xb8: {  	_ =	sfence  }
0xb9: {  	s30 =	sld [smem:$0x0];
	_ =	sdelay $0x2  }
0xba: {  	s31 =	sshll.u32 s1, $0xD;
	s1 =	sshrl.u32 s1, $0x2  }
0xbb: {  	s3 =	sand.u32 $0x4000, s31;
	s1 =	sadd.s32 s1, s30  }
0xbc: {  	s0 =	sor.u32 s3, s0;
	s1 =	sshll.u32 s1, $0x11  }
0xbd: {  	s0 =	sor.u32 s1, s0  }
0xbe: {  	s0 =	sadd.s32 $0x8F2B, s0  }
0xbf: {  	[sflag:s0] =	ssyncadd.remote.s32 $0x1  }
0xc0: {  	_ =	sfence.sel $0xFFFF  }
0xc1: {  	[dreg:$0x0] =	wrdreg $0xFFFFFFFF;
	(pc) =	sbr.abs _section_cstart, $3  }
0xc2: {  	[dreg:$0x1] =	wrdreg $0xFFFFFFFF  }
0xc3: {  	_ =	task.clear_ibuf [dreg:s8], $0x2FFFF;
	_ =	strace $0x9FFFFFFF  }
0xc4: {  	(tm) =	ssettm $0x7FFFFFFF  }
0xc5: {  	_ =	shalt  }
tec
execute0_lowered:
.L_overlay_start_1:
0x0: {  	(tag) =	ssettag $0x1  }
0x1: {  	s0 =	rddreg [dreg:$0x0]  }
0x2: {  	s1 =	rddreg [dreg:$0x1]  }
0x3: {  	s2 =	rddreg [dreg:$0x2];
	s5 =	simm.s32 $0x0;
	s3 =	srdreg.scid  }
0x4: {  	s4 =	stileid.u32;
	s8 =	simm.s32 $0x2;
	s9 =	simm.s32 $0x20  }
0x5: {  	s31 =	simm.s32 $0xAC00;
	s7 =	simm.s32 $0x600;
	s10 =	simm.s32 $0x680  }
0x6: {  	s11 =	simm.s32 $0xDC00;
	s12 =	simm.s32 $0x700;
	s13 =	simm.s32 $0xEC00  }
0x7: {  	s14 =	simm.s32 $0x780;
	s15 =	simm.s32 $0xFC00;
	s16 =	simm.s32 $0x800  }
0x8: {  	s17 =	simm.s32 $0x10C00;
	s18 =	simm.s32 $0x880;
	s19 =	simm.s32 $0x11C00  }
0x9: {  	s20 =	simm.s32 $0x900;
	s21 =	simm.s32 $0x12C00;
	s22 =	simm.s32 $0x980  }
0xa: {  	s23 =	simm.s32 $0x13C00;
	s24 =	simm.s32 $0x1;
	s25 =	simm.s32 $0x14C00  }
0xb: {  	s28 =	simm.s32 $0x0;
	[smem:$0x7FF] =	sst s5;
	s3 =	sand.u32 $0x1, s3  }
0xc: {  	s4 =	sshll.u32 s4, $0x1;
	_ =	strace $0x80000047;
	s29 =	ssub.s32 $0x2, s3  }
0xd: {  	s3 =	sor.u32 s3, s4;
	s4 =	sadd.s32 $0x600, s0;
	s30 =	sshrl.u32 s29, $0x1  }
0xe: {  	s6 =	sshll.u32 s3, $0xB;
	s5 =	smul.u32 $0x3000, s3;
	s0 =	ssub.s32 s29, s30  }
0xf: {  	s3 =	simm.s32 $0xCC00;
	s6 =	sadd.s32 s2, s6;
	s0 =	smax.u32 s0, $0x1  }
0x10: {  	s2 =	simm.s32 $0xBC00;
	[dreg:$0x4] =	wrdreg s0;
	s0 =	simm.s32 $0x580  }
.LBB2_1:
0x11: {  	[dreg:$0x5] =	wrdreg s28;
	s26 =	simm.s32 $0x0  }
.LBB2_2:
0x12: {  	s28 =	smul.u32 $0xC00, s26;
	_ =	sdelay $0x1  }
0x13: {  	s28 =	sadd.s32 s5, s28  }
0x14: {  	s28 =	sshrl.u32 s28, $0x3  }
0x15: {  	s29 =	simm.s32 $0x0;
	s28 =	sadd.s32 s4, s28  }
0x16: {  	[tilespmem:s29], [sflag:$0x2] =	stream.linear.gather [hbm4b:s28+s29], $0xA00, $0x38;
	[tilespmem:$0x15C00] =	vst v63  }
0x17: {  	_ =	swait.ge [sflag:s8], $0xA00  }
0x18: {  	[sflag:s8] =	ssyncset.done $0x0  }
0x19: {  	s28 =	simm.s32 $0xC00;
	[sflag:s8] =	ssyncadd.s32 $0xFFFFF600  }
0x1a: {  	[tilespmem:s28], [sflag:$0x1] =	stream.indirect.gather [hbm4b:s1+s9], $0x80, s29, s9, $0xb8;
	[tilespmem:$0x15C00] =	vst v63  }
0x1b: {  	s28 =	simm.s32 $0x80;
	s29 =	simm.s32 $0x1C00  }
0x1c: {  	[tilespmem:s29], [sflag:$0x1] =	stream.indirect.gather [hbm4b:s1+s9], $0x80, s28, s9, $0xb8;
	[tilespmem:$0x15C00] =	vst v63  }
0x1d: {  	s28 =	simm.s32 $0x100;
	s29 =	simm.s32 $0x2C00  }
0x1e: {  	[tilespmem:s29], [sflag:$0x1] =	stream.indirect.gather [hbm4b:s1+s9], $0x80, s28, s9, $0xb8;
	[tilespmem:$0x15C00] =	vst v63  }
0x1f: {  	s28 =	simm.s32 $0x180;
	s29 =	simm.s32 $0x3C00  }
0x20: {  	[tilespmem:s29], [sflag:$0x1] =	stream.indirect.gather [hbm4b:s1+s9], $0x80, s28, s9, $0xb8;
	[tilespmem:$0x15C00] =	vst v63  }
0x21: {  	s28 =	simm.s32 $0x200;
	s29 =	simm.s32 $0x4C00  }
0x22: {  	[tilespmem:s29], [sflag:$0x1] =	stream.indirect.gather [hbm4b:s1+s9], $0x80, s28, s9, $0xb8;
	[tilespmem:$0x15C00] =	vst v63  }
0x23: {  	s28 =	simm.s32 $0x280;
	s29 =	simm.s32 $0x5C00  }
0x24: {  	[tilespmem:s29], [sflag:$0x1] =	stream.indirect.gather [hbm4b:s1+s9], $0x80, s28, s9, $0xb8;
	[tilespmem:$0x15C00] =	vst v63  }
0x25: {  	s28 =	simm.s32 $0x300;
	s29 =	simm.s32 $0x6C00  }
0x26: {  	[tilespmem:s29], [sflag:$0x1] =	stream.indirect.gather [hbm4b:s1+s9], $0x80, s28, s9, $0xb8;
	[tilespmem:$0x15C00] =	vst v63  }
0x27: {  	s28 =	simm.s32 $0x380;
	s29 =	simm.s32 $0x7C00  }
0x28: {  	[tilespmem:s29], [sflag:$0x1] =	stream.indirect.gather [hbm4b:s1+s9], $0x80, s28, s9, $0xb8;
	[tilespmem:$0x15C00] =	vst v63  }
0x29: {  	s28 =	simm.s32 $0x400;
	s29 =	simm.s32 $0x8C00  }
0x2a: {  	[tilespmem:s29], [sflag:$0x1] =	stream.indirect.gather [hbm4b:s1+s9], $0x80, s28, s9, $0xb8;
	[tilespmem:$0x15C00] =	vst v63  }
0x2b: {  	s28 =	simm.s32 $0x480;
	s29 =	simm.s32 $0x9C00  }
0x2c: {  	[tilespmem:s29], [sflag:$0x1] =	stream.indirect.gather [hbm4b:s1+s9], $0x80, s28, s9, $0xb8;
	[tilespmem:$0x15C00] =	vst v63  }
0x2d: {  	s28 =	simm.s32 $0x500  }
0x2e: {  	[tilespmem:s31], [sflag:$0x1] =	stream.indirect.gather [hbm4b:s1+s9], $0x80, s28, s9, $0xb8;
	[tilespmem:$0x15C00] =	vst v63  }
0x2f: {  	_ = 	snop  }
0x30: {  	[tilespmem:s2], [sflag:$0x1] =	stream.indirect.gather [hbm4b:s1+s9], $0x80, s0, s9, $0xb8;
	[tilespmem:$0x15C00] =	vst v63  }
0x31: {  	_ = 	snop  }
0x32: {  	[tilespmem:s3], [sflag:$0x1] =	stream.indirect.gather [hbm4b:s1+s9], $0x80, s7, s9, $0xb8;
	[tilespmem:$0x15C00] =	vst v63  }
0x33: {  	_ = 	snop  }
0x34: {  	[tilespmem:s11], [sflag:$0x1] =	stream.indirect.gather [hbm4b:s1+s9], $0x80, s10, s9, $0xb8;
	[tilespmem:$0x15C00] =	vst v63  }
0x35: {  	_ = 	snop  }
0x36: {  	[tilespmem:s13], [sflag:$0x1] =	stream.indirect.gather [hbm4b:s1+s9], $0x80, s12, s9, $0xb8;
	[tilespmem:$0x15C00] =	vst v63  }
0x37: {  	_ = 	snop  }
0x38: {  	[tilespmem:s15], [sflag:$0x1] =	stream.indirect.gather [hbm4b:s1+s9], $0x80, s14, s9, $0xb8;
	[tilespmem:$0x15C00] =	vst v63  }
0x39: {  	_ = 	snop  }
0x3a: {  	[tilespmem:s17], [sflag:$0x1] =	stream.indirect.gather [hbm4b:s1+s9], $0x80, s16, s9, $0xb8;
	[tilespmem:$0x15C00] =	vst v63  }
0x3b: {  	_ = 	snop  }
0x3c: {  	[tilespmem:s19], [sflag:$0x1] =	stream.indirect.gather [hbm4b:s1+s9], $0x80, s18, s9, $0xb8;
	[tilespmem:$0x15C00] =	vst v63  }
0x3d: {  	_ = 	snop  }
0x3e: {  	[tilespmem:s21], [sflag:$0x1] =	stream.indirect.gather [hbm4b:s1+s9], $0x80, s20, s9, $0xb8;
	[tilespmem:$0x15C00] =	vst v63  }
0x3f: {  	_ = 	snop  }
0x40: {  	[tilespmem:s23], [sflag:$0x1] =	stream.indirect.gather [hbm4b:s1+s9], $0x80, s22, s9, $0xb8;
	[tilespmem:$0x15C00] =	vst v63  }
0x41: {  	_ =	swait.ge [sflag:s24], $0x1000  }
0x42: {  	[sflag:s24] =	ssyncset.done $0x0  }
0x43: {  	[sflag:s24] =	ssyncadd.s32 $0xFFFFF000  }
0x44: {  	_ =	swait.ge [sflag:s24], $0x1000  }
0x45: {  	[sflag:s24] =	ssyncset.done $0x0  }
0x46: {  	[sflag:s24] =	ssyncadd.s32 $0xFFFFF000  }
0x47: {  	_ =	swait.ge [sflag:s24], $0x1000  }
0x48: {  	[sflag:s24] =	ssyncset.done $0x0  }
0x49: {  	[sflag:s24] =	ssyncadd.s32 $0xFFFFF000  }
0x4a: {  	_ =	swait.ge [sflag:s24], $0x1000  }
0x4b: {  	[sflag:s24] =	ssyncset.done $0x0  }
0x4c: {  	[sflag:s24] =	ssyncadd.s32 $0xFFFFF000  }
0x4d: {  	_ =	swait.ge [sflag:s24], $0x1000  }
0x4e: {  	[sflag:s24] =	ssyncset.done $0x0  }
0x4f: {  	[sflag:s24] =	ssyncadd.s32 $0xFFFFF000  }
0x50: {  	_ =	swait.ge [sflag:s24], $0x1000  }
0x51: {  	[sflag:s24] =	ssyncset.done $0x0  }
0x52: {  	[sflag:s24] =	ssyncadd.s32 $0xFFFFF000  }
0x53: {  	_ =	swait.ge [sflag:s24], $0x1000  }
0x54: {  	[sflag:s24] =	ssyncset.done $0x0  }
0x55: {  	[sflag:s24] =	ssyncadd.s32 $0xFFFFF000  }
0x56: {  	_ =	swait.ge [sflag:s24], $0x1000  }
0x57: {  	[sflag:s24] =	ssyncset.done $0x0  }
0x58: {  	[sflag:s24] =	ssyncadd.s32 $0xFFFFF000  }
0x59: {  	_ =	swait.ge [sflag:s24], $0x1000  }
0x5a: {  	[sflag:s24] =	ssyncset.done $0x0  }
0x5b: {  	[sflag:s24] =	ssyncadd.s32 $0xFFFFF000  }
0x5c: {  	_ =	swait.ge [sflag:s24], $0x1000  }
0x5d: {  	[sflag:s24] =	ssyncset.done $0x0  }
0x5e: {  	[sflag:s24] =	ssyncadd.s32 $0xFFFFF000  }
0x5f: {  	_ =	swait.ge [sflag:s24], $0x1000  }
0x60: {  	[sflag:s24] =	ssyncset.done $0x0  }
0x61: {  	[sflag:s24] =	ssyncadd.s32 $0xFFFFF000  }
0x62: {  	_ =	swait.ge [sflag:s24], $0x1000  }
0x63: {  	[sflag:s24] =	ssyncset.done $0x0  }
0x64: {  	[sflag:s24] =	ssyncadd.s32 $0xFFFFF000  }
0x65: {  	_ =	swait.ge [sflag:s24], $0x1000  }
0x66: {  	[sflag:s24] =	ssyncset.done $0x0  }
0x67: {  	[sflag:s24] =	ssyncadd.s32 $0xFFFFF000  }
0x68: {  	_ =	swait.ge [sflag:s24], $0x1000  }
0x69: {  	[sflag:s24] =	ssyncset.done $0x0  }
0x6a: {  	[sflag:s24] =	ssyncadd.s32 $0xFFFFF000  }
0x6b: {  	_ =	swait.ge [sflag:s24], $0x1000  }
0x6c: {  	[sflag:s24] =	ssyncset.done $0x0  }
0x6d: {  	[sflag:s24] =	ssyncadd.s32 $0xFFFFF000  }
0x6e: {  	_ =	swait.ge [sflag:s24], $0x1000  }
0x6f: {  	[sflag:s24] =	ssyncset.done $0x0  }
0x70: {  	[sflag:s24] =	ssyncadd.s32 $0xFFFFF000  }
0x71: {  	_ =	swait.ge [sflag:s24], $0x1000  }
0x72: {  	[sflag:s24] =	ssyncset.done $0x0  }
0x73: {  	[sflag:s24] =	ssyncadd.s32 $0xFFFFF000  }
0x74: {  	_ =	swait.ge [sflag:s24], $0x1000  }
0x75: {  	[sflag:s24] =	ssyncset.done $0x0  }
0x76: {  	[sflag:s24] =	ssyncadd.s32 $0xFFFFF000  }
0x77: {  	_ =	swait.ge [sflag:s24], $0x1000  }
0x78: {  	[sflag:s24] =	ssyncset.done $0x0  }
0x79: {  	[sflag:s24] =	ssyncadd.s32 $0xFFFFF000  }
0x7a: {  	_ =	swait.ge [sflag:s24], $0x1000  }
0x7b: {  	[sflag:s24] =	ssyncset.done $0x0  }
0x7c: {  	s28 =	simm.s32 $0x0;
	[sflag:s24] =	ssyncadd.s32 $0xFFFFF000  }
0x7d: {  	v0 =	vld [tilespmem:s28+$0xC70]  }
0x7e: {  	v1 =	vld [tilespmem:s28+$0x1C70]  }
0x7f: {  	v2 =	vld [tilespmem:s28+$0xC00]  }
0x80: {  	v3 =	vld [tilespmem:s28+$0x2C70]  }
0x81: {  	v4 =	vld [tilespmem:s28+$0x1C00]  }
0x82: {  	v5 =	vld [tilespmem:s28+$0x3C70]  }
0x83: {  	v12 =	vld [tilespmem:s28+$0xC40]  }
0x84: {  	v13 =	vld [tilespmem:s28+$0x1C40]  }
0x85: {  	v14 =	vld [tilespmem:s28+$0xC50]  }
0x86: {  	v15 =	vld [tilespmem:s28+$0x1C50]  }
0x87: {  	v16 =	vld [tilespmem:s28+$0xC60]  }
0x88: {  	v17 =	vld [tilespmem:s28+$0x1C60]  }
0x89: {  	v18 =	vld [tilespmem:s28+$0x2C00]  }
0x8a: {  	v19 =	vld [tilespmem:s28+$0x2C10];
	v0 =	vadd.f32 v1, v0  }
0x8b: {  	v1 =	vld [tilespmem:s28+$0x4C70]  }
0x8c: {  	v20 =	vld [tilespmem:s28+$0x2C20];
	v0 =	vadd.f32 v3, v0  }
0x8d: {  	v3 =	vld [tilespmem:s28+$0x5C70]  }
0x8e: {  	v21 =	vld [tilespmem:s28+$0x2C30];
	v0 =	vadd.f32 v5, v0  }
0x8f: {  	v5 =	vld [tilespmem:s28+$0x6C70]  }
0x90: {  	v22 =	vld [tilespmem:s28+$0x2C40];
	v0 =	vadd.f32 v1, v0  }
0x91: {  	v1 =	vld [tilespmem:s28+$0x7C70]  }
0x92: {  	v7 =	vld [tilespmem:s28+$0x2C50];
	v0 =	vadd.f32 v3, v0  }
0x93: {  	v3 =	vld [tilespmem:s28+$0x8C70]  }
0x94: {  	v23 =	vld [tilespmem:s28+$0x2C60];
	v0 =	vadd.f32 v5, v0  }
0x95: {  	v5 =	vld [tilespmem:s28+$0x9C70]  }
0x96: {  	v24 =	vld [tilespmem:s28+$0x3C10];
	v0 =	vadd.f32 v1, v0  }
0x97: {  	v1 =	vld [tilespmem:s28+$0xAC70]  }
0x98: {  	v25 =	vld [tilespmem:s28+$0x3C30];
	v0 =	vadd.f32 v3, v0  }
0x99: {  	v3 =	vld [tilespmem:s28+$0xBC70]  }
0x9a: {  	v26 =	vld [tilespmem:s28+$0x3C40];
	v0 =	vadd.f32 v5, v0  }
0x9b: {  	v5 =	vld [tilespmem:s28+$0xCC70]  }
0x9c: {  	v27 =	vld [tilespmem:s28+$0x3C50];
	v0 =	vadd.f32 v1, v0  }
0x9d: {  	v1 =	vld [tilespmem:s28+$0xDC70]  }
0x9e: {  	v6 =	vld [tilespmem:s28+$0x3C60];
	v0 =	vadd.f32 v3, v0  }
0x9f: {  	v3 =	vld [tilespmem:s28+$0xEC70]  }
0xa0: {  	v28 =	vld [tilespmem:s28+$0x4C00];
	v0 =	vadd.f32 v5, v0  }
0xa1: {  	v5 =	vld [tilespmem:s28+$0xFC70]  }
0xa2: {  	v29 =	vld [tilespmem:s28+$0x4C10];
	v0 =	vadd.f32 v1, v0  }
0xa3: {  	v1 =	vld [tilespmem:s28+$0x10C70]  }
0xa4: {  	v30 =	vld [tilespmem:s28+$0x4C20];
	v0 =	vadd.f32 v3, v0  }
0xa5: {  	v3 =	vld [tilespmem:s28+$0x11C70]  }
0xa6: {  	v31 =	vld [tilespmem:s28+$0x4C30];
	v0 =	vadd.f32 v5, v0  }
0xa7: {  	v5 =	vld [tilespmem:s28+$0x12C70]  }
0xa8: {  	v32 =	vld [tilespmem:s28+$0x4C40];
	v0 =	vadd.f32 v1, v0  }
0xa9: {  	v1 =	vld [tilespmem:s28+$0x13C70]  }
0xaa: {  	v33 =	vld [tilespmem:s28+$0x4C50];
	v0 =	vadd.f32 v3, v0  }
0xab: {  	v34 =	vld [tilespmem:s28+$0x4C60]  }
0xac: {  	v35 =	vld [tilespmem:s28+$0x5C00];
	v0 =	vadd.f32 v5, v0  }
0xad: {  	v36 =	vld [tilespmem:s28+$0x5C10]  }
0xae: {  	v37 =	vld [tilespmem:s28+$0x5C20];
	v0 =	vadd.f32 v1, v0  }
0xaf: {  	v38 =	vld [tilespmem:s28+$0x5C30]  }
0xb0: {  	v39 =	vld [tilespmem:s28+$0x5C40];
	v0 =	vmul.f32 $5.000000070e-02, v0  }
0xb1: {  	v40 =	vld [tilespmem:s28+$0x5C50]  }
0xb2: {  	[tilespmem:s28+$0x14C70] =	vst v0;
	v0 =	vld [tilespmem:s28+$0x9C30]  }
0xb3: {  	v41 =	vld [tilespmem:s28+$0x5C60]  }
0xb4: {  	v42 =	vld [tilespmem:s28+$0x6C00]  }
0xb5: {  	v43 =	vld [tilespmem:s28+$0x6C10]  }
0xb6: {  	v44 =	vld [tilespmem:s28+$0x6C20]  }
0xb7: {  	[tilespmem:$0x1FF50] =	vst v0;
	v0 =	vld [tilespmem:s28+$0x9C50]  }
0xb8: {  	v45 =	vld [tilespmem:s28+$0x6C30]  }
0xb9: {  	v46 =	vld [tilespmem:s28+$0x6C40]  }
0xba: {  	v47 =	vld [tilespmem:s28+$0x6C50]  }
0xbb: {  	v48 =	vld [tilespmem:s28+$0x6C60]  }
0xbc: {  	[tilespmem:$0x1FF60] =	vst v0;
	v0 =	vld [tilespmem:s28+$0x9C60]  }
0xbd: {  	v49 =	vld [tilespmem:s28+$0x7C00]  }
0xbe: {  	v50 =	vld [tilespmem:s28+$0x7C10]  }
0xbf: {  	v51 =	vld [tilespmem:s28+$0x7C20]  }
0xc0: {  	v52 =	vld [tilespmem:s28+$0x7C30]  }
0xc1: {  	[tilespmem:$0x1FF70] =	vst v0;
	v0 =	vld [tilespmem:s28+$0xAC00]  }
0xc2: {  	v53 =	vld [tilespmem:s28+$0x7C40]  }
0xc3: {  	v54 =	vld [tilespmem:s28+$0x7C50]  }
0xc4: {  	v55 =	vld [tilespmem:s28+$0x7C60]  }
0xc5: {  	v56 =	vld [tilespmem:s28+$0x8C00]  }
0xc6: {  	[tilespmem:$0x1FF80] =	vst v0;
	v0 =	vld [tilespmem:s28+$0xAC10]  }
0xc7: {  	v57 =	vld [tilespmem:s28+$0x8C10]  }
0xc8: {  	v58 =	vld [tilespmem:s28+$0x8C20]  }
0xc9: {  	v59 =	vld [tilespmem:s28+$0x8C30]  }
0xca: {  	v60 =	vld [tilespmem:s28+$0x8C40]  }
0xcb: {  	[tilespmem:$0x1FF90] =	vst v0;
	v0 =	vld [tilespmem:s28+$0xAC20]  }
0xcc: {  	v61 =	vld [tilespmem:s28+$0x8C50]  }
0xcd: {  	v62 =	vld [tilespmem:s28+$0x8C60]  }
0xce: {  	v63 =	vld [tilespmem:s28+$0x9C00]  }
0xcf: {  	v8 =	vld [tilespmem:s28+$0x9C10]  }
0xd0: {  	[tilespmem:$0x1FFA0] =	vst v0;
	v0 =	vld [tilespmem:s28+$0xAC30]  }
0xd1: {  	v9 =	vld [tilespmem:s28+$0x9C20]  }
0xd2: {  	v11 =	vld [tilespmem:s28+$0x9C40]  }
0xd3: {  	[tilespmem:$0x1FEE0] =	vst v4;
	v4 =	vld [tilespmem:s28+$0xC10]  }
0xd4: {  	v12 =	vadd.f32 v13, v12;
	v13 =	vld [tilespmem:s28+$0xBC10]  }
0xd5: {  	[tilespmem:$0x1FFB0] =	vst v0;
	v0 =	vld [tilespmem:s28+$0xAC40]  }
0xd6: {  	v14 =	vadd.f32 v15, v14;
	v15 =	vadd.f32 v17, v16;
	v16 =	vld [tilespmem:s28+$0xBC20]  }
0xd7: {  	v17 =	vld [tilespmem:s28+$0xBC30]  }
0xd8: {  	v7 =	vadd.f32 v7, v14;
	v14 =	vld [tilespmem:s28+$0xBC50]  }
0xd9: {  	v12 =	vadd.f32 v22, v12;
	v22 =	vld [tilespmem:s28+$0xCC50]  }
0xda: {  	[tilespmem:$0x1FFC0] =	vst v0;
	v0 =	vld [tilespmem:s28+$0xAC50]  }
0xdb: {  	v15 =	vadd.f32 v23, v15;
	v23 =	vld [tilespmem:s28+$0xCC60]  }
0xdc: {  	[tilespmem:$0x1FEF0] =	vst v4;
	v4 =	vld [tilespmem:s28+$0x1C10]  }
0xdd: {  	v6 =	vadd.f32 v6, v15;
	v15 =	vld [tilespmem:s28+$0xCC20]  }
0xde: {  	v12 =	vadd.f32 v26, v12;
	v26 =	vld [tilespmem:s28+$0xDC20]  }
0xdf: {  	[tilespmem:$0x1FFD0] =	vst v0;
	v0 =	vld [tilespmem:$0x1FEE0]  }
0xe0: {  	v7 =	vadd.f32 v27, v7;
	v27 =	vld [tilespmem:s28+$0xDC30]  }
0xe1: {  	[tilespmem:$0x1FF00] =	vst v4;
	v4 =	vld [tilespmem:s28+$0xC20]  }
0xe2: {  	v12 =	vadd.f32 v32, v12;
	v32 =	vld [tilespmem:s28+$0xEC10]  }
0xe3: {  	v7 =	vadd.f32 v33, v7;
	v6 =	vadd.f32 v34, v6;
	v33 =	vld [tilespmem:s28+$0xEC20]  }
0xe4: {  	v3 =	vadd.f32 v0, v2;
	v0 =	vld [tilespmem:s28+$0xAC60]  }
0xe5: {  	v34 =	vld [tilespmem:s28+$0xEC30];
	v6 =	vadd.f32 v41, v6  }
0xe6: {  	v12 =	vadd.f32 v39, v12;
	[tilespmem:$0x1FF10] =	vst v4;
	v4 =	vld [tilespmem:s28+$0x1C20]  }
0xe7: {  	v6 =	vadd.f32 v48, v6;
	v48 =	vld [tilespmem:s28+$0xFC50]  }
0xe8: {  	v7 =	vadd.f32 v40, v7;
	v12 =	vadd.f32 v46, v12;
	v1 =	vld [tilespmem:$0x1FF00]  }
0xe9: {  	[tilespmem:$0x1FFE0] =	vst v0;
	v0 =	vld [tilespmem:$0x1FEF0]  }
0xea: {  	v7 =	vadd.f32 v47, v7;
	v12 =	vadd.f32 v53, v12;
	v53 =	vld [tilespmem:s28+$0x10C60]  }
0xeb: {  	[tilespmem:$0x1FF20] =	vst v4;
	v4 =	vld [tilespmem:s28+$0xC30]  }
0xec: {  	v7 =	vadd.f32 v54, v7;
	v54 =	vld [tilespmem:s28+$0x11C00]  }
0xed: {  	v2 =	vld [tilespmem:$0x1FF20]  }
0xee: {  	v0 =	vadd.f32 v1, v0;
	v1 =	vld [tilespmem:$0x1FF10]  }
0xef: {  	v6 =	vadd.f32 v55, v6;
	v55 =	vld [tilespmem:s28+$0x11C10]  }
0xf0: {  	[tilespmem:$0x1FF30] =	vst v4;
	v4 =	vld [tilespmem:s28+$0x1C30]  }
0xf1: {  	v5 =	vld [tilespmem:s28+$0x3C00]  }
0xf2: {  	v7 =	vadd.f32 v61, v7;
	v61 =	vld [tilespmem:s28+$0xEC50]  }
0xf3: {  	v2 =	vadd.f32 v2, v1;
	v1 =	vld [tilespmem:s28+$0xBC00]  }
0xf4: {  	v12 =	vadd.f32 v60, v12;
	v60 =	vld [tilespmem:s28+$0x13C00];
	v3 =	vadd.f32 v18, v3  }
0xf5: {  	[tilespmem:$0x1FF40] =	vst v4;
	v4 =	vld [tilespmem:s28+$0x3C20]  }
0xf6: {  	v10 =	vld [tilespmem:$0x1FF40];
	v3 =	vadd.f32 v5, v3  }
0xf7: {  	v46 =	vld [tilespmem:$0x1FFC0]  }
0xf8: {  	v3 =	vadd.f32 v28, v3;
	v2 =	vadd.f32 v20, v2;
	[tilespmem:$0x1FFF0] =	vst v1;
	v1 =	vld [tilespmem:$0x1FF30]  }
0xf9: {  	v47 =	vld [tilespmem:$0x1FFD0]  }
0xfa: {  	v18 =	vld [tilespmem:s28+$0xBC40];
	v3 =	vadd.f32 v35, v3;
	v2 =	vadd.f32 v4, v2  }
0xfb: {  	v5 =	vld [tilespmem:s28+$0xBC60];
	v0 =	vadd.f32 v19, v0  }
0xfc: {  	v28 =	vld [tilespmem:s28+$0xDC40];
	v3 =	vadd.f32 v42, v3;
	v2 =	vadd.f32 v30, v2  }
0xfd: {  	v19 =	vld [tilespmem:s28+$0xCC10];
	v0 =	vadd.f32 v24, v0;
	v1 =	vadd.f32 v10, v1  }
0xfe: {  	v3 =	vadd.f32 v49, v3;
	v49 =	vld [tilespmem:$0x1FFE0];
	v2 =	vadd.f32 v37, v2  }
0xff: {  	v24 =	vld [tilespmem:s28+$0xDC00];
	v0 =	vadd.f32 v29, v0;
	v1 =	vadd.f32 v21, v1  }
0x100: {  	v3 =	vadd.f32 v56, v3;
	v56 =	vld [tilespmem:s28+$0x11C20];
	v2 =	vadd.f32 v44, v2  }
0x101: {  	v29 =	vld [tilespmem:s28+$0xDC50];
	v0 =	vadd.f32 v36, v0;
	v1 =	vadd.f32 v25, v1  }
0x102: {  	v3 =	vadd.f32 v63, v3;
	v63 =	vld [tilespmem:s28+$0xEC60];
	v2 =	vadd.f32 v51, v2  }
0x103: {  	v0 =	vadd.f32 v43, v0;
	v43 =	vld [tilespmem:$0x1FFA0];
	v1 =	vadd.f32 v31, v1  }
0x104: {  	v20 =	vld [tilespmem:s28+$0xCC30];
	v2 =	vadd.f32 v58, v2  }
0x105: {  	v4 =	vld [tilespmem:s28+$0xCC00];
	v1 =	vadd.f32 v38, v1  }
0x106: {  	v30 =	vld [tilespmem:s28+$0xDC60];
	v2 =	vadd.f32 v9, v2  }
0x107: {  	v0 =	vadd.f32 v50, v0;
	v50 =	vld [tilespmem:$0x1FFF0];
	v1 =	vadd.f32 v45, v1  }
0x108: {  	v9 =	vld [tilespmem:$0x1FF50];
	v2 =	vadd.f32 v43, v2  }
0x109: {  	v0 =	vadd.f32 v57, v0;
	v57 =	vld [tilespmem:s28+$0x11C30];
	v1 =	vadd.f32 v52, v1  }
0x10a: {  	v44 =	vld [tilespmem:$0x1FFB0];
	v2 =	vadd.f32 v16, v2  }
0x10b: {  	v10 =	vld [tilespmem:s28+$0xFC10];
	v1 =	vadd.f32 v59, v1  }
0x10c: {  	v0 =	vadd.f32 v8, v0;
	v8 =	vld [tilespmem:s28+$0xFC00];
	v2 =	vadd.f32 v15, v2  }
0x10d: {  	v1 =	vadd.f32 v9, v1;
	v9 =	vadd.f32 v11, v12;
	v11 =	vld [tilespmem:$0x1FF60]  }
0x10e: {  	v12 =	vld [tilespmem:$0x1FF80]  }
0x10f: {  	v21 =	vld [tilespmem:s28+$0xCC40];
	v2 =	vadd.f32 v26, v2;
	v1 =	vadd.f32 v44, v1  }
0x110: {  	v6 =	vadd.f32 v62, v6;
	v51 =	vld [tilespmem:s28+$0xFC60];
	v9 =	vadd.f32 v46, v9  }
0x111: {  	v25 =	vld [tilespmem:s28+$0xDC10];
	v2 =	vadd.f32 v33, v2;
	v1 =	vadd.f32 v17, v1  }
0x112: {  	v9 =	vadd.f32 v18, v9;
	v7 =	vadd.f32 v11, v7;
	v11 =	vld [tilespmem:$0x1FF70]  }
0x113: {  	v3 =	vadd.f32 v12, v3;
	v12 =	vld [tilespmem:$0x1FF90];
	v1 =	vadd.f32 v20, v1  }
0x114: {  	v59 =	vld [tilespmem:s28+$0xEC40];
	v9 =	vadd.f32 v21, v9;
	v7 =	vadd.f32 v47, v7  }
0x115: {  	v58 =	vld [tilespmem:s28+$0x11C40];
	v3 =	vadd.f32 v50, v3;
	v1 =	vadd.f32 v27, v1  }
0x116: {  	v45 =	vld [tilespmem:s28+$0xFC40];
	v9 =	vadd.f32 v28, v9;
	v7 =	vadd.f32 v14, v7  }
0x117: {  	v31 =	vld [tilespmem:s28+$0xEC00];
	v3 =	vadd.f32 v4, v3;
	v6 =	vadd.f32 v11, v6  }
0x118: {  	v52 =	vld [tilespmem:s28+$0x10C10];
	v0 =	vadd.f32 v12, v0;
	v1 =	vadd.f32 v34, v1  }
0x119: {  	v11 =	vld [tilespmem:s28+$0xFC20];
	v9 =	vadd.f32 v59, v9;
	v7 =	vadd.f32 v22, v7  }
0x11a: {  	v12 =	vld [tilespmem:s28+$0xFC30];
	v3 =	vadd.f32 v24, v3;
	v6 =	vadd.f32 v49, v6  }
0x11b: {  	v15 =	vld [tilespmem:s28+$0x10C50];
	v0 =	vadd.f32 v13, v0;
	v9 =	vadd.f32 v45, v9  }
0x11c: {  	v13 =	vld [tilespmem:s28+$0x10C00];
	v7 =	vadd.f32 v29, v7;
	v3 =	vadd.f32 v31, v3  }
0x11d: {  	v4 =	vld [tilespmem:s28+$0x10C30];
	v5 =	vadd.f32 v5, v6;
	v0 =	vadd.f32 v19, v0  }
0x11e: {  	v6 =	vld [tilespmem:s28+$0x10C20];
	v7 =	vadd.f32 v61, v7;
	v3 =	vadd.f32 v8, v3  }
0x11f: {  	v14 =	vld [tilespmem:s28+$0x10C40];
	v2 =	vadd.f32 v11, v2;
	v1 =	vadd.f32 v12, v1  }
0x120: {  	v59 =	vld [tilespmem:s28+$0x11C50];
	v5 =	vadd.f32 v23, v5;
	v0 =	vadd.f32 v25, v0  }
0x121: {  	v8 =	vld [tilespmem:s28+$0x11C60];
	v7 =	vadd.f32 v48, v7;
	v3 =	vadd.f32 v13, v3  }
0x122: {  	v11 =	vld [tilespmem:s28+$0x12C10];
	v1 =	vadd.f32 v4, v1;
	v5 =	vadd.f32 v30, v5  }
0x123: {  	v12 =	vld [tilespmem:s28+$0x12C20];
	v0 =	vadd.f32 v32, v0;
	v2 =	vadd.f32 v6, v2  }
0x124: {  	v13 =	vld [tilespmem:s28+$0x12C30];
	v6 =	vadd.f32 v14, v9;
	v7 =	vadd.f32 v15, v7  }
0x125: {  	v4 =	vld [tilespmem:s28+$0x12C40];
	v3 =	vadd.f32 v54, v3;
	v1 =	vadd.f32 v57, v1  }
0x126: {  	v5 =	vadd.f32 v63, v5;
	v0 =	vadd.f32 v10, v0;
	v10 =	vld [tilespmem:s28+$0x12C00]  }
0x127: {  	v61 =	vld [tilespmem:s28+$0x13C10];
	v2 =	vadd.f32 v56, v2;
	v6 =	vadd.f32 v58, v6  }
0x128: {  	v14 =	vld [tilespmem:s28+$0x12C50];
	v5 =	vadd.f32 v51, v5;
	v0 =	vadd.f32 v52, v0  }
0x129: {  	v15 =	vld [tilespmem:s28+$0x12C60];
	v62 =	vadd.f32 v59, v7;
	v7 =	vadd.f32 v13, v1  }
0x12a: {  	v63 =	vld [tilespmem:s28+$0x13C20];
	v5 =	vadd.f32 v53, v5;
	v0 =	vadd.f32 v55, v0  }
0x12b: {  	v9 =	vld [tilespmem:s28+$0x13C30];
	v4 =	vadd.f32 v4, v6;
	v3 =	vadd.f32 v10, v3  }
0x12c: {  	v5 =	vadd.f32 v8, v5;
	v0 =	vadd.f32 v11, v0;
	v8 =	vld [tilespmem:s28+$0x13C40]  }
0x12d: {  	v6 =	vld [tilespmem:s28+$0x13C50];
	v11 =	vadd.f32 v12, v2;
	v12 =	vadd.f32 v60, v3  }
0x12e: {  	s30 =	simm.s32 $0x80;
	v1 =	vadd.f32 v15, v5;
	v5 =	vld [tilespmem:s28+$0x13C60];
	v10 =	vadd.f32 v61, v0  }
0x12f: {  	s29 =	simm.s32 $0x400;
	v2 =	vld [tilespmem:s30+$0xC70];
	v3 =	vadd.f32 v14, v62;
	v11 =	vadd.f32 v63, v11;
	v12 =	vmul.f32 $5.000000070e-02, v12  }
.LBB2_3:
0x130: {  	p0 =	sne.s32 s29, $0x3E00;
	v0 =	vld [tilespmem:s30+$0x1C70];
	v10 =	vmul.f32 $5.000000070e-02, v10;
	v7 =	vadd.f32 v9, v7  }
0x131: {  	v9 =	vld [tilespmem:s30+$0xC00];
	[tilespmem:s28+$0x14C00] =	vst v12;
	v11 =	vmul.f32 $5.000000070e-02, v11;
	v4 =	vadd.f32 v8, v4  }
0x132: {  	v8 =	vld [tilespmem:s30+$0x2C70];
	[tilespmem:s28+$0x14C10] =	vst v10;
	v7 =	vmul.f32 $5.000000070e-02, v7;
	v3 =	vadd.f32 v6, v3  }
0x133: {  	v6 =	vld [tilespmem:s30+$0x1C00];
	[tilespmem:s28+$0x14C20] =	vst v11;
	v4 =	vmul.f32 $5.000000070e-02, v4;
	v1 =	vadd.f32 v5, v1  }
0x134: {  	v5 =	vld [tilespmem:s30+$0x3C70];
	[tilespmem:s28+$0x14C30] =	vst v7;
	v3 =	vmul.f32 $5.000000070e-02, v3  }
0x135: {  	v7 =	vld [tilespmem:s30+$0xC10];
	v0 =	vadd.f32 v0, v2;
	[tilespmem:s28+$0x14C40] =	vst v4;
	v1 =	vmul.f32 $5.000000070e-02, v1  }
0x136: {  	v2 =	vld [tilespmem:s30+$0x4C70];
	[tilespmem:s28+$0x14C50] =	vst v3  }
0x137: {  	v3 =	vld [tilespmem:s30+$0x1C10];
	v0 =	vadd.f32 v8, v0;
	[tilespmem:s28+$0x14C60] =	vst v1;
	s28 =	smov.u32 s30  }
0x138: {  	v1 =	vadd.f32 v6, v9;
	v4 =	vld [tilespmem:s28+$0x5C70]  }
0x139: {  	v6 =	vld [tilespmem:s28+$0xC20];
	v0 =	vadd.f32 v5, v0  }
0x13a: {  	v5 =	vld [tilespmem:s28+$0x6C70]  }
0x13b: {  	v8 =	vld [tilespmem:s28+$0x1C20];
	v0 =	vadd.f32 v2, v0  }
0x13c: {  	v2 =	vadd.f32 v3, v7;
	v3 =	vld [tilespmem:s28+$0x7C70]  }
0x13d: {  	v7 =	vld [tilespmem:s28+$0xC30];
	v0 =	vadd.f32 v4, v0  }
0x13e: {  	v4 =	vld [tilespmem:s28+$0x8C70]  }
0x13f: {  	v9 =	vld [tilespmem:s28+$0x1C30];
	v0 =	vadd.f32 v5, v0  }
0x140: {  	v5 =	vadd.f32 v8, v6;
	v6 =	vld [tilespmem:s28+$0x9C70]  }
0x141: {  	v8 =	vld [tilespmem:s28+$0xC40];
	v0 =	vadd.f32 v3, v0  }
0x142: {  	v3 =	vld [tilespmem:s28+$0xAC70]  }
0x143: {  	v10 =	vld [tilespmem:s28+$0x1C40];
	v0 =	vadd.f32 v4, v0  }
0x144: {  	v4 =	vadd.f32 v9, v7;
	v7 =	vld [tilespmem:s28+$0xBC70]  }
0x145: {  	v9 =	vld [tilespmem:s28+$0xC50];
	v0 =	vadd.f32 v6, v0  }
0x146: {  	v6 =	vld [tilespmem:s28+$0xCC70]  }
0x147: {  	v11 =	vld [tilespmem:s28+$0x1C50];
	v0 =	vadd.f32 v3, v0  }
0x148: {  	v3 =	vadd.f32 v10, v8;
	v8 =	vld [tilespmem:s28+$0xDC70]  }
0x149: {  	v10 =	vld [tilespmem:s28+$0xC60];
	v0 =	vadd.f32 v7, v0  }
0x14a: {  	v7 =	vld [tilespmem:s28+$0xEC70]  }
0x14b: {  	v12 =	vld [tilespmem:s28+$0x1C60];
	v0 =	vadd.f32 v6, v0  }
0x14c: {  	v6 =	vadd.f32 v11, v9;
	v9 =	vld [tilespmem:s28+$0xFC70]  }
0x14d: {  	v11 =	vld [tilespmem:s28+$0x2C00];
	v0 =	vadd.f32 v8, v0  }
0x14e: {  	v8 =	vld [tilespmem:s28+$0x10C70]  }
0x14f: {  	v13 =	vld [tilespmem:s28+$0x2C10];
	v0 =	vadd.f32 v7, v0  }
0x150: {  	v7 =	vadd.f32 v12, v10;
	v10 =	vld [tilespmem:s28+$0x11C70]  }
0x151: {  	v12 =	vld [tilespmem:s28+$0x2C20];
	v0 =	vadd.f32 v9, v0  }
0x152: {  	v1 =	vadd.f32 v11, v1;
	v9 =	vld [tilespmem:s28+$0x12C70]  }
0x153: {  	v11 =	vld [tilespmem:s28+$0x2C30];
	v0 =	vadd.f32 v8, v0  }
0x154: {  	v2 =	vadd.f32 v13, v2;
	v8 =	vld [tilespmem:s28+$0x13C70]  }
0x155: {  	v13 =	vld [tilespmem:s28+$0x2C40];
	v0 =	vadd.f32 v10, v0  }
0x156: {  	v5 =	vadd.f32 v12, v5;
	v10 =	vld [tilespmem:s28+$0x2C50]  }
0x157: {  	v12 =	vld [tilespmem:s28+$0x2C60];
	v0 =	vadd.f32 v9, v0  }
0x158: {  	v9 =	vld [tilespmem:s28+$0x3C00];
	v4 =	vadd.f32 v11, v4  }
0x159: {  	v11 =	vld [tilespmem:s28+$0x3C10];
	v0 =	vadd.f32 v8, v0  }
0x15a: {  	v8 =	vld [tilespmem:s28+$0x3C20];
	v3 =	vadd.f32 v13, v3  }
0x15b: {  	v13 =	vld [tilespmem:s28+$0x3C30];
	v6 =	vadd.f32 v10, v6;
	v0 =	vmul.f32 $5.000000070e-02, v0  }
0x15c: {  	v10 =	vld [tilespmem:s28+$0x3C40];
	v7 =	vadd.f32 v12, v7  }
0x15d: {  	v1 =	vadd.f32 v9, v1;
	v9 =	vld [tilespmem:s28+$0x3C50];
	[tilespmem:s28+$0x14C70] =	vst v0  }
0x15e: {  	v0 =	vadd.f32 v11, v2;
	v2 =	vld [tilespmem:s28+$0x3C60]  }
0x15f: {  	v11 =	vld [tilespmem:s28+$0x4C00];
	v5 =	vadd.f32 v8, v5  }
0x160: {  	v8 =	vld [tilespmem:s28+$0x4C10];
	v4 =	vadd.f32 v13, v4  }
0x161: {  	v12 =	vld [tilespmem:s28+$0x4C20];
	v3 =	vadd.f32 v10, v3  }
0x162: {  	v10 =	vld [tilespmem:s28+$0x4C30];
	v6 =	vadd.f32 v9, v6  }
0x163: {  	v9 =	vld [tilespmem:s28+$0x4C40];
	v2 =	vadd.f32 v2, v7  }
0x164: {  	v1 =	vadd.f32 v11, v1;
	v7 =	vld [tilespmem:s28+$0x4C50]  }
0x165: {  	v0 =	vadd.f32 v8, v0;
	v8 =	vld [tilespmem:s28+$0x4C60]  }
0x166: {  	v11 =	vld [tilespmem:s28+$0x5C00];
	v5 =	vadd.f32 v12, v5  }
0x167: {  	v12 =	vld [tilespmem:s28+$0x5C10];
	v4 =	vadd.f32 v10, v4  }
0x168: {  	v10 =	vld [tilespmem:s28+$0x5C20];
	v3 =	vadd.f32 v9, v3  }
0x169: {  	v9 =	vld [tilespmem:s28+$0x5C30];
	v6 =	vadd.f32 v7, v6  }
0x16a: {  	v7 =	vld [tilespmem:s28+$0x5C40];
	v2 =	vadd.f32 v8, v2  }
0x16b: {  	v1 =	vadd.f32 v11, v1;
	v8 =	vld [tilespmem:s28+$0x5C50]  }
0x16c: {  	v0 =	vadd.f32 v12, v0;
	v11 =	vld [tilespmem:s28+$0x5C60]  }
0x16d: {  	v12 =	vld [tilespmem:s28+$0x6C00];
	v5 =	vadd.f32 v10, v5  }
0x16e: {  	v10 =	vld [tilespmem:s28+$0x6C10];
	v4 =	vadd.f32 v9, v4  }
0x16f: {  	v9 =	vld [tilespmem:s28+$0x6C20];
	v3 =	vadd.f32 v7, v3  }
0x170: {  	v7 =	vld [tilespmem:s28+$0x6C30];
	v6 =	vadd.f32 v8, v6  }
0x171: {  	v8 =	vld [tilespmem:s28+$0x6C40];
	v2 =	vadd.f32 v11, v2  }
0x172: {  	v1 =	vadd.f32 v12, v1;
	v11 =	vld [tilespmem:s28+$0x6C50]  }
0x173: {  	v0 =	vadd.f32 v10, v0;
	v10 =	vld [tilespmem:s28+$0x6C60]  }
0x174: {  	v12 =	vld [tilespmem:s28+$0x7C00];
	v5 =	vadd.f32 v9, v5  }
0x175: {  	v9 =	vld [tilespmem:s28+$0x7C10];
	v4 =	vadd.f32 v7, v4  }
0x176: {  	v7 =	vld [tilespmem:s28+$0x7C20];
	v3 =	vadd.f32 v8, v3  }
0x177: {  	v8 =	vld [tilespmem:s28+$0x7C30];
	v6 =	vadd.f32 v11, v6  }
0x178: {  	v11 =	vld [tilespmem:s28+$0x7C40];
	v2 =	vadd.f32 v10, v2  }
0x179: {  	v1 =	vadd.f32 v12, v1;
	v10 =	vld [tilespmem:s28+$0x7C50]  }
0x17a: {  	v0 =	vadd.f32 v9, v0;
	v9 =	vld [tilespmem:s28+$0x7C60]  }
0x17b: {  	v12 =	vld [tilespmem:s28+$0x8C00];
	v5 =	vadd.f32 v7, v5  }
0x17c: {  	v7 =	vld [tilespmem:s28+$0x8C10];
	v4 =	vadd.f32 v8, v4  }
0x17d: {  	v8 =	vld [tilespmem:s28+$0x8C20];
	v3 =	vadd.f32 v11, v3  }
0x17e: {  	v11 =	vld [tilespmem:s28+$0x8C30];
	v6 =	vadd.f32 v10, v6  }
0x17f: {  	v10 =	vld [tilespmem:s28+$0x8C40];
	v2 =	vadd.f32 v9, v2  }
0x180: {  	v1 =	vadd.f32 v12, v1;
	v9 =	vld [tilespmem:s28+$0x8C50]  }
0x181: {  	v0 =	vadd.f32 v7, v0;
	v7 =	vld [tilespmem:s28+$0x8C60]  }
0x182: {  	v12 =	vld [tilespmem:s28+$0x9C00];
	v5 =	vadd.f32 v8, v5  }
0x183: {  	v8 =	vld [tilespmem:s28+$0x9C10];
	v4 =	vadd.f32 v11, v4  }
0x184: {  	v11 =	vld [tilespmem:s28+$0x9C20];
	v3 =	vadd.f32 v10, v3  }
0x185: {  	v10 =	vld [tilespmem:s28+$0x9C30];
	v6 =	vadd.f32 v9, v6  }
0x186: {  	v9 =	vld [tilespmem:s28+$0x9C40];
	v2 =	vadd.f32 v7, v2  }
0x187: {  	v1 =	vadd.f32 v12, v1;
	v7 =	vld [tilespmem:s28+$0x9C50]  }
0x188: {  	v0 =	vadd.f32 v8, v0;
	v8 =	vld [tilespmem:s28+$0x9C60]  }
0x189: {  	v12 =	vld [tilespmem:s28+$0xAC00];
	v5 =	vadd.f32 v11, v5  }
0x18a: {  	v11 =	vld [tilespmem:s28+$0xAC10];
	v4 =	vadd.f32 v10, v4  }
0x18b: {  	v10 =	vld [tilespmem:s28+$0xAC20];
	v3 =	vadd.f32 v9, v3  }
0x18c: {  	v9 =	vld [tilespmem:s28+$0xAC30];
	v6 =	vadd.f32 v7, v6  }
0x18d: {  	v7 =	vld [tilespmem:s28+$0xAC40];
	v2 =	vadd.f32 v8, v2  }
0x18e: {  	v1 =	vadd.f32 v12, v1;
	v8 =	vld [tilespmem:s28+$0xAC50]  }
0x18f: {  	v0 =	vadd.f32 v11, v0;
	v11 =	vld [tilespmem:s28+$0xAC60]  }
0x190: {  	v12 =	vld [tilespmem:s28+$0xBC00];
	v5 =	vadd.f32 v10, v5  }
0x191: {  	v10 =	vld [tilespmem:s28+$0xBC10];
	v4 =	vadd.f32 v9, v4  }
0x192: {  	v9 =	vld [tilespmem:s28+$0xBC20];
	v3 =	vadd.f32 v7, v3  }
0x193: {  	v7 =	vld [tilespmem:s28+$0xBC30];
	v6 =	vadd.f32 v8, v6  }
0x194: {  	v8 =	vld [tilespmem:s28+$0xBC40];
	v2 =	vadd.f32 v11, v2  }
0x195: {  	v1 =	vadd.f32 v12, v1;
	v11 =	vld [tilespmem:s28+$0xBC50]  }
0x196: {  	v0 =	vadd.f32 v10, v0;
	v10 =	vld [tilespmem:s28+$0xBC60]  }
0x197: {  	v12 =	vld [tilespmem:s28+$0xCC00];
	v5 =	vadd.f32 v9, v5  }
0x198: {  	v9 =	vld [tilespmem:s28+$0xCC10];
	v4 =	vadd.f32 v7, v4  }
0x199: {  	v7 =	vld [tilespmem:s28+$0xCC20];
	v3 =	vadd.f32 v8, v3  }
0x19a: {  	v8 =	vld [tilespmem:s28+$0xCC30];
	v6 =	vadd.f32 v11, v6  }
0x19b: {  	v11 =	vld [tilespmem:s28+$0xCC40];
	v2 =	vadd.f32 v10, v2  }
0x19c: {  	v1 =	vadd.f32 v12, v1;
	v10 =	vld [tilespmem:s28+$0xCC50]  }
0x19d: {  	v0 =	vadd.f32 v9, v0;
	v9 =	vld [tilespmem:s28+$0xCC60]  }
0x19e: {  	v12 =	vld [tilespmem:s28+$0xDC00];
	v5 =	vadd.f32 v7, v5  }
0x19f: {  	v7 =	vld [tilespmem:s28+$0xDC10];
	v4 =	vadd.f32 v8, v4  }
0x1a0: {  	v8 =	vld [tilespmem:s28+$0xDC20];
	v3 =	vadd.f32 v11, v3  }
0x1a1: {  	v11 =	vld [tilespmem:s28+$0xDC30];
	v6 =	vadd.f32 v10, v6  }
0x1a2: {  	v10 =	vld [tilespmem:s28+$0xDC40];
	v2 =	vadd.f32 v9, v2  }
0x1a3: {  	v1 =	vadd.f32 v12, v1;
	v9 =	vld [tilespmem:s28+$0xDC50]  }
0x1a4: {  	v0 =	vadd.f32 v7, v0;
	v7 =	vld [tilespmem:s28+$0xDC60]  }
0x1a5: {  	v12 =	vld [tilespmem:s28+$0xEC00];
	v5 =	vadd.f32 v8, v5  }
0x1a6: {  	v8 =	vld [tilespmem:s28+$0xEC10];
	v4 =	vadd.f32 v11, v4  }
0x1a7: {  	v11 =	vld [tilespmem:s28+$0xEC20];
	v3 =	vadd.f32 v10, v3  }
0x1a8: {  	v10 =	vld [tilespmem:s28+$0xEC30];
	v6 =	vadd.f32 v9, v6  }
0x1a9: {  	v9 =	vld [tilespmem:s28+$0xEC40];
	v2 =	vadd.f32 v7, v2  }
0x1aa: {  	v1 =	vadd.f32 v12, v1;
	v7 =	vld [tilespmem:s28+$0xEC50]  }
0x1ab: {  	v0 =	vadd.f32 v8, v0;
	v8 =	vld [tilespmem:s28+$0xEC60]  }
0x1ac: {  	v12 =	vld [tilespmem:s28+$0xFC00];
	v5 =	vadd.f32 v11, v5  }
0x1ad: {  	v11 =	vld [tilespmem:s28+$0xFC10];
	v4 =	vadd.f32 v10, v4  }
0x1ae: {  	v10 =	vld [tilespmem:s28+$0xFC20];
	v3 =	vadd.f32 v9, v3  }
0x1af: {  	v9 =	vld [tilespmem:s28+$0xFC30];
	v6 =	vadd.f32 v7, v6  }
0x1b0: {  	v7 =	vld [tilespmem:s28+$0xFC40];
	v2 =	vadd.f32 v8, v2  }
0x1b1: {  	v1 =	vadd.f32 v12, v1;
	v8 =	vld [tilespmem:s28+$0xFC50]  }
0x1b2: {  	v0 =	vadd.f32 v11, v0;
	v11 =	vld [tilespmem:s28+$0xFC60]  }
0x1b3: {  	v12 =	vld [tilespmem:s28+$0x10C00];
	v5 =	vadd.f32 v10, v5  }
0x1b4: {  	v10 =	vld [tilespmem:s28+$0x10C10];
	v4 =	vadd.f32 v9, v4  }
0x1b5: {  	v9 =	vld [tilespmem:s28+$0x10C20];
	v3 =	vadd.f32 v7, v3  }
0x1b6: {  	v7 =	vld [tilespmem:s28+$0x10C30];
	v6 =	vadd.f32 v8, v6  }
0x1b7: {  	v8 =	vld [tilespmem:s28+$0x10C40];
	v2 =	vadd.f32 v11, v2  }
0x1b8: {  	v1 =	vadd.f32 v12, v1;
	v11 =	vld [tilespmem:s28+$0x10C50]  }
0x1b9: {  	v0 =	vadd.f32 v10, v0;
	v10 =	vld [tilespmem:s28+$0x10C60]  }
0x1ba: {  	v12 =	vld [tilespmem:s28+$0x11C00];
	v5 =	vadd.f32 v9, v5  }
0x1bb: {  	v9 =	vld [tilespmem:s28+$0x11C10];
	v4 =	vadd.f32 v7, v4  }
0x1bc: {  	v7 =	vld [tilespmem:s28+$0x11C20];
	v3 =	vadd.f32 v8, v3  }
0x1bd: {  	v8 =	vld [tilespmem:s28+$0x11C30];
	v6 =	vadd.f32 v11, v6  }
0x1be: {  	v11 =	vld [tilespmem:s28+$0x11C40];
	v2 =	vadd.f32 v10, v2  }
0x1bf: {  	v1 =	vadd.f32 v12, v1;
	v10 =	vld [tilespmem:s28+$0x11C50]  }
0x1c0: {  	v0 =	vadd.f32 v9, v0;
	v9 =	vld [tilespmem:s28+$0x11C60]  }
0x1c1: {  	v12 =	vld [tilespmem:s28+$0x12C00];
	v5 =	vadd.f32 v7, v5  }
0x1c2: {  	v7 =	vld [tilespmem:s28+$0x12C10];
	v4 =	vadd.f32 v8, v4  }
0x1c3: {  	v8 =	vld [tilespmem:s28+$0x12C20];
	v3 =	vadd.f32 v11, v3  }
0x1c4: {  	v11 =	vld [tilespmem:s28+$0x12C30];
	v6 =	vadd.f32 v10, v6  }
0x1c5: {  	v10 =	vld [tilespmem:s28+$0x12C40];
	v2 =	vadd.f32 v9, v2  }
0x1c6: {  	v12 =	vadd.f32 v12, v1;
	v1 =	vld [tilespmem:s28+$0x12C50]  }
0x1c7: {  	v0 =	vadd.f32 v7, v0;
	v13 =	vld [tilespmem:s28+$0x12C60]  }
0x1c8: {  	v14 =	vld [tilespmem:s28+$0x13C00];
	v15 =	vadd.f32 v8, v5  }
0x1c9: {  	v5 =	vld [tilespmem:s28+$0x13C10];
	v7 =	vadd.f32 v11, v4  }
0x1ca: {  	v11 =	vld [tilespmem:s28+$0x13C20];
	v4 =	vadd.f32 v10, v3  }
.Ltmp0:
0x1cb: {  	v9 =	vld [tilespmem:s28+$0x13C30];
	v3 =	vadd.f32 v1, v6;
	(pc) =	sbr.rel @p0 .LBB2_3-.Ltmp0, $4  }
0x1cc: {  	v8 =	vld [tilespmem:s28+$0x13C40];
	v1 =	vadd.f32 v13, v2  }
0x1cd: {  	v12 =	vadd.f32 v14, v12;
	v6 =	vld [tilespmem:s28+$0x13C50]  }
0x1ce: {  	s30 =	sshra.s32 s29, $0x2;
	v10 =	vadd.f32 v5, v0;
	v5 =	vld [tilespmem:s28+$0x13C60]  }
0x1cf: {  	s29 =	sadd.s32 $0x200, s29;
	v2 =	vld [tilespmem:s30+$0xC70];
	v12 =	vmul.f32 $5.000000070e-02, v12;
	v11 =	vadd.f32 v11, v15  }
0x1d0: {  	v13 =	vld [tilespmem:s30+$0x1C70];
	v10 =	vmul.f32 $5.000000070e-02, v10;
	v7 =	vadd.f32 v9, v7  }
0x1d1: {  	v0 =	vld [tilespmem:s30+$0xC00];
	[tilespmem:s28+$0x14C00] =	vst v12;
	v44 =	vmul.f32 $5.000000070e-02, v11;
	v4 =	vadd.f32 v8, v4  }
0x1d2: {  	v12 =	vld [tilespmem:s30+$0x2C70];
	[tilespmem:s28+$0x14C10] =	vst v10;
	v7 =	vmul.f32 $5.000000070e-02, v7;
	v3 =	vadd.f32 v6, v3  }
0x1d3: {  	v10 =	vld [tilespmem:s30+$0x1C00];
	[tilespmem:s28+$0x14C20] =	vst v44;
	v4 =	vmul.f32 $5.000000070e-02, v4;
	v1 =	vadd.f32 v5, v1  }
0x1d4: {  	v45 =	vld [tilespmem:s30+$0x3C70];
	[tilespmem:s28+$0x14C30] =	vst v7;
	v3 =	vmul.f32 $5.000000070e-02, v3  }
0x1d5: {  	v46 =	vld [tilespmem:s30+$0xC10];
	[tilespmem:s28+$0x14C40] =	vst v4;
	v1 =	vmul.f32 $5.000000070e-02, v1  }
0x1d6: {  	v4 =	vld [tilespmem:s30+$0x4C70];
	[tilespmem:s28+$0x14C50] =	vst v3  }
0x1d7: {  	v3 =	vld [tilespmem:s30+$0x1C10];
	[tilespmem:s28+$0x14C60] =	vst v1  }
0x1d8: {  	v48 =	vld [tilespmem:s30+$0x5C70]  }
0x1d9: {  	v49 =	vld [tilespmem:s30+$0xC20]  }
0x1da: {  	v7 =	vld [tilespmem:s30+$0x6C70]  }
0x1db: {  	v50 =	vld [tilespmem:s30+$0x1C20]  }
0x1dc: {  	v51 =	vld [tilespmem:s30+$0x7C70]  }
0x1dd: {  	v52 =	vld [tilespmem:s30+$0xC30]  }
0x1de: {  	v53 =	vld [tilespmem:s30+$0x8C70]  }
0x1df: {  	v2 =	vadd.f32 v13, v2;
	v54 =	vld [tilespmem:s30+$0x1C30]  }
0x1e0: {  	v55 =	vld [tilespmem:s30+$0x9C70]  }
0x1e1: {  	v47 =	vadd.f32 v12, v2;
	v12 =	vld [tilespmem:s30+$0xC40]  }
0x1e2: {  	v56 =	vld [tilespmem:s30+$0xAC70]  }
0x1e3: {  	v13 =	vld [tilespmem:s30+$0x1C40]  }
0x1e4: {  	v57 =	vld [tilespmem:s30+$0xBC70]  }
0x1e5: {  	v14 =	vld [tilespmem:s30+$0xC50]  }
0x1e6: {  	v58 =	vld [tilespmem:s30+$0xCC70]  }
0x1e7: {  	v15 =	vld [tilespmem:s30+$0x1C50]  }
0x1e8: {  	v59 =	vld [tilespmem:s30+$0xDC70]  }
0x1e9: {  	v16 =	vld [tilespmem:s30+$0xC60];
	v1 =	vadd.f32 v45, v47  }
0x1ea: {  	v60 =	vld [tilespmem:s30+$0xEC70]  }
0x1eb: {  	v17 =	vld [tilespmem:s30+$0x1C60];
	v1 =	vadd.f32 v4, v1  }
0x1ec: {  	v61 =	vld [tilespmem:s30+$0xFC70]  }
0x1ed: {  	v18 =	vld [tilespmem:s30+$0x2C00];
	v1 =	vadd.f32 v48, v1  }
0x1ee: {  	v62 =	vld [tilespmem:s30+$0x10C70]  }
0x1ef: {  	v19 =	vld [tilespmem:s30+$0x2C10];
	v1 =	vadd.f32 v7, v1  }
0x1f0: {  	v63 =	vld [tilespmem:s30+$0x11C70]  }
0x1f1: {  	v20 =	vld [tilespmem:s30+$0x2C20];
	v1 =	vadd.f32 v51, v1  }
0x1f2: {  	v9 =	vld [tilespmem:s30+$0x12C70]  }
0x1f3: {  	v21 =	vld [tilespmem:s30+$0x2C30];
	v1 =	vadd.f32 v53, v1  }
0x1f4: {  	[tilespmem:$0x1FDB0] =	vst v10;
	v10 =	vld [tilespmem:s30+$0x13C70]  }
0x1f5: {  	v22 =	vld [tilespmem:s30+$0x2C40];
	v1 =	vadd.f32 v55, v1  }
0x1f6: {  	v5 =	vld [tilespmem:s30+$0x2C50]  }
0x1f7: {  	v23 =	vld [tilespmem:s30+$0x2C60];
	v1 =	vadd.f32 v56, v1  }
0x1f8: {  	v24 =	vld [tilespmem:s30+$0x3C10]  }
0x1f9: {  	v25 =	vld [tilespmem:s30+$0x3C30];
	v1 =	vadd.f32 v57, v1  }
0x1fa: {  	v26 =	vld [tilespmem:s30+$0x3C40]  }
0x1fb: {  	v27 =	vld [tilespmem:s30+$0x3C50];
	v1 =	vadd.f32 v58, v1  }
0x1fc: {  	v6 =	vld [tilespmem:s30+$0x3C60]  }
0x1fd: {  	v28 =	vld [tilespmem:s30+$0x4C00];
	v1 =	vadd.f32 v59, v1  }
0x1fe: {  	v29 =	vld [tilespmem:s30+$0x4C10]  }
0x1ff: {  	v30 =	vld [tilespmem:s30+$0x4C20];
	v1 =	vadd.f32 v60, v1  }
0x200: {  	v31 =	vld [tilespmem:s30+$0x4C30]  }
0x201: {  	v32 =	vld [tilespmem:s30+$0x4C40];
	v1 =	vadd.f32 v61, v1  }
0x202: {  	v33 =	vld [tilespmem:s30+$0x4C50]  }
0x203: {  	v34 =	vld [tilespmem:s30+$0x4C60];
	v1 =	vadd.f32 v62, v1  }
0x204: {  	v35 =	vld [tilespmem:s30+$0x5C00]  }
0x205: {  	v36 =	vld [tilespmem:s30+$0x5C10];
	v1 =	vadd.f32 v63, v1  }
0x206: {  	v37 =	vld [tilespmem:s30+$0x5C20]  }
0x207: {  	v38 =	vld [tilespmem:s30+$0x5C30];
	v1 =	vadd.f32 v9, v1  }
0x208: {  	v39 =	vld [tilespmem:s30+$0x5C40]  }
0x209: {  	v1 =	vadd.f32 v10, v1;
	v10 =	vld [tilespmem:s30+$0x9C50]  }
0x20a: {  	v40 =	vld [tilespmem:s30+$0x5C50]  }
0x20b: {  	v41 =	vld [tilespmem:s30+$0x5C60]  }
0x20c: {  	v42 =	vld [tilespmem:s30+$0x6C00]  }
0x20d: {  	v43 =	vld [tilespmem:s30+$0x6C10]  }
0x20e: {  	[tilespmem:$0x1FE30] =	vst v10;
	v10 =	vld [tilespmem:s30+$0x9C60]  }
0x20f: {  	v44 =	vld [tilespmem:s30+$0x6C20]  }
0x210: {  	v8 =	vld [tilespmem:s30+$0x9C10]  }
0x211: {  	v11 =	vld [tilespmem:s30+$0x9C30]  }
0x212: {  	v45 =	vld [tilespmem:s30+$0x6C30]  }
0x213: {  	[tilespmem:$0x1FE40] =	vst v10;
	v10 =	vld [tilespmem:s30+$0xAC00]  }
0x214: {  	v47 =	vld [tilespmem:s30+$0x6C50]  }
0x215: {  	[tilespmem:$0x1FDC0] =	vst v46;
	v46 =	vld [tilespmem:s30+$0x6C40]  }
0x216: {  	v4 =	vld [tilespmem:s30+$0x3C20]  }
0x217: {  	v48 =	vld [tilespmem:s30+$0x6C60]  }
0x218: {  	[tilespmem:$0x1FE50] =	vst v10;
	v10 =	vld [tilespmem:s30+$0xAC10]  }
0x219: {  	[tilespmem:$0x1FDE0] =	vst v49;
	v49 =	vld [tilespmem:s30+$0x7C00]  }
0x21a: {  	[tilespmem:$0x1FDF0] =	vst v50;
	v50 =	vld [tilespmem:s30+$0x7C10]  }
0x21b: {  	[tilespmem:$0x1FE00] =	vst v52;
	v52 =	vld [tilespmem:s30+$0x7C30]  }
0x21c: {  	[tilespmem:$0x1FE10] =	vst v54;
	v54 =	vld [tilespmem:s30+$0x7C50]  }
0x21d: {  	[tilespmem:$0x1FE60] =	vst v10;
	v10 =	vld [tilespmem:s30+$0xAC20]  }
0x21e: {  	[tilespmem:$0x1FE20] =	vst v11;
	v11 =	vld [tilespmem:s30+$0x9C40]  }
0x21f: {  	v12 =	vadd.f32 v13, v12;
	v13 =	vld [tilespmem:s30+$0xBC20];
	v14 =	vadd.f32 v15, v14  }
0x220: {  	v7 =	vld [tilespmem:s30+$0x3C00]  }
0x221: {  	v5 =	vadd.f32 v5, v14;
	v14 =	vld [tilespmem:s30+$0xBC60]  }
0x222: {  	[tilespmem:$0x1FE70] =	vst v10;
	v10 =	vld [tilespmem:s30+$0xAC30]  }
0x223: {  	v12 =	vadd.f32 v22, v12;
	v22 =	vld [tilespmem:s30+$0xCC60]  }
0x224: {  	v51 =	vld [tilespmem:s30+$0x7C20]  }
0x225: {  	v12 =	vadd.f32 v26, v12;
	v26 =	vld [tilespmem:s30+$0xDC30]  }
0x226: {  	v5 =	vadd.f32 v27, v5;
	v27 =	vld [tilespmem:s30+$0xDC40]  }
0x227: {  	[tilespmem:$0x1FE80] =	vst v10;
	v10 =	vld [tilespmem:s30+$0xAC40]  }
0x228: {  	v53 =	vld [tilespmem:s30+$0x7C40]  }
0x229: {  	v12 =	vadd.f32 v32, v12;
	v32 =	vld [tilespmem:s30+$0xEC20]  }
0x22a: {  	v5 =	vadd.f32 v33, v5;
	v33 =	vld [tilespmem:s30+$0xEC30]  }
0x22b: {  	v55 =	vld [tilespmem:s30+$0x7C60]  }
0x22c: {  	v12 =	vadd.f32 v39, v12;
	v5 =	vadd.f32 v40, v5;
	[tilespmem:$0x1FE90] =	vst v10;
	v10 =	vld [tilespmem:s30+$0xAC50]  }
0x22d: {  	v56 =	vld [tilespmem:s30+$0x8C00]  }
0x22e: {  	v12 =	vadd.f32 v46, v12;
	v5 =	vadd.f32 v47, v5;
	v47 =	vld [tilespmem:s30+$0xFC50]  }
0x22f: {  	v57 =	vld [tilespmem:s30+$0x8C10]  }
0x230: {  	v12 =	vadd.f32 v53, v12;
	v53 =	vld [tilespmem:s30+$0x10C00]  }
0x231: {  	[tilespmem:$0x1FEA0] =	vst v10;
	v10 =	vld [tilespmem:s30+$0xAC60]  }
0x232: {  	v58 =	vld [tilespmem:s30+$0x8C20]  }
0x233: {  	v60 =	vld [tilespmem:s30+$0x8C40]  }
0x234: {  	v59 =	vld [tilespmem:s30+$0x8C30]  }
0x235: {  	v61 =	vld [tilespmem:s30+$0x8C50]  }
0x236: {  	[tilespmem:$0x1FEB0] =	vst v10;
	v10 =	vld [tilespmem:$0x1FDB0]  }
0x237: {  	v62 =	vld [tilespmem:s30+$0x8C60]  }
0x238: {  	v5 =	vadd.f32 v54, v5;
	v12 =	vadd.f32 v60, v12;
	v60 =	vld [tilespmem:s30+$0x10C60]  }
0x239: {  	v63 =	vld [tilespmem:s30+$0x9C00]  }
0x23a: {  	v5 =	vadd.f32 v61, v5;
	v61 =	vld [tilespmem:s30+$0x11C00]  }
0x23b: {  	[tilespmem:$0x1FDD0] =	vst v3;
	v1 =	vmul.f32 $5.000000070e-02, v1;
	v3 =	vadd.f32 v10, v0;
	v10 =	vld [tilespmem:s30+$0xBC00]  }
0x23c: {  	v9 =	vld [tilespmem:s30+$0x9C20]  }
0x23d: {  	[tilespmem:s30+$0x14C70] =	vst v1;
	v1 =	vld [tilespmem:$0x1FDE0]  }
0x23e: {  	v46 =	vld [tilespmem:$0x1FE80];
	v3 =	vadd.f32 v18, v3  }
0x23f: {  	v0 =	vld [tilespmem:$0x1FDC0]  }
0x240: {  	v3 =	vadd.f32 v7, v3;
	[tilespmem:$0x1FEC0] =	vst v10;
	v10 =	vld [tilespmem:$0x1FDD0]  }
0x241: {  	v18 =	vld [tilespmem:s30+$0xBC50]  }
0x242: {  	v7 =	vld [tilespmem:s30+$0xCC00];
	v3 =	vadd.f32 v28, v3  }
0x243: {  	v28 =	vld [tilespmem:s30+$0xDC50]  }
0x244: {  	v3 =	vadd.f32 v35, v3;
	v35 =	vld [tilespmem:s30+$0xEC50]  }
0x245: {  	v0 =	vadd.f32 v10, v0;
	v10 =	vld [tilespmem:$0x1FDF0]  }
0x246: {  	v3 =	vadd.f32 v42, v3;
	v42 =	vld [tilespmem:$0x1FE40]  }
0x247: {  	v0 =	vadd.f32 v19, v0;
	v19 =	vld [tilespmem:s30+$0xCC20]  }
0x248: {  	v3 =	vadd.f32 v49, v3;
	v49 =	vld [tilespmem:$0x1FEA0]  }
0x249: {  	v0 =	vadd.f32 v24, v0;
	v24 =	vld [tilespmem:s30+$0xDC10]  }
0x24a: {  	v3 =	vadd.f32 v56, v3;
	v56 =	vld [tilespmem:s30+$0x10C20]  }
0x24b: {  	v2 =	vadd.f32 v10, v1;
	v10 =	vld [tilespmem:s30+$0xBC10]  }
0x24c: {  	v1 =	vld [tilespmem:$0x1FE00]  }
0x24d: {  	v0 =	vadd.f32 v29, v0;
	v29 =	vld [tilespmem:s30+$0xDC60];
	v3 =	vadd.f32 v63, v3  }
0x24e: {  	v63 =	vadd.f32 v11, v12;
	v11 =	vld [tilespmem:s30+$0xFC30];
	v2 =	vadd.f32 v20, v2  }
0x24f: {  	v12 =	vld [tilespmem:s30+$0xFC40]  }
0x250: {  	v2 =	vadd.f32 v4, v2;
	[tilespmem:$0x1FED0] =	vst v10;
	v10 =	vld [tilespmem:$0x1FE10]  }
0x251: {  	v20 =	vld [tilespmem:s30+$0xCC40];
	v0 =	vadd.f32 v36, v0  }
0x252: {  	v36 =	vld [tilespmem:s30+$0xEC60];
	v2 =	vadd.f32 v30, v2  }
0x253: {  	v4 =	vld [tilespmem:s30+$0xCC10];
	v0 =	vadd.f32 v43, v0  }
0x254: {  	v43 =	vld [tilespmem:$0x1FE50];
	v2 =	vadd.f32 v37, v2  }
0x255: {  	v30 =	vld [tilespmem:s30+$0xEC00];
	v0 =	vadd.f32 v50, v0;
	v1 =	vadd.f32 v10, v1  }
0x256: {  	v10 =	vadd.f32 v17, v16;
	v2 =	vadd.f32 v44, v2;
	v44 =	vld [tilespmem:$0x1FE60]  }
0x257: {  	v54 =	vld [tilespmem:$0x1FED0];
	v0 =	vadd.f32 v57, v0;
	v1 =	vadd.f32 v21, v1  }
0x258: {  	v50 =	vld [tilespmem:s30+$0xFC60];
	v15 =	vadd.f32 v23, v10  }
0x259: {  	v37 =	vld [tilespmem:s30+$0xFC00];
	v0 =	vadd.f32 v8, v0;
	v1 =	vadd.f32 v25, v1  }
0x25a: {  	v57 =	vld [tilespmem:s30+$0x10C30];
	v6 =	vadd.f32 v6, v15  }
0x25b: {  	v16 =	vld [tilespmem:s30+$0xBC30];
	v0 =	vadd.f32 v44, v0;
	v1 =	vadd.f32 v31, v1  }
0x25c: {  	v17 =	vld [tilespmem:s30+$0xBC40];
	v2 =	vadd.f32 v51, v2;
	v6 =	vadd.f32 v34, v6  }
0x25d: {  	v31 =	vld [tilespmem:s30+$0xEC10];
	v0 =	vadd.f32 v54, v0;
	v1 =	vadd.f32 v38, v1  }
0x25e: {  	v2 =	vadd.f32 v58, v2;
	v6 =	vadd.f32 v41, v6;
	v41 =	vld [tilespmem:$0x1FE30]  }
0x25f: {  	v0 =	vadd.f32 v4, v0;
	v1 =	vadd.f32 v45, v1;
	v45 =	vld [tilespmem:$0x1FE70]  }
0x260: {  	v3 =	vadd.f32 v43, v3;
	v6 =	vadd.f32 v48, v6;
	v48 =	vld [tilespmem:$0x1FE90]  }
0x261: {  	v8 =	vld [tilespmem:s30+$0xFC10];
	v2 =	vadd.f32 v9, v2;
	v0 =	vadd.f32 v24, v0  }
0x262: {  	v1 =	vadd.f32 v52, v1;
	v6 =	vadd.f32 v55, v6;
	v52 =	vld [tilespmem:$0x1FEC0]  }
0x263: {  	v51 =	vld [tilespmem:$0x1FEB0];
	v5 =	vadd.f32 v41, v5;
	v0 =	vadd.f32 v31, v0  }
0x264: {  	v55 =	vld [tilespmem:s30+$0x10C10];
	v1 =	vadd.f32 v59, v1;
	v6 =	vadd.f32 v62, v6  }
0x265: {  	v62 =	vld [tilespmem:$0x1FE20];
	v2 =	vadd.f32 v45, v2;
	v9 =	vadd.f32 v48, v63  }
0x266: {  	v43 =	vld [tilespmem:s30+$0x12C00];
	v5 =	vadd.f32 v49, v5;
	v0 =	vadd.f32 v8, v0  }
0x267: {  	v21 =	vld [tilespmem:s30+$0xCC50];
	v6 =	vadd.f32 v42, v6;
	v3 =	vadd.f32 v52, v3  }
0x268: {  	v23 =	vld [tilespmem:s30+$0xDC00];
	v2 =	vadd.f32 v13, v2;
	v9 =	vadd.f32 v17, v9  }
0x269: {  	v25 =	vld [tilespmem:s30+$0xDC20];
	v5 =	vadd.f32 v18, v5;
	v0 =	vadd.f32 v55, v0  }
0x26a: {  	v10 =	vld [tilespmem:s30+$0xFC20];
	v6 =	vadd.f32 v51, v6;
	v1 =	vadd.f32 v62, v1  }
0x26b: {  	v15 =	vld [tilespmem:s30+$0xCC30];
	v3 =	vadd.f32 v7, v3;
	v2 =	vadd.f32 v19, v2  }
0x26c: {  	v58 =	vld [tilespmem:s30+$0x10C40];
	v9 =	vadd.f32 v20, v9;
	v5 =	vadd.f32 v21, v5  }
0x26d: {  	v34 =	vld [tilespmem:s30+$0xEC40];
	v6 =	vadd.f32 v14, v6;
	v1 =	vadd.f32 v46, v1  }
0x26e: {  	v62 =	vld [tilespmem:s30+$0x11C10];
	v3 =	vadd.f32 v23, v3;
	v2 =	vadd.f32 v25, v2  }
0x26f: {  	v44 =	vld [tilespmem:s30+$0x12C10];
	v9 =	vadd.f32 v27, v9;
	v5 =	vadd.f32 v28, v5  }
0x270: {  	v54 =	vld [tilespmem:s30+$0x13C40];
	v6 =	vadd.f32 v22, v6;
	v1 =	vadd.f32 v16, v1  }
0x271: {  	v31 =	vld [tilespmem:s30+$0x11C40];
	v3 =	vadd.f32 v30, v3;
	v2 =	vadd.f32 v32, v2  }
0x272: {  	v41 =	vld [tilespmem:s30+$0x11C50];
	v9 =	vadd.f32 v34, v9;
	v5 =	vadd.f32 v35, v5  }
0x273: {  	v59 =	vld [tilespmem:s30+$0x10C50];
	v6 =	vadd.f32 v29, v6;
	v0 =	vadd.f32 v62, v0  }
0x274: {  	v63 =	vld [tilespmem:s30+$0x11C20];
	v1 =	vadd.f32 v15, v1;
	v3 =	vadd.f32 v37, v3  }
0x275: {  	v51 =	vld [tilespmem:s30+$0x13C10];
	v2 =	vadd.f32 v10, v2;
	v9 =	vadd.f32 v12, v9  }
0x276: {  	v45 =	vld [tilespmem:s30+$0x12C20];
	v5 =	vadd.f32 v47, v5;
	v6 =	vadd.f32 v36, v6  }
0x277: {  	v48 =	vld [tilespmem:s30+$0x12C50];
	v0 =	vadd.f32 v44, v0;
	v1 =	vadd.f32 v26, v1  }
0x278: {  	v49 =	vld [tilespmem:s30+$0x12C60];
	v3 =	vadd.f32 v53, v3;
	v2 =	vadd.f32 v56, v2  }
0x279: {  	v42 =	vld [tilespmem:s30+$0x11C60];
	v4 =	vadd.f32 v58, v9;
	v5 =	vadd.f32 v59, v5  }
0x27a: {  	v47 =	vld [tilespmem:s30+$0x12C40];
	v6 =	vadd.f32 v50, v6;
	v0 =	vadd.f32 v51, v0  }
0x27b: {  	v52 =	vld [tilespmem:s30+$0x13C20];
	v1 =	vadd.f32 v33, v1;
	v3 =	vadd.f32 v61, v3  }
0x27c: {  	v50 =	vld [tilespmem:s30+$0x13C00];
	v2 =	vadd.f32 v63, v2;
	v4 =	vadd.f32 v31, v4  }
0x27d: {  	v29 =	vld [tilespmem:s30+$0x11C30];
	v5 =	vadd.f32 v41, v5;
	v6 =	vadd.f32 v60, v6  }
0x27e: {  	v55 =	vld [tilespmem:s30+$0x13C50];
	v1 =	vadd.f32 v11, v1;
	v3 =	vadd.f32 v43, v3  }
0x27f: {  	v46 =	vld [tilespmem:s30+$0x12C30];
	v2 =	vadd.f32 v45, v2;
	v4 =	vadd.f32 v47, v4  }
0x280: {  	v56 =	vld [tilespmem:s30+$0x13C60];
	v5 =	vadd.f32 v48, v5;
	v1 =	vadd.f32 v57, v1  }
0x281: {  	v53 =	vld [tilespmem:s30+$0x13C30];
	v6 =	vadd.f32 v42, v6;
	v3 =	vadd.f32 v50, v3  }
0x282: {  	v0 =	vmul.f32 $5.000000070e-02, v0;
	v2 =	vadd.f32 v52, v2;
	v1 =	vadd.f32 v29, v1  }
0x283: {  	v57 =	vadd.f32 v54, v4;
	v6 =	vadd.f32 v49, v6;
	v3 =	vmul.f32 $5.000000070e-02, v3  }
0x284: {  	[tilespmem:s30+$0x14C10] =	vst v0;
	v59 =	vadd.f32 v55, v5;
	v2 =	vmul.f32 $5.000000070e-02, v2;
	v1 =	vadd.f32 v46, v1  }
0x285: {  	v60 =	vmul.f32 $5.000000070e-02, v57;
	v61 =	vadd.f32 v56, v6;
	[tilespmem:s30+$0x14C00] =	vst v3  }
0x286: {  	v62 =	vmul.f32 $5.000000070e-02, v59;
	[tilespmem:s30+$0x14C20] =	vst v2;
	v1 =	vadd.f32 v53, v1  }
0x287: {  	[tilespmem:s30+$0x14C40] =	vst v60;
	v63 =	vmul.f32 $5.000000070e-02, v61  }
0x288: {  	s29 =	sshll.u32 s26, $0x9;
	s26 =	sadd.s32 $0x1, s26;
	[tilespmem:s30+$0x14C50] =	vst v62;
	v58 =	vmul.f32 $5.000000070e-02, v1  }
0x289: {  	p0 =	sne.s32 s26, $0x4;
	[tilespmem:s30+$0x14C60] =	vst v63  }
.Ltmp1:
0x28a: {  	s28 =	sadd.s32 s29, s6;
	s29 =	simm.s32 $0x0;
	[tilespmem:s30+$0x14C30] =	vst v58;
	(pc) =	sbr.rel @p0 .LBB2_2-.Ltmp1, $4  }
0x28b: {  	[hbm4b:s28+s29] =	stream.linear.scatter [tilespmem:s25], [sflag:$0x2], $0x1000, $0x38;
	[tilespmem:$0x15C00] =	vst v63  }
0x28c: {  	_ =	swait.ge [sflag:s8], $0x1000  }
0x28d: {  	[sflag:s8] =	ssyncset.done $0x0  }
0x28e: {  	[sflag:s8] =	ssyncadd.s32 $0xFFFFF000  }
0x28f: {  	s28 =	rddreg [dreg:$0x5]  }
0x290: {  	s26 =	rddreg [dreg:$0x4];
	s28 =	sadd.s32 $0x1, s28  }
0x291: {  	p0 =	sne.s32 s28, s26  }
.Ltmp2:
0x292: {  	_ = 	snop;
	(pc) =	sbr.rel @p0 .LBB2_1-.Ltmp2, $1  }
0x293: {  	_ =	sdelay $0x3  }
0x294: {  	_ =	sfence.sel $0x180000  }
0x295: {  	[bflag:$0x0] =	sbarrier.arrive $0xFFFF  }
0x296: {  	_ =	strace $0x90000047  }
0x297: {  	s0 =	stileid.u32;
	[bflag:$0x2] =	sbarrier.arrive $0xFFFF  }
0x298: {  	p0 =	sne.s32 s0, $0x0;
	s0 =	rddreg [dreg:$0x3]  }
0x299: {  	s0 =	sadd.s32 @!p0 $0x100000, s0  }
0x29a: {  	[sflag:s0] =	ssyncadd.tile.s32 @!p0 $0x1;
	_ =	shalt  }
.Lfunc_end2:
_tile_overlayer_lowered:
.L_overlay_start_2:
0x29b: {  	(tag) =	ssettag $0x2  }
0x29c: {  	s0 =	rddreg [dreg:$0x0];
	s2 =	stileid.u32  }
0x29d: {  	s1 =	rddreg [dreg:$0x1];
	p0 =	sne.s32 s2, $0x0  }
0x29e: {  	s3 =	rddreg [dreg:$0x2];
	[bflag:$0x3] =	sbarrier.arrive $0xFFFF;
	s2 =	simm.s32 @!p0 $0x1C02  }
0x29f: {  	[timem:s3], [sflag:s2] =	dma.local @!p0 [hbm:s0], s1  }
0x2a0: {  	s0 =	simm.s32 @!p0 $0x2  }
0x2a1: {  	_ =	swait.ge @!p0 [sflag:s0], s1  }
0x2a2: {  	s1 =	ssub.s32 @!p0 $0x0, s1;
	[sflag:s0] =	ssyncset.done @!p0 $0x0  }
0x2a3: {  	[sflag:s0] =	ssyncadd.s32 @!p0 s1  }
0x2a4: {  	[bflag:$0x3] =	sbarrier.arrive $0xFFFF  }
0x2a5: {  	_ =	shalt  }

</sc_bundles>
